<compile_context>
chip_gen: v7x
topology: tpu7x:2x2x1
jax: 0.10.2.dev20260603
libtpu: 0.0.44.dev20260713+nightly
codegen_flags: <defaults>
</compile_context>

<pallas_src>
import functools

import jax
import jax.numpy as jnp
from jax import lax
from jax.experimental import pallas as pl
from jax.experimental.pallas import tpu as pltpu
from jax.experimental.pallas import tpu_sc as plsc

NUM_CLASSES = 80
D = 256
NC, NS = 2, 16
NW = NC * NS
BSZ, N = 1024, 300
NB = 64
NN = 150
NSLOT = 6
NGRP = NN // NSLOT
NREP = 64


def _worker(table_hbm, idx_hbm, out_hbm, idx_v, buf, gsems, wsems):
    wid = lax.axis_index("s") * NC + lax.axis_index("c")
    n0 = (wid // 16) * NN
    b0 = pl.multiple_of((wid % 16) * NB, 8)
    base = pl.multiple_of(((wid % 16) * N + n0) * NB, 8)
    pltpu.sync_copy(idx_hbm.at[pl.ds(base, NN * NB)], idx_v)

    def start(t, j):
        off = pl.multiple_of(t * NB, 8)
        pltpu.async_copy(
            table_hbm.at[idx_v.at[pl.ds(off, NB)]], buf.at[j], gsems[j])

    def wait_gather(j):
        pltpu.make_async_copy(
            table_hbm.at[idx_v.at[pl.ds(0, NB)]], buf.at[j], gsems[j]).wait()

    def write(t, j):
        pltpu.async_copy(
            buf.at[j], out_hbm.at[n0 + t, pl.ds(b0, NB)], wsems[j])

    def wait_write(t, j):
        pltpu.make_async_copy(
            buf.at[j], out_hbm.at[n0 + t, pl.ds(b0, NB)], wsems[j]).wait()

    for j in range(3):
        start(j, j)

    for j in range(NSLOT):
        wait_gather(j)
        write(j, j)
        if j < 3:
            start(j + 3, j + 3)
        else:
            wait_write(j - 3, j - 3)
            start(j + 3, j - 3)

    def outer(g, carry):
        t0 = 6 * g
        for j in range(NSLOT):
            wait_gather(j)
            write(t0 + j, j)
            if j < 3:
                wait_write(t0 + j - 3, j + 3)
                start(t0 + j + 3, j + 3)
            else:
                wait_write(t0 + j, j - 3)
                start(t0 + j + 3, j - 3)
        return carry

    lax.fori_loop(1, NGRP - 1, outer, 0)

    t0 = NN - NSLOT
    for j in range(NSLOT):
        wait_gather(j)
        write(t0 + j, j)
        if j < 3:
            wait_write(t0 + j - 3, j + 3)
            start(t0 + j + 3, j + 3)
    for j in range(NSLOT):
        wait_write(t0 + j, j)


_sc_gather = functools.partial(
    pl.kernel,
    out_type=jax.ShapeDtypeStruct((N, BSZ, D), jnp.float32),
    mesh=plsc.VectorSubcoreMesh(core_axis_name="c", subcore_axis_name="s"),
    scratch_types=[
        pltpu.VMEM((NN * NB,), jnp.int32),
        pltpu.VMEM((NSLOT, NB, D), jnp.float32),
        [pltpu.SemaphoreType.DMA] * NSLOT,
        [pltpu.SemaphoreType.DMA] * NSLOT,
    ],
)(_worker)


def kernel(labels, label_embed_table):
    nrows = label_embed_table.shape[0]
    ones = jnp.ones((nrows, 1), label_embed_table.dtype)
    table = jnp.concatenate([label_embed_table, ones], axis=-1)
    table_rep = jnp.tile(table, (NREP, 1))
    rot = (jnp.arange(BSZ, dtype=jnp.int32) % NREP) * nrows
    idx = labels.T + rot[None, :]
    idxr = jnp.transpose(idx.reshape(N, 16, NB), (1, 0, 2)).reshape(-1)
    out = _sc_gather(table_rep, idxr)
    return jnp.transpose(out, (1, 0, 2))

# --- scband reference (transcript-rebuilt; emitter-appended) ---
"""Pipeline reference for scband-generate-noise-queries-11081015623883 (READ-ONLY COPY).

The authoritative reference and input builder live on the scoring server;
editing this copy changes nothing except your own understanding.
"""

import jax, jax.numpy as jnp
import numpy as np

NUM_CLASSES = 80
LABEL_EMBED_DIM = 256


def setup_inputs(seed: int = 0) -> dict:
    key = jax.random.key(seed)
    k1, k2 = jax.random.split(key)
    labels = jax.random.randint(k1, (1024, 300), 0, NUM_CLASSES + 1, dtype=jnp.int64 if jax.config.jax_enable_x64 else jnp.int32).astype(jnp.int32)
    # learned embedding table: (num_classes + 1, label_embed_dim - 1)
    label_embed_table = jax.random.normal(k2, (NUM_CLASSES + 1, LABEL_EMBED_DIM - 1), dtype=jnp.float32)
    return {"labels": labels, "label_embed_table": label_embed_table}


def reference(labels, label_embed_table):
    # Faithful translation of GenerateNoiseQueries core forward path:
    # noise-label embedding lookup (label_noise_scale=0.0 -> no label flipping),
    # then concat an indicator bit to reach label_embed_dim channels (DN-DETR pattern).
    emb = jnp.take(label_embed_table, labels, axis=0)  # [B, N, label_embed_dim - 1]
    indicator = jnp.ones(emb.shape[:-1] + (1,), dtype=emb.dtype)
    noise_label_queries = jnp.concatenate([emb, indicator], axis=-1)  # [B, N, label_embed_dim]
    return noise_label_queries

if __name__ == "__main__":
    import jax
    _d = setup_inputs()
    print(jax.jit(kernel)(*tuple(_d.values())))

</pallas_src>

<mosaic_0001>
#map = affine_map<(d0, d1) -> (0, 0)>
#map1 = affine_map<(d0, d1) -> (0)>
#map2 = affine_map<(d0, d1) -> (0, 0, 0)>
module attributes {stable_mosaic.version = 14 : i64} {
  func.func @_worker(%arg0: i32, %arg1: i32, %arg2: memref<5184x256xf32, #tpu.memory_space<hbm>>, %arg3: memref<307200xi32, #tpu.memory_space<hbm>>, %arg4: memref<300x1024x256xf32, #tpu.memory_space<hbm>>, %arg5: memref<9600xi32, #tpu.memory_space<vmem>>, %arg6: memref<6x64x256xf32, #tpu.memory_space<vmem>>, %arg7: memref<!tpu.dma_semaphore, #tpu.memory_space<semaphore_mem>>, %arg8: memref<!tpu.dma_semaphore, #tpu.memory_space<semaphore_mem>>, %arg9: memref<!tpu.dma_semaphore, #tpu.memory_space<semaphore_mem>>, %arg10: memref<!tpu.dma_semaphore, #tpu.memory_space<semaphore_mem>>, %arg11: memref<!tpu.dma_semaphore, #tpu.memory_space<semaphore_mem>>, %arg12: memref<!tpu.dma_semaphore, #tpu.memory_space<semaphore_mem>>, %arg13: memref<!tpu.dma_semaphore, #tpu.memory_space<semaphore_mem>>, %arg14: memref<!tpu.dma_semaphore, #tpu.memory_space<semaphore_mem>>, %arg15: memref<!tpu.dma_semaphore, #tpu.memory_space<semaphore_mem>>, %arg16: memref<!tpu.dma_semaphore, #tpu.memory_space<semaphore_mem>>, %arg17: memref<!tpu.dma_semaphore, #tpu.memory_space<semaphore_mem>>, %arg18: memref<!tpu.dma_semaphore, #tpu.memory_space<semaphore_mem>>) attributes {dimension_semantics = [#tpu.dimension_semantics<core_parallel>, #tpu.dimension_semantics<subcore_parallel>], iteration_bounds = array<i64: 2, 16>, scalar_prefetch = 0 : i64, scratch_operands = 14 : i64, tpu.core_type = #tpu.core_type<sc_vector_subcore>, window_params = [{transform_indices = #map}, {transform_indices = #map1}, {transform_indices = #map2}]} {
    %mul3A = arith.constant 2 : i32
    %mul3A_0 = arith.muli %arg1, %mul3A : i32
    %add3A = arith.addi %mul3A_0, %arg0 : i32
    %jit3A = arith.constant 16 : i32
    %div3A = arith.divsi %add3A, %jit3A : i32
    %sign3A = arith.constant 0 : i32
    %sign3A_1 = arith.cmpi sgt, %add3A, %sign3A : i32
    %sign3A_2 = arith.extui %sign3A_1 : i1 to i32
    %sign3A_3 = arith.constant 0 : i32
    %sign3A_4 = arith.cmpi slt, %add3A, %sign3A_3 : i32
    %sign3A_5 = arith.extui %sign3A_4 : i1 to i32
    %sign3A_6 = arith.subi %sign3A_2, %sign3A_5 : i32
    %sign3A_7 = arith.constant 0 : i32
    %sign3A_8 = arith.cmpi sgt, %jit3A, %sign3A_7 : i32
    %sign3A_9 = arith.extui %sign3A_8 : i1 to i32
    %sign3A_10 = arith.constant 0 : i32
    %sign3A_11 = arith.cmpi slt, %jit3A, %sign3A_10 : i32
    %sign3A_12 = arith.extui %sign3A_11 : i1 to i32
    %sign3A_13 = arith.subi %sign3A_9, %sign3A_12 : i32
    %ne3A = arith.cmpi ne, %sign3A_6, %sign3A_13 : i32
    %rem3A = arith.remsi %add3A, %jit3A : i32
    %ne3A_14 = arith.constant 0 : i32
    %ne3A_15 = arith.cmpi ne, %rem3A, %ne3A_14 : i32
    %and3A = arith.andi %ne3A, %ne3A_15 : i1
    %sub3A = arith.constant 1 : i32
    %sub3A_16 = arith.subi %div3A, %sub3A : i32
    %select_n3A = arith.select %and3A, %sub3A_16, %div3A : i32
    %mul3A_17 = arith.constant 150 : i32
    %mul3A_18 = arith.muli %select_n3A, %mul3A_17 : i32
    %jit3A_19 = arith.constant 16 : i32
    %eq3A = arith.constant 0 : i32
    %eq3A_20 = arith.cmpi eq, %jit3A_19, %eq3A : i32
    %jit3A_21 = arith.constant 1 : i32
    %select_n3A_22 = arith.select %eq3A_20, %jit3A_21, %jit3A_19 : i32
    %rem3A_23 = arith.remsi %add3A, %select_n3A_22 : i32
    %ne3A_24 = arith.constant 0 : i32
    %ne3A_25 = arith.cmpi ne, %rem3A_23, %ne3A_24 : i32
    %lt3A = arith.constant 0 : i32
    %lt3A_26 = arith.cmpi slt, %rem3A_23, %lt3A : i32
    %lt3A_27 = arith.constant 0 : i32
    %lt3A_28 = arith.cmpi slt, %select_n3A_22, %lt3A_27 : i32
    %ne3A_29 = arith.xori %lt3A_26, %lt3A_28 : i1
    %and3A_30 = arith.andi %ne3A_29, %ne3A_25 : i1
    %add3A_31 = arith.addi %rem3A_23, %select_n3A_22 : i32
    %select_n3A_32 = arith.select %and3A_30, %add3A_31, %rem3A_23 : i32
    %mul3A_33 = arith.constant 64 : i32
    %mul3A_34 = arith.muli %select_n3A_32, %mul3A_33 : i32
    %multiple_of3A = tpu.assume_multiple %mul3A_34, 8 : i32
    %jit3A_35 = arith.constant 16 : i32
    %eq3A_36 = arith.constant 0 : i32
    %eq3A_37 = arith.cmpi eq, %jit3A_35, %eq3A_36 : i32
    %jit3A_38 = arith.constant 1 : i32
    %select_n3A_39 = arith.select %eq3A_37, %jit3A_38, %jit3A_35 : i32
    %rem3A_40 = arith.remsi %add3A, %select_n3A_39 : i32
    %ne3A_41 = arith.constant 0 : i32
    %ne3A_42 = arith.cmpi ne, %rem3A_40, %ne3A_41 : i32
    %lt3A_43 = arith.constant 0 : i32
    %lt3A_44 = arith.cmpi slt, %rem3A_40, %lt3A_43 : i32
    %lt3A_45 = arith.constant 0 : i32
    %lt3A_46 = arith.cmpi slt, %select_n3A_39, %lt3A_45 : i32
    %ne3A_47 = arith.xori %lt3A_44, %lt3A_46 : i1
    %and3A_48 = arith.andi %ne3A_47, %ne3A_42 : i1
    %add3A_49 = arith.addi %rem3A_40, %select_n3A_39 : i32
    %select_n3A_50 = arith.select %and3A_48, %add3A_49, %rem3A_40 : i32
    %mul3A_51 = arith.constant 300 : i32
    %mul3A_52 = arith.muli %select_n3A_50, %mul3A_51 : i32
    %add3A_53 = arith.addi %mul3A_52, %mul3A_18 : i32
    %mul3A_54 = arith.constant 64 : i32
    %mul3A_55 = arith.muli %add3A_53, %mul3A_54 : i32
    %multiple_of3A_56 = tpu.assume_multiple %mul3A_55, 8 : i32
    "tpu.region"() ({
      %run_scoped3A = tpu.sem_alloc : memref<!tpu.dma_semaphore, #tpu.memory_space<semaphore_mem>>
      %dma_start3A_720 = tpu.memref_slice %arg3[%multiple_of3A_56] : memref<307200xi32, #tpu.memory_space<hbm>> -> memref<9600xi32, #tpu.memory_space<hbm>>
      %dma_start3A_721 = tpu.memref_slice %arg3[%multiple_of3A_56] : memref<307200xi32, #tpu.memory_space<hbm>> -> memref<9600xi32, #tpu.memory_space<hbm>>
      tpu.enqueue_dma source(%dma_start3A_721 : memref<9600xi32, #tpu.memory_space<hbm>>) target(%arg5 : memref<9600xi32, #tpu.memory_space<vmem>>) target_semaphore(%run_scoped3A : memref<!tpu.dma_semaphore, #tpu.memory_space<semaphore_mem>>)
      %dma_wait3A_722 = tpu.memref_slice %arg3[%multiple_of3A_56] : memref<307200xi32, #tpu.memory_space<hbm>> -> memref<9600xi32, #tpu.memory_space<hbm>>
      %dma_wait3A_723 = tpu.memref_slice %arg3[%multiple_of3A_56] : memref<307200xi32, #tpu.memory_space<hbm>> -> memref<9600xi32, #tpu.memory_space<hbm>>
      tpu.wait_dma2 semaphore(%run_scoped3A : memref<!tpu.dma_semaphore, #tpu.memory_space<semaphore_mem>>) src(%dma_wait3A_723 : memref<9600xi32, #tpu.memory_space<hbm>>) dst(%arg5 : memref<9600xi32, #tpu.memory_space<vmem>>)
      tpu.yield
    }) : () -> ()
    %multiple_of3A_57 = arith.constant 0 : i32
    %multiple_of3A_58 = tpu.assume_multiple %multiple_of3A_57, 8 : i32
    %dma_start3A = arith.constant 0 : i32
    %dma_start3A_59 = arith.constant 0 : i32
    %dma_start3A_60 = arith.constant 0 : i32
    %dma_start3A_61 = tpu.memref_slice %arg6[%dma_start3A, %dma_start3A_59, %dma_start3A_60] : memref<6x64x256xf32, #tpu.memory_space<vmem>> -> memref<1x64x256xf32, #tpu.memory_space<vmem>>
    %dma_start3A_62 = tpu.memref_squeeze %dma_start3A_61 : memref<1x64x256xf32, #tpu.memory_space<vmem>> -> memref<64x256xf32, #tpu.memory_space<vmem>>
    %dma_start3A_63 = tpu.memref_slice %arg5[%multiple_of3A_58] : memref<9600xi32, #tpu.memory_space<vmem>> -> memref<64xi32, #tpu.memory_space<vmem>>
    %dma_start3A_64 = arith.constant 0 : i32
    %dma_start3A_65 = arith.constant 0 : i32
    %dma_start3A_66 = tpu.memref_slice %arg2[%dma_start3A_64, %dma_start3A_65] : memref<5184x256xf32, #tpu.memory_space<hbm>> -> memref<5184x256xf32, #tpu.memory_space<hbm>>
    tpu.enqueue_indirect_dma source(%dma_start3A_66 : memref<5184x256xf32, #tpu.memory_space<hbm>>) target(%dma_start3A_62 : memref<64x256xf32, #tpu.memory_space<vmem>>) offsets(%dma_start3A_63 : memref<64xi32, #tpu.memory_space<vmem>>) semaphore(%arg7 : memref<!tpu.dma_semaphore, #tpu.memory_space<semaphore_mem>>)
    %multiple_of3A_67 = arith.constant 64 : i32
    %multiple_of3A_68 = tpu.assume_multiple %multiple_of3A_67, 8 : i32
    %dma_start3A_69 = arith.constant 1 : i32
    %dma_start3A_70 = arith.constant 0 : i32
    %dma_start3A_71 = arith.constant 0 : i32
    %dma_start3A_72 = tpu.memref_slice %arg6[%dma_start3A_69, %dma_start3A_70, %dma_start3A_71] : memref<6x64x256xf32, #tpu.memory_space<vmem>> -> memref<1x64x256xf32, #tpu.memory_space<vmem>>
    %dma_start3A_73 = tpu.memref_squeeze %dma_start3A_72 : memref<1x64x256xf32, #tpu.memory_space<vmem>> -> memref<64x256xf32, #tpu.memory_space<vmem>>
    %dma_start3A_74 = tpu.memref_slice %arg5[%multiple_of3A_68] : memref<9600xi32, #tpu.memory_space<vmem>> -> memref<64xi32, #tpu.memory_space<vmem>>
    %dma_start3A_75 = arith.constant 0 : i32
    %dma_start3A_76 = arith.constant 0 : i32
    %dma_start3A_77 = tpu.memref_slice %arg2[%dma_start3A_75, %dma_start3A_76] : memref<5184x256xf32, #tpu.memory_space<hbm>> -> memref<5184x256xf32, #tpu.memory_space<hbm>>
    tpu.enqueue_indirect_dma source(%dma_start3A_77 : memref<5184x256xf32, #tpu.memory_space<hbm>>) target(%dma_start3A_73 : memref<64x256xf32, #tpu.memory_space<vmem>>) offsets(%dma_start3A_74 : memref<64xi32, #tpu.memory_space<vmem>>) semaphore(%arg8 : memref<!tpu.dma_semaphore, #tpu.memory_space<semaphore_mem>>)
    %multiple_of3A_78 = arith.constant 128 : i32
    %multiple_of3A_79 = tpu.assume_multiple %multiple_of3A_78, 8 : i32
    %dma_start3A_80 = arith.constant 2 : i32
    %dma_start3A_81 = arith.constant 0 : i32
    %dma_start3A_82 = arith.constant 0 : i32
    %dma_start3A_83 = tpu.memref_slice %arg6[%dma_start3A_80, %dma_start3A_81, %dma_start3A_82] : memref<6x64x256xf32, #tpu.memory_space<vmem>> -> memref<1x64x256xf32, #tpu.memory_space<vmem>>
    %dma_start3A_84 = tpu.memref_squeeze %dma_start3A_83 : memref<1x64x256xf32, #tpu.memory_space<vmem>> -> memref<64x256xf32, #tpu.memory_space<vmem>>
    %dma_start3A_85 = tpu.memref_slice %arg5[%multiple_of3A_79] : memref<9600xi32, #tpu.memory_space<vmem>> -> memref<64xi32, #tpu.memory_space<vmem>>
    %dma_start3A_86 = arith.constant 0 : i32
    %dma_start3A_87 = arith.constant 0 : i32
    %dma_start3A_88 = tpu.memref_slice %arg2[%dma_start3A_86, %dma_start3A_87] : memref<5184x256xf32, #tpu.memory_space<hbm>> -> memref<5184x256xf32, #tpu.memory_space<hbm>>
    tpu.enqueue_indirect_dma source(%dma_start3A_88 : memref<5184x256xf32, #tpu.memory_space<hbm>>) target(%dma_start3A_84 : memref<64x256xf32, #tpu.memory_space<vmem>>) offsets(%dma_start3A_85 : memref<64xi32, #tpu.memory_space<vmem>>) semaphore(%arg9 : memref<!tpu.dma_semaphore, #tpu.memory_space<semaphore_mem>>)
    %dma_wait3A = arith.constant 0 : i32
    %dma_wait3A_89 = arith.constant 0 : i32
    %dma_wait3A_90 = arith.constant 0 : i32
    %dma_wait3A_91 = tpu.memref_slice %arg6[%dma_wait3A, %dma_wait3A_89, %dma_wait3A_90] : memref<6x64x256xf32, #tpu.memory_space<vmem>> -> memref<1x64x256xf32, #tpu.memory_space<vmem>>
    %dma_wait3A_92 = tpu.memref_squeeze %dma_wait3A_91 : memref<1x64x256xf32, #tpu.memory_space<vmem>> -> memref<64x256xf32, #tpu.memory_space<vmem>>
    %dma_wait3A_93 = arith.constant 0 : i32
    %dma_wait3A_94 = tpu.memref_slice %arg5[%dma_wait3A_93] : memref<9600xi32, #tpu.memory_space<vmem>> -> memref<64xi32, #tpu.memory_space<vmem>>
    %dma_wait3A_95 = arith.constant 0 : i32
    %dma_wait3A_96 = arith.constant 0 : i32
    %dma_wait3A_97 = tpu.memref_slice %arg2[%dma_wait3A_95, %dma_wait3A_96] : memref<5184x256xf32, #tpu.memory_space<hbm>> -> memref<5184x256xf32, #tpu.memory_space<hbm>>
    tpu.wait_indirect_dma semaphore(%arg7 : memref<!tpu.dma_semaphore, #tpu.memory_space<semaphore_mem>>) src(%dma_wait3A_97 : memref<5184x256xf32, #tpu.memory_space<hbm>>) dst(%dma_wait3A_92 : memref<64x256xf32, #tpu.memory_space<vmem>>)
    %add3A_98 = arith.constant 0 : i32
    %add3A_99 = arith.addi %mul3A_18, %add3A_98 : i32
    %dma_start3A_100 = arith.constant 0 : i32
    %dma_start3A_101 = arith.constant 0 : i32
    %dma_start3A_102 = arith.constant 0 : i32
    %dma_start3A_103 = tpu.memref_slice %arg6[%dma_start3A_100, %dma_start3A_101, %dma_start3A_102] : memref<6x64x256xf32, #tpu.memory_space<vmem>> -> memref<1x64x256xf32, #tpu.memory_space<vmem>>
    %dma_start3A_104 = tpu.memref_squeeze %dma_start3A_103 : memref<1x64x256xf32, #tpu.memory_space<vmem>> -> memref<64x256xf32, #tpu.memory_space<vmem>>
    %dma_start3A_105 = arith.constant 0 : i32
    %dma_start3A_106 = tpu.memref_slice %arg4[%add3A_99, %multiple_of3A, %dma_start3A_105] : memref<300x1024x256xf32, #tpu.memory_space<hbm>> -> memref<1x64x256xf32, #tpu.memory_space<hbm>>
    %dma_start3A_107 = tpu.memref_squeeze %dma_start3A_106 : memref<1x64x256xf32, #tpu.memory_space<hbm>> -> memref<64x256xf32, #tpu.memory_space<hbm>>
    %dma_start3A_108 = arith.constant 0 : i32
    %dma_start3A_109 = tpu.memref_slice %arg4[%add3A_99, %multiple_of3A, %dma_start3A_108] : memref<300x1024x256xf32, #tpu.memory_space<hbm>> -> memref<1x64x256xf32, #tpu.memory_space<hbm>>
    %dma_start3A_110 = tpu.memref_squeeze %dma_start3A_109 : memref<1x64x256xf32, #tpu.memory_space<hbm>> -> memref<64x256xf32, #tpu.memory_space<hbm>>
    %dma_start3A_111 = arith.constant 0 : i32
    %dma_start3A_112 = arith.constant 0 : i32
    %dma_start3A_113 = tpu.memref_slice %arg6[%dma_start3A_100, %dma_start3A_111, %dma_start3A_112] : memref<6x64x256xf32, #tpu.memory_space<vmem>> -> memref<1x64x256xf32, #tpu.memory_space<vmem>>
    %dma_start3A_114 = tpu.memref_squeeze %dma_start3A_113 : memref<1x64x256xf32, #tpu.memory_space<vmem>> -> memref<64x256xf32, #tpu.memory_space<vmem>>
    tpu.enqueue_dma source(%dma_start3A_114 : memref<64x256xf32, #tpu.memory_space<vmem>>) target(%dma_start3A_110 : memref<64x256xf32, #tpu.memory_space<hbm>>) target_semaphore(%arg13 : memref<!tpu.dma_semaphore, #tpu.memory_space<semaphore_mem>>)
    %multiple_of3A_115 = arith.constant 192 : i32
    %multiple_of3A_116 = tpu.assume_multiple %multiple_of3A_115, 8 : i32
    %dma_start3A_117 = arith.constant 3 : i32
    %dma_start3A_118 = arith.constant 0 : i32
    %dma_start3A_119 = arith.constant 0 : i32
    %dma_start3A_120 = tpu.memref_slice %arg6[%dma_start3A_117, %dma_start3A_118, %dma_start3A_119] : memref<6x64x256xf32, #tpu.memory_space<vmem>> -> memref<1x64x256xf32, #tpu.memory_space<vmem>>
    %dma_start3A_121 = tpu.memref_squeeze %dma_start3A_120 : memref<1x64x256xf32, #tpu.memory_space<vmem>> -> memref<64x256xf32, #tpu.memory_space<vmem>>
    %dma_start3A_122 = tpu.memref_slice %arg5[%multiple_of3A_116] : memref<9600xi32, #tpu.memory_space<vmem>> -> memref<64xi32, #tpu.memory_space<vmem>>
    %dma_start3A_123 = arith.constant 0 : i32
    %dma_start3A_124 = arith.constant 0 : i32
    %dma_start3A_125 = tpu.memref_slice %arg2[%dma_start3A_123, %dma_start3A_124] : memref<5184x256xf32, #tpu.memory_space<hbm>> -> memref<5184x256xf32, #tpu.memory_space<hbm>>
    tpu.enqueue_indirect_dma source(%dma_start3A_125 : memref<5184x256xf32, #tpu.memory_space<hbm>>) target(%dma_start3A_121 : memref<64x256xf32, #tpu.memory_space<vmem>>) offsets(%dma_start3A_122 : memref<64xi32, #tpu.memory_space<vmem>>) semaphore(%arg10 : memref<!tpu.dma_semaphore, #tpu.memory_space<semaphore_mem>>)
    %dma_wait3A_126 = arith.constant 1 : i32
    %dma_wait3A_127 = arith.constant 0 : i32
    %dma_wait3A_128 = arith.constant 0 : i32
    %dma_wait3A_129 = tpu.memref_slice %arg6[%dma_wait3A_126, %dma_wait3A_127, %dma_wait3A_128] : memref<6x64x256xf32, #tpu.memory_space<vmem>> -> memref<1x64x256xf32, #tpu.memory_space<vmem>>
    %dma_wait3A_130 = tpu.memref_squeeze %dma_wait3A_129 : memref<1x64x256xf32, #tpu.memory_space<vmem>> -> memref<64x256xf32, #tpu.memory_space<vmem>>
    %dma_wait3A_131 = arith.constant 0 : i32
    %dma_wait3A_132 = tpu.memref_slice %arg5[%dma_wait3A_131] : memref<9600xi32, #tpu.memory_space<vmem>> -> memref<64xi32, #tpu.memory_space<vmem>>
    %dma_wait3A_133 = arith.constant 0 : i32
    %dma_wait3A_134 = arith.constant 0 : i32
    %dma_wait3A_135 = tpu.memref_slice %arg2[%dma_wait3A_133, %dma_wait3A_134] : memref<5184x256xf32, #tpu.memory_space<hbm>> -> memref<5184x256xf32, #tpu.memory_space<hbm>>
    tpu.wait_indirect_dma semaphore(%arg8 : memref<!tpu.dma_semaphore, #tpu.memory_space<semaphore_mem>>) src(%dma_wait3A_135 : memref<5184x256xf32, #tpu.memory_space<hbm>>) dst(%dma_wait3A_130 : memref<64x256xf32, #tpu.memory_space<vmem>>)
    %add3A_136 = arith.constant 1 : i32
    %add3A_137 = arith.addi %mul3A_18, %add3A_136 : i32
    %dma_start3A_138 = arith.constant 1 : i32
    %dma_start3A_139 = arith.constant 0 : i32
    %dma_start3A_140 = arith.constant 0 : i32
    %dma_start3A_141 = tpu.memref_slice %arg6[%dma_start3A_138, %dma_start3A_139, %dma_start3A_140] : memref<6x64x256xf32, #tpu.memory_space<vmem>> -> memref<1x64x256xf32, #tpu.memory_space<vmem>>
    %dma_start3A_142 = tpu.memref_squeeze %dma_start3A_141 : memref<1x64x256xf32, #tpu.memory_space<vmem>> -> memref<64x256xf32, #tpu.memory_space<vmem>>
    %dma_start3A_143 = arith.constant 0 : i32
    %dma_start3A_144 = tpu.memref_slice %arg4[%add3A_137, %multiple_of3A, %dma_start3A_143] : memref<300x1024x256xf32, #tpu.memory_space<hbm>> -> memref<1x64x256xf32, #tpu.memory_space<hbm>>
    %dma_start3A_145 = tpu.memref_squeeze %dma_start3A_144 : memref<1x64x256xf32, #tpu.memory_space<hbm>> -> memref<64x256xf32, #tpu.memory_space<hbm>>
    %dma_start3A_146 = arith.constant 0 : i32
    %dma_start3A_147 = tpu.memref_slice %arg4[%add3A_137, %multiple_of3A, %dma_start3A_146] : memref<300x1024x256xf32, #tpu.memory_space<hbm>> -> memref<1x64x256xf32, #tpu.memory_space<hbm>>
    %dma_start3A_148 = tpu.memref_squeeze %dma_start3A_147 : memref<1x64x256xf32, #tpu.memory_space<hbm>> -> memref<64x256xf32, #tpu.memory_space<hbm>>
    %dma_start3A_149 = arith.constant 0 : i32
    %dma_start3A_150 = arith.constant 0 : i32
    %dma_start3A_151 = tpu.memref_slice %arg6[%dma_start3A_138, %dma_start3A_149, %dma_start3A_150] : memref<6x64x256xf32, #tpu.memory_space<vmem>> -> memref<1x64x256xf32, #tpu.memory_space<vmem>>
    %dma_start3A_152 = tpu.memref_squeeze %dma_start3A_151 : memref<1x64x256xf32, #tpu.memory_space<vmem>> -> memref<64x256xf32, #tpu.memory_space<vmem>>
    tpu.enqueue_dma source(%dma_start3A_152 : memref<64x256xf32, #tpu.memory_space<vmem>>) target(%dma_start3A_148 : memref<64x256xf32, #tpu.memory_space<hbm>>) target_semaphore(%arg14 : memref<!tpu.dma_semaphore, #tpu.memory_space<semaphore_mem>>)
    %multiple_of3A_153 = arith.constant 256 : i32
    %multiple_of3A_154 = tpu.assume_multiple %multiple_of3A_153, 8 : i32
    %dma_start3A_155 = arith.constant 4 : i32
    %dma_start3A_156 = arith.constant 0 : i32
    %dma_start3A_157 = arith.constant 0 : i32
    %dma_start3A_158 = tpu.memref_slice %arg6[%dma_start3A_155, %dma_start3A_156, %dma_start3A_157] : memref<6x64x256xf32, #tpu.memory_space<vmem>> -> memref<1x64x256xf32, #tpu.memory_space<vmem>>
    %dma_start3A_159 = tpu.memref_squeeze %dma_start3A_158 : memref<1x64x256xf32, #tpu.memory_space<vmem>> -> memref<64x256xf32, #tpu.memory_space<vmem>>
    %dma_start3A_160 = tpu.memref_slice %arg5[%multiple_of3A_154] : memref<9600xi32, #tpu.memory_space<vmem>> -> memref<64xi32, #tpu.memory_space<vmem>>
    %dma_start3A_161 = arith.constant 0 : i32
    %dma_start3A_162 = arith.constant 0 : i32
    %dma_start3A_163 = tpu.memref_slice %arg2[%dma_start3A_161, %dma_start3A_162] : memref<5184x256xf32, #tpu.memory_space<hbm>> -> memref<5184x256xf32, #tpu.memory_space<hbm>>
    tpu.enqueue_indirect_dma source(%dma_start3A_163 : memref<5184x256xf32, #tpu.memory_space<hbm>>) target(%dma_start3A_159 : memref<64x256xf32, #tpu.memory_space<vmem>>) offsets(%dma_start3A_160 : memref<64xi32, #tpu.memory_space<vmem>>) semaphore(%arg11 : memref<!tpu.dma_semaphore, #tpu.memory_space<semaphore_mem>>)
    %dma_wait3A_164 = arith.constant 2 : i32
    %dma_wait3A_165 = arith.constant 0 : i32
    %dma_wait3A_166 = arith.constant 0 : i32
    %dma_wait3A_167 = tpu.memref_slice %arg6[%dma_wait3A_164, %dma_wait3A_165, %dma_wait3A_166] : memref<6x64x256xf32, #tpu.memory_space<vmem>> -> memref<1x64x256xf32, #tpu.memory_space<vmem>>
    %dma_wait3A_168 = tpu.memref_squeeze %dma_wait3A_167 : memref<1x64x256xf32, #tpu.memory_space<vmem>> -> memref<64x256xf32, #tpu.memory_space<vmem>>
    %dma_wait3A_169 = arith.constant 0 : i32
    %dma_wait3A_170 = tpu.memref_slice %arg5[%dma_wait3A_169] : memref<9600xi32, #tpu.memory_space<vmem>> -> memref<64xi32, #tpu.memory_space<vmem>>
    %dma_wait3A_171 = arith.constant 0 : i32
    %dma_wait3A_172 = arith.constant 0 : i32
    %dma_wait3A_173 = tpu.memref_slice %arg2[%dma_wait3A_171, %dma_wait3A_172] : memref<5184x256xf32, #tpu.memory_space<hbm>> -> memref<5184x256xf32, #tpu.memory_space<hbm>>
    tpu.wait_indirect_dma semaphore(%arg9 : memref<!tpu.dma_semaphore, #tpu.memory_space<semaphore_mem>>) src(%dma_wait3A_173 : memref<5184x256xf32, #tpu.memory_space<hbm>>) dst(%dma_wait3A_168 : memref<64x256xf32, #tpu.memory_space<vmem>>)
    %add3A_174 = arith.constant 2 : i32
    %add3A_175 = arith.addi %mul3A_18, %add3A_174 : i32
    %dma_start3A_176 = arith.constant 2 : i32
    %dma_start3A_177 = arith.constant 0 : i32
    %dma_start3A_178 = arith.constant 0 : i32
    %dma_start3A_179 = tpu.memref_slice %arg6[%dma_start3A_176, %dma_start3A_177, %dma_start3A_178] : memref<6x64x256xf32, #tpu.memory_space<vmem>> -> memref<1x64x256xf32, #tpu.memory_space<vmem>>
    %dma_start3A_180 = tpu.memref_squeeze %dma_start3A_179 : memref<1x64x256xf32, #tpu.memory_space<vmem>> -> memref<64x256xf32, #tpu.memory_space<vmem>>
    %dma_start3A_181 = arith.constant 0 : i32
    %dma_start3A_182 = tpu.memref_slice %arg4[%add3A_175, %multiple_of3A, %dma_start3A_181] : memref<300x1024x256xf32, #tpu.memory_space<hbm>> -> memref<1x64x256xf32, #tpu.memory_space<hbm>>
    %dma_start3A_183 = tpu.memref_squeeze %dma_start3A_182 : memref<1x64x256xf32, #tpu.memory_space<hbm>> -> memref<64x256xf32, #tpu.memory_space<hbm>>
    %dma_start3A_184 = arith.constant 0 : i32
    %dma_start3A_185 = tpu.memref_slice %arg4[%add3A_175, %multiple_of3A, %dma_start3A_184] : memref<300x1024x256xf32, #tpu.memory_space<hbm>> -> memref<1x64x256xf32, #tpu.memory_space<hbm>>
    %dma_start3A_186 = tpu.memref_squeeze %dma_start3A_185 : memref<1x64x256xf32, #tpu.memory_space<hbm>> -> memref<64x256xf32, #tpu.memory_space<hbm>>
    %dma_start3A_187 = arith.constant 0 : i32
    %dma_start3A_188 = arith.constant 0 : i32
    %dma_start3A_189 = tpu.memref_slice %arg6[%dma_start3A_176, %dma_start3A_187, %dma_start3A_188] : memref<6x64x256xf32, #tpu.memory_space<vmem>> -> memref<1x64x256xf32, #tpu.memory_space<vmem>>
    %dma_start3A_190 = tpu.memref_squeeze %dma_start3A_189 : memref<1x64x256xf32, #tpu.memory_space<vmem>> -> memref<64x256xf32, #tpu.memory_space<vmem>>
    tpu.enqueue_dma source(%dma_start3A_190 : memref<64x256xf32, #tpu.memory_space<vmem>>) target(%dma_start3A_186 : memref<64x256xf32, #tpu.memory_space<hbm>>) target_semaphore(%arg15 : memref<!tpu.dma_semaphore, #tpu.memory_space<semaphore_mem>>)
    %multiple_of3A_191 = arith.constant 320 : i32
    %multiple_of3A_192 = tpu.assume_multiple %multiple_of3A_191, 8 : i32
    %dma_start3A_193 = arith.constant 5 : i32
    %dma_start3A_194 = arith.constant 0 : i32
    %dma_start3A_195 = arith.constant 0 : i32
    %dma_start3A_196 = tpu.memref_slice %arg6[%dma_start3A_193, %dma_start3A_194, %dma_start3A_195] : memref<6x64x256xf32, #tpu.memory_space<vmem>> -> memref<1x64x256xf32, #tpu.memory_space<vmem>>
    %dma_start3A_197 = tpu.memref_squeeze %dma_start3A_196 : memref<1x64x256xf32, #tpu.memory_space<vmem>> -> memref<64x256xf32, #tpu.memory_space<vmem>>
    %dma_start3A_198 = tpu.memref_slice %arg5[%multiple_of3A_192] : memref<9600xi32, #tpu.memory_space<vmem>> -> memref<64xi32, #tpu.memory_space<vmem>>
    %dma_start3A_199 = arith.constant 0 : i32
    %dma_start3A_200 = arith.constant 0 : i32
    %dma_start3A_201 = tpu.memref_slice %arg2[%dma_start3A_199, %dma_start3A_200] : memref<5184x256xf32, #tpu.memory_space<hbm>> -> memref<5184x256xf32, #tpu.memory_space<hbm>>
    tpu.enqueue_indirect_dma source(%dma_start3A_201 : memref<5184x256xf32, #tpu.memory_space<hbm>>) target(%dma_start3A_197 : memref<64x256xf32, #tpu.memory_space<vmem>>) offsets(%dma_start3A_198 : memref<64xi32, #tpu.memory_space<vmem>>) semaphore(%arg12 : memref<!tpu.dma_semaphore, #tpu.memory_space<semaphore_mem>>)
    %dma_wait3A_202 = arith.constant 3 : i32
    %dma_wait3A_203 = arith.constant 0 : i32
    %dma_wait3A_204 = arith.constant 0 : i32
    %dma_wait3A_205 = tpu.memref_slice %arg6[%dma_wait3A_202, %dma_wait3A_203, %dma_wait3A_204] : memref<6x64x256xf32, #tpu.memory_space<vmem>> -> memref<1x64x256xf32, #tpu.memory_space<vmem>>
    %dma_wait3A_206 = tpu.memref_squeeze %dma_wait3A_205 : memref<1x64x256xf32, #tpu.memory_space<vmem>> -> memref<64x256xf32, #tpu.memory_space<vmem>>
    %dma_wait3A_207 = arith.constant 0 : i32
    %dma_wait3A_208 = tpu.memref_slice %arg5[%dma_wait3A_207] : memref<9600xi32, #tpu.memory_space<vmem>> -> memref<64xi32, #tpu.memory_space<vmem>>
    %dma_wait3A_209 = arith.constant 0 : i32
    %dma_wait3A_210 = arith.constant 0 : i32
    %dma_wait3A_211 = tpu.memref_slice %arg2[%dma_wait3A_209, %dma_wait3A_210] : memref<5184x256xf32, #tpu.memory_space<hbm>> -> memref<5184x256xf32, #tpu.memory_space<hbm>>
    tpu.wait_indirect_dma semaphore(%arg10 : memref<!tpu.dma_semaphore, #tpu.memory_space<semaphore_mem>>) src(%dma_wait3A_211 : memref<5184x256xf32, #tpu.memory_space<hbm>>) dst(%dma_wait3A_206 : memref<64x256xf32, #tpu.memory_space<vmem>>)
    %add3A_212 = arith.constant 3 : i32
    %add3A_213 = arith.addi %mul3A_18, %add3A_212 : i32
    %dma_start3A_214 = arith.constant 3 : i32
    %dma_start3A_215 = arith.constant 0 : i32
    %dma_start3A_216 = arith.constant 0 : i32
    %dma_start3A_217 = tpu.memref_slice %arg6[%dma_start3A_214, %dma_start3A_215, %dma_start3A_216] : memref<6x64x256xf32, #tpu.memory_space<vmem>> -> memref<1x64x256xf32, #tpu.memory_space<vmem>>
    %dma_start3A_218 = tpu.memref_squeeze %dma_start3A_217 : memref<1x64x256xf32, #tpu.memory_space<vmem>> -> memref<64x256xf32, #tpu.memory_space<vmem>>
    %dma_start3A_219 = arith.constant 0 : i32
    %dma_start3A_220 = tpu.memref_slice %arg4[%add3A_213, %multiple_of3A, %dma_start3A_219] : memref<300x1024x256xf32, #tpu.memory_space<hbm>> -> memref<1x64x256xf32, #tpu.memory_space<hbm>>
    %dma_start3A_221 = tpu.memref_squeeze %dma_start3A_220 : memref<1x64x256xf32, #tpu.memory_space<hbm>> -> memref<64x256xf32, #tpu.memory_space<hbm>>
    %dma_start3A_222 = arith.constant 0 : i32
    %dma_start3A_223 = tpu.memref_slice %arg4[%add3A_213, %multiple_of3A, %dma_start3A_222] : memref<300x1024x256xf32, #tpu.memory_space<hbm>> -> memref<1x64x256xf32, #tpu.memory_space<hbm>>
    %dma_start3A_224 = tpu.memref_squeeze %dma_start3A_223 : memref<1x64x256xf32, #tpu.memory_space<hbm>> -> memref<64x256xf32, #tpu.memory_space<hbm>>
    %dma_start3A_225 = arith.constant 0 : i32
    %dma_start3A_226 = arith.constant 0 : i32
    %dma_start3A_227 = tpu.memref_slice %arg6[%dma_start3A_214, %dma_start3A_225, %dma_start3A_226] : memref<6x64x256xf32, #tpu.memory_space<vmem>> -> memref<1x64x256xf32, #tpu.memory_space<vmem>>
    %dma_start3A_228 = tpu.memref_squeeze %dma_start3A_227 : memref<1x64x256xf32, #tpu.memory_space<vmem>> -> memref<64x256xf32, #tpu.memory_space<vmem>>
    tpu.enqueue_dma source(%dma_start3A_228 : memref<64x256xf32, #tpu.memory_space<vmem>>) target(%dma_start3A_224 : memref<64x256xf32, #tpu.memory_space<hbm>>) target_semaphore(%arg16 : memref<!tpu.dma_semaphore, #tpu.memory_space<semaphore_mem>>)
    %add3A_229 = arith.constant 0 : i32
    %add3A_230 = arith.addi %mul3A_18, %add3A_229 : i32
    %dma_wait3A_231 = arith.constant 0 : i32
    %dma_wait3A_232 = arith.constant 0 : i32
    %dma_wait3A_233 = arith.constant 0 : i32
    %dma_wait3A_234 = tpu.memref_slice %arg6[%dma_wait3A_231, %dma_wait3A_232, %dma_wait3A_233] : memref<6x64x256xf32, #tpu.memory_space<vmem>> -> memref<1x64x256xf32, #tpu.memory_space<vmem>>
    %dma_wait3A_235 = tpu.memref_squeeze %dma_wait3A_234 : memref<1x64x256xf32, #tpu.memory_space<vmem>> -> memref<64x256xf32, #tpu.memory_space<vmem>>
    %dma_wait3A_236 = arith.constant 0 : i32
    %dma_wait3A_237 = tpu.memref_slice %arg4[%add3A_230, %multiple_of3A, %dma_wait3A_236] : memref<300x1024x256xf32, #tpu.memory_space<hbm>> -> memref<1x64x256xf32, #tpu.memory_space<hbm>>
    %dma_wait3A_238 = tpu.memref_squeeze %dma_wait3A_237 : memref<1x64x256xf32, #tpu.memory_space<hbm>> -> memref<64x256xf32, #tpu.memory_space<hbm>>
    %dma_wait3A_239 = arith.constant 0 : i32
    %dma_wait3A_240 = tpu.memref_slice %arg4[%add3A_230, %multiple_of3A, %dma_wait3A_239] : memref<300x1024x256xf32, #tpu.memory_space<hbm>> -> memref<1x64x256xf32, #tpu.memory_space<hbm>>
    %dma_wait3A_241 = tpu.memref_squeeze %dma_wait3A_240 : memref<1x64x256xf32, #tpu.memory_space<hbm>> -> memref<64x256xf32, #tpu.memory_space<hbm>>
    %dma_wait3A_242 = arith.constant 0 : i32
    %dma_wait3A_243 = arith.constant 0 : i32
    %dma_wait3A_244 = tpu.memref_slice %arg6[%dma_wait3A_231, %dma_wait3A_242, %dma_wait3A_243] : memref<6x64x256xf32, #tpu.memory_space<vmem>> -> memref<1x64x256xf32, #tpu.memory_space<vmem>>
    %dma_wait3A_245 = tpu.memref_squeeze %dma_wait3A_244 : memref<1x64x256xf32, #tpu.memory_space<vmem>> -> memref<64x256xf32, #tpu.memory_space<vmem>>
    tpu.wait_dma2 semaphore(%arg13 : memref<!tpu.dma_semaphore, #tpu.memory_space<semaphore_mem>>) src(%dma_wait3A_245 : memref<64x256xf32, #tpu.memory_space<vmem>>) dst(%dma_wait3A_241 : memref<64x256xf32, #tpu.memory_space<hbm>>)
    %multiple_of3A_246 = arith.constant 384 : i32
    %multiple_of3A_247 = tpu.assume_multiple %multiple_of3A_246, 8 : i32
    %dma_start3A_248 = arith.constant 0 : i32
    %dma_start3A_249 = arith.constant 0 : i32
    %dma_start3A_250 = arith.constant 0 : i32
    %dma_start3A_251 = tpu.memref_slice %arg6[%dma_start3A_248, %dma_start3A_249, %dma_start3A_250] : memref<6x64x256xf32, #tpu.memory_space<vmem>> -> memref<1x64x256xf32, #tpu.memory_space<vmem>>
    %dma_start3A_252 = tpu.memref_squeeze %dma_start3A_251 : memref<1x64x256xf32, #tpu.memory_space<vmem>> -> memref<64x256xf32, #tpu.memory_space<vmem>>
    %dma_start3A_253 = tpu.memref_slice %arg5[%multiple_of3A_247] : memref<9600xi32, #tpu.memory_space<vmem>> -> memref<64xi32, #tpu.memory_space<vmem>>
    %dma_start3A_254 = arith.constant 0 : i32
    %dma_start3A_255 = arith.constant 0 : i32
    %dma_start3A_256 = tpu.memref_slice %arg2[%dma_start3A_254, %dma_start3A_255] : memref<5184x256xf32, #tpu.memory_space<hbm>> -> memref<5184x256xf32, #tpu.memory_space<hbm>>
    tpu.enqueue_indirect_dma source(%dma_start3A_256 : memref<5184x256xf32, #tpu.memory_space<hbm>>) target(%dma_start3A_252 : memref<64x256xf32, #tpu.memory_space<vmem>>) offsets(%dma_start3A_253 : memref<64xi32, #tpu.memory_space<vmem>>) semaphore(%arg7 : memref<!tpu.dma_semaphore, #tpu.memory_space<semaphore_mem>>)
    %dma_wait3A_257 = arith.constant 4 : i32
    %dma_wait3A_258 = arith.constant 0 : i32
    %dma_wait3A_259 = arith.constant 0 : i32
    %dma_wait3A_260 = tpu.memref_slice %arg6[%dma_wait3A_257, %dma_wait3A_258, %dma_wait3A_259] : memref<6x64x256xf32, #tpu.memory_space<vmem>> -> memref<1x64x256xf32, #tpu.memory_space<vmem>>
    %dma_wait3A_261 = tpu.memref_squeeze %dma_wait3A_260 : memref<1x64x256xf32, #tpu.memory_space<vmem>> -> memref<64x256xf32, #tpu.memory_space<vmem>>
    %dma_wait3A_262 = arith.constant 0 : i32
    %dma_wait3A_263 = tpu.memref_slice %arg5[%dma_wait3A_262] : memref<9600xi32, #tpu.memory_space<vmem>> -> memref<64xi32, #tpu.memory_space<vmem>>
    %dma_wait3A_264 = arith.constant 0 : i32
    %dma_wait3A_265 = arith.constant 0 : i32
    %dma_wait3A_266 = tpu.memref_slice %arg2[%dma_wait3A_264, %dma_wait3A_265] : memref<5184x256xf32, #tpu.memory_space<hbm>> -> memref<5184x256xf32, #tpu.memory_space<hbm>>
    tpu.wait_indirect_dma semaphore(%arg11 : memref<!tpu.dma_semaphore, #tpu.memory_space<semaphore_mem>>) src(%dma_wait3A_266 : memref<5184x256xf32, #tpu.memory_space<hbm>>) dst(%dma_wait3A_261 : memref<64x256xf32, #tpu.memory_space<vmem>>)
    %add3A_267 = arith.constant 4 : i32
    %add3A_268 = arith.addi %mul3A_18, %add3A_267 : i32
    %dma_start3A_269 = arith.constant 4 : i32
    %dma_start3A_270 = arith.constant 0 : i32
    %dma_start3A_271 = arith.constant 0 : i32
    %dma_start3A_272 = tpu.memref_slice %arg6[%dma_start3A_269, %dma_start3A_270, %dma_start3A_271] : memref<6x64x256xf32, #tpu.memory_space<vmem>> -> memref<1x64x256xf32, #tpu.memory_space<vmem>>
    %dma_start3A_273 = tpu.memref_squeeze %dma_start3A_272 : memref<1x64x256xf32, #tpu.memory_space<vmem>> -> memref<64x256xf32, #tpu.memory_space<vmem>>
    %dma_start3A_274 = arith.constant 0 : i32
    %dma_start3A_275 = tpu.memref_slice %arg4[%add3A_268, %multiple_of3A, %dma_start3A_274] : memref<300x1024x256xf32, #tpu.memory_space<hbm>> -> memref<1x64x256xf32, #tpu.memory_space<hbm>>
    %dma_start3A_276 = tpu.memref_squeeze %dma_start3A_275 : memref<1x64x256xf32, #tpu.memory_space<hbm>> -> memref<64x256xf32, #tpu.memory_space<hbm>>
    %dma_start3A_277 = arith.constant 0 : i32
    %dma_start3A_278 = tpu.memref_slice %arg4[%add3A_268, %multiple_of3A, %dma_start3A_277] : memref<300x1024x256xf32, #tpu.memory_space<hbm>> -> memref<1x64x256xf32, #tpu.memory_space<hbm>>
    %dma_start3A_279 = tpu.memref_squeeze %dma_start3A_278 : memref<1x64x256xf32, #tpu.memory_space<hbm>> -> memref<64x256xf32, #tpu.memory_space<hbm>>
    %dma_start3A_280 = arith.constant 0 : i32
    %dma_start3A_281 = arith.constant 0 : i32
    %dma_start3A_282 = tpu.memref_slice %arg6[%dma_start3A_269, %dma_start3A_280, %dma_start3A_281] : memref<6x64x256xf32, #tpu.memory_space<vmem>> -> memref<1x64x256xf32, #tpu.memory_space<vmem>>
    %dma_start3A_283 = tpu.memref_squeeze %dma_start3A_282 : memref<1x64x256xf32, #tpu.memory_space<vmem>> -> memref<64x256xf32, #tpu.memory_space<vmem>>
    tpu.enqueue_dma source(%dma_start3A_283 : memref<64x256xf32, #tpu.memory_space<vmem>>) target(%dma_start3A_279 : memref<64x256xf32, #tpu.memory_space<hbm>>) target_semaphore(%arg17 : memref<!tpu.dma_semaphore, #tpu.memory_space<semaphore_mem>>)
    %add3A_284 = arith.constant 1 : i32
    %add3A_285 = arith.addi %mul3A_18, %add3A_284 : i32
    %dma_wait3A_286 = arith.constant 1 : i32
    %dma_wait3A_287 = arith.constant 0 : i32
    %dma_wait3A_288 = arith.constant 0 : i32
    %dma_wait3A_289 = tpu.memref_slice %arg6[%dma_wait3A_286, %dma_wait3A_287, %dma_wait3A_288] : memref<6x64x256xf32, #tpu.memory_space<vmem>> -> memref<1x64x256xf32, #tpu.memory_space<vmem>>
    %dma_wait3A_290 = tpu.memref_squeeze %dma_wait3A_289 : memref<1x64x256xf32, #tpu.memory_space<vmem>> -> memref<64x256xf32, #tpu.memory_space<vmem>>
    %dma_wait3A_291 = arith.constant 0 : i32
    %dma_wait3A_292 = tpu.memref_slice %arg4[%add3A_285, %multiple_of3A, %dma_wait3A_291] : memref<300x1024x256xf32, #tpu.memory_space<hbm>> -> memref<1x64x256xf32, #tpu.memory_space<hbm>>
    %dma_wait3A_293 = tpu.memref_squeeze %dma_wait3A_292 : memref<1x64x256xf32, #tpu.memory_space<hbm>> -> memref<64x256xf32, #tpu.memory_space<hbm>>
    %dma_wait3A_294 = arith.constant 0 : i32
    %dma_wait3A_295 = tpu.memref_slice %arg4[%add3A_285, %multiple_of3A, %dma_wait3A_294] : memref<300x1024x256xf32, #tpu.memory_space<hbm>> -> memref<1x64x256xf32, #tpu.memory_space<hbm>>
    %dma_wait3A_296 = tpu.memref_squeeze %dma_wait3A_295 : memref<1x64x256xf32, #tpu.memory_space<hbm>> -> memref<64x256xf32, #tpu.memory_space<hbm>>
    %dma_wait3A_297 = arith.constant 0 : i32
    %dma_wait3A_298 = arith.constant 0 : i32
    %dma_wait3A_299 = tpu.memref_slice %arg6[%dma_wait3A_286, %dma_wait3A_297, %dma_wait3A_298] : memref<6x64x256xf32, #tpu.memory_space<vmem>> -> memref<1x64x256xf32, #tpu.memory_space<vmem>>
    %dma_wait3A_300 = tpu.memref_squeeze %dma_wait3A_299 : memref<1x64x256xf32, #tpu.memory_space<vmem>> -> memref<64x256xf32, #tpu.memory_space<vmem>>
    tpu.wait_dma2 semaphore(%arg14 : memref<!tpu.dma_semaphore, #tpu.memory_space<semaphore_mem>>) src(%dma_wait3A_300 : memref<64x256xf32, #tpu.memory_space<vmem>>) dst(%dma_wait3A_296 : memref<64x256xf32, #tpu.memory_space<hbm>>)
    %multiple_of3A_301 = arith.constant 448 : i32
    %multiple_of3A_302 = tpu.assume_multiple %multiple_of3A_301, 8 : i32
    %dma_start3A_303 = arith.constant 1 : i32
    %dma_start3A_304 = arith.constant 0 : i32
    %dma_start3A_305 = arith.constant 0 : i32
    %dma_start3A_306 = tpu.memref_slice %arg6[%dma_start3A_303, %dma_start3A_304, %dma_start3A_305] : memref<6x64x256xf32, #tpu.memory_space<vmem>> -> memref<1x64x256xf32, #tpu.memory_space<vmem>>
    %dma_start3A_307 = tpu.memref_squeeze %dma_start3A_306 : memref<1x64x256xf32, #tpu.memory_space<vmem>> -> memref<64x256xf32, #tpu.memory_space<vmem>>
    %dma_start3A_308 = tpu.memref_slice %arg5[%multiple_of3A_302] : memref<9600xi32, #tpu.memory_space<vmem>> -> memref<64xi32, #tpu.memory_space<vmem>>
    %dma_start3A_309 = arith.constant 0 : i32
    %dma_start3A_310 = arith.constant 0 : i32
    %dma_start3A_311 = tpu.memref_slice %arg2[%dma_start3A_309, %dma_start3A_310] : memref<5184x256xf32, #tpu.memory_space<hbm>> -> memref<5184x256xf32, #tpu.memory_space<hbm>>
    tpu.enqueue_indirect_dma source(%dma_start3A_311 : memref<5184x256xf32, #tpu.memory_space<hbm>>) target(%dma_start3A_307 : memref<64x256xf32, #tpu.memory_space<vmem>>) offsets(%dma_start3A_308 : memref<64xi32, #tpu.memory_space<vmem>>) semaphore(%arg8 : memref<!tpu.dma_semaphore, #tpu.memory_space<semaphore_mem>>)
    %dma_wait3A_312 = arith.constant 5 : i32
    %dma_wait3A_313 = arith.constant 0 : i32
    %dma_wait3A_314 = arith.constant 0 : i32
    %dma_wait3A_315 = tpu.memref_slice %arg6[%dma_wait3A_312, %dma_wait3A_313, %dma_wait3A_314] : memref<6x64x256xf32, #tpu.memory_space<vmem>> -> memref<1x64x256xf32, #tpu.memory_space<vmem>>
    %dma_wait3A_316 = tpu.memref_squeeze %dma_wait3A_315 : memref<1x64x256xf32, #tpu.memory_space<vmem>> -> memref<64x256xf32, #tpu.memory_space<vmem>>
    %dma_wait3A_317 = arith.constant 0 : i32
    %dma_wait3A_318 = tpu.memref_slice %arg5[%dma_wait3A_317] : memref<9600xi32, #tpu.memory_space<vmem>> -> memref<64xi32, #tpu.memory_space<vmem>>
    %dma_wait3A_319 = arith.constant 0 : i32
    %dma_wait3A_320 = arith.constant 0 : i32
    %dma_wait3A_321 = tpu.memref_slice %arg2[%dma_wait3A_319, %dma_wait3A_320] : memref<5184x256xf32, #tpu.memory_space<hbm>> -> memref<5184x256xf32, #tpu.memory_space<hbm>>
    tpu.wait_indirect_dma semaphore(%arg12 : memref<!tpu.dma_semaphore, #tpu.memory_space<semaphore_mem>>) src(%dma_wait3A_321 : memref<5184x256xf32, #tpu.memory_space<hbm>>) dst(%dma_wait3A_316 : memref<64x256xf32, #tpu.memory_space<vmem>>)
    %add3A_322 = arith.constant 5 : i32
    %add3A_323 = arith.addi %mul3A_18, %add3A_322 : i32
    %dma_start3A_324 = arith.constant 5 : i32
    %dma_start3A_325 = arith.constant 0 : i32
    %dma_start3A_326 = arith.constant 0 : i32
    %dma_start3A_327 = tpu.memref_slice %arg6[%dma_start3A_324, %dma_start3A_325, %dma_start3A_326] : memref<6x64x256xf32, #tpu.memory_space<vmem>> -> memref<1x64x256xf32, #tpu.memory_space<vmem>>
    %dma_start3A_328 = tpu.memref_squeeze %dma_start3A_327 : memref<1x64x256xf32, #tpu.memory_space<vmem>> -> memref<64x256xf32, #tpu.memory_space<vmem>>
    %dma_start3A_329 = arith.constant 0 : i32
    %dma_start3A_330 = tpu.memref_slice %arg4[%add3A_323, %multiple_of3A, %dma_start3A_329] : memref<300x1024x256xf32, #tpu.memory_space<hbm>> -> memref<1x64x256xf32, #tpu.memory_space<hbm>>
    %dma_start3A_331 = tpu.memref_squeeze %dma_start3A_330 : memref<1x64x256xf32, #tpu.memory_space<hbm>> -> memref<64x256xf32, #tpu.memory_space<hbm>>
    %dma_start3A_332 = arith.constant 0 : i32
    %dma_start3A_333 = tpu.memref_slice %arg4[%add3A_323, %multiple_of3A, %dma_start3A_332] : memref<300x1024x256xf32, #tpu.memory_space<hbm>> -> memref<1x64x256xf32, #tpu.memory_space<hbm>>
    %dma_start3A_334 = tpu.memref_squeeze %dma_start3A_333 : memref<1x64x256xf32, #tpu.memory_space<hbm>> -> memref<64x256xf32, #tpu.memory_space<hbm>>
    %dma_start3A_335 = arith.constant 0 : i32
    %dma_start3A_336 = arith.constant 0 : i32
    %dma_start3A_337 = tpu.memref_slice %arg6[%dma_start3A_324, %dma_start3A_335, %dma_start3A_336] : memref<6x64x256xf32, #tpu.memory_space<vmem>> -> memref<1x64x256xf32, #tpu.memory_space<vmem>>
    %dma_start3A_338 = tpu.memref_squeeze %dma_start3A_337 : memref<1x64x256xf32, #tpu.memory_space<vmem>> -> memref<64x256xf32, #tpu.memory_space<vmem>>
    tpu.enqueue_dma source(%dma_start3A_338 : memref<64x256xf32, #tpu.memory_space<vmem>>) target(%dma_start3A_334 : memref<64x256xf32, #tpu.memory_space<hbm>>) target_semaphore(%arg18 : memref<!tpu.dma_semaphore, #tpu.memory_space<semaphore_mem>>)
    %add3A_339 = arith.constant 2 : i32
    %add3A_340 = arith.addi %mul3A_18, %add3A_339 : i32
    %dma_wait3A_341 = arith.constant 2 : i32
    %dma_wait3A_342 = arith.constant 0 : i32
    %dma_wait3A_343 = arith.constant 0 : i32
    %dma_wait3A_344 = tpu.memref_slice %arg6[%dma_wait3A_341, %dma_wait3A_342, %dma_wait3A_343] : memref<6x64x256xf32, #tpu.memory_space<vmem>> -> memref<1x64x256xf32, #tpu.memory_space<vmem>>
    %dma_wait3A_345 = tpu.memref_squeeze %dma_wait3A_344 : memref<1x64x256xf32, #tpu.memory_space<vmem>> -> memref<64x256xf32, #tpu.memory_space<vmem>>
    %dma_wait3A_346 = arith.constant 0 : i32
    %dma_wait3A_347 = tpu.memref_slice %arg4[%add3A_340, %multiple_of3A, %dma_wait3A_346] : memref<300x1024x256xf32, #tpu.memory_space<hbm>> -> memref<1x64x256xf32, #tpu.memory_space<hbm>>
    %dma_wait3A_348 = tpu.memref_squeeze %dma_wait3A_347 : memref<1x64x256xf32, #tpu.memory_space<hbm>> -> memref<64x256xf32, #tpu.memory_space<hbm>>
    %dma_wait3A_349 = arith.constant 0 : i32
    %dma_wait3A_350 = tpu.memref_slice %arg4[%add3A_340, %multiple_of3A, %dma_wait3A_349] : memref<300x1024x256xf32, #tpu.memory_space<hbm>> -> memref<1x64x256xf32, #tpu.memory_space<hbm>>
    %dma_wait3A_351 = tpu.memref_squeeze %dma_wait3A_350 : memref<1x64x256xf32, #tpu.memory_space<hbm>> -> memref<64x256xf32, #tpu.memory_space<hbm>>
    %dma_wait3A_352 = arith.constant 0 : i32
    %dma_wait3A_353 = arith.constant 0 : i32
    %dma_wait3A_354 = tpu.memref_slice %arg6[%dma_wait3A_341, %dma_wait3A_352, %dma_wait3A_353] : memref<6x64x256xf32, #tpu.memory_space<vmem>> -> memref<1x64x256xf32, #tpu.memory_space<vmem>>
    %dma_wait3A_355 = tpu.memref_squeeze %dma_wait3A_354 : memref<1x64x256xf32, #tpu.memory_space<vmem>> -> memref<64x256xf32, #tpu.memory_space<vmem>>
    tpu.wait_dma2 semaphore(%arg15 : memref<!tpu.dma_semaphore, #tpu.memory_space<semaphore_mem>>) src(%dma_wait3A_355 : memref<64x256xf32, #tpu.memory_space<vmem>>) dst(%dma_wait3A_351 : memref<64x256xf32, #tpu.memory_space<hbm>>)
    %multiple_of3A_356 = arith.constant 512 : i32
    %multiple_of3A_357 = tpu.assume_multiple %multiple_of3A_356, 8 : i32
    %dma_start3A_358 = arith.constant 2 : i32
    %dma_start3A_359 = arith.constant 0 : i32
    %dma_start3A_360 = arith.constant 0 : i32
    %dma_start3A_361 = tpu.memref_slice %arg6[%dma_start3A_358, %dma_start3A_359, %dma_start3A_360] : memref<6x64x256xf32, #tpu.memory_space<vmem>> -> memref<1x64x256xf32, #tpu.memory_space<vmem>>
    %dma_start3A_362 = tpu.memref_squeeze %dma_start3A_361 : memref<1x64x256xf32, #tpu.memory_space<vmem>> -> memref<64x256xf32, #tpu.memory_space<vmem>>
    %dma_start3A_363 = tpu.memref_slice %arg5[%multiple_of3A_357] : memref<9600xi32, #tpu.memory_space<vmem>> -> memref<64xi32, #tpu.memory_space<vmem>>
    %dma_start3A_364 = arith.constant 0 : i32
    %dma_start3A_365 = arith.constant 0 : i32
    %dma_start3A_366 = tpu.memref_slice %arg2[%dma_start3A_364, %dma_start3A_365] : memref<5184x256xf32, #tpu.memory_space<hbm>> -> memref<5184x256xf32, #tpu.memory_space<hbm>>
    tpu.enqueue_indirect_dma source(%dma_start3A_366 : memref<5184x256xf32, #tpu.memory_space<hbm>>) target(%dma_start3A_362 : memref<64x256xf32, #tpu.memory_space<vmem>>) offsets(%dma_start3A_363 : memref<64xi32, #tpu.memory_space<vmem>>) semaphore(%arg9 : memref<!tpu.dma_semaphore, #tpu.memory_space<semaphore_mem>>)
    %scan3A = arith.constant 0 : i32
    %scan3A_367 = arith.constant 1 : i32
    %scan3A_368 = arith.constant 23 : i32
    %scan3A_369 = arith.addi %scan3A_367, %scan3A_368 : i32
    %scan3A_370 = arith.constant 1 : i32
    scf.for %scan3A_720 = %scan3A_367 to %scan3A_369 step %scan3A_370  : i32 {
      %mul3A_721 = arith.constant 6 : i32
      %mul3A_722 = arith.muli %mul3A_721, %scan3A_720 : i32
      %dma_wait3A_723 = arith.constant 0 : i32
      %dma_wait3A_724 = arith.constant 0 : i32
      %dma_wait3A_725 = arith.constant 0 : i32
      %dma_wait3A_726 = tpu.memref_slice %arg6[%dma_wait3A_723, %dma_wait3A_724, %dma_wait3A_725] : memref<6x64x256xf32, #tpu.memory_space<vmem>> -> memref<1x64x256xf32, #tpu.memory_space<vmem>>
      %dma_wait3A_727 = tpu.memref_squeeze %dma_wait3A_726 : memref<1x64x256xf32, #tpu.memory_space<vmem>> -> memref<64x256xf32, #tpu.memory_space<vmem>>
      %dma_wait3A_728 = arith.constant 0 : i32
      %dma_wait3A_729 = tpu.memref_slice %arg5[%dma_wait3A_728] : memref<9600xi32, #tpu.memory_space<vmem>> -> memref<64xi32, #tpu.memory_space<vmem>>
      %dma_wait3A_730 = arith.constant 0 : i32
      %dma_wait3A_731 = arith.constant 0 : i32
      %dma_wait3A_732 = tpu.memref_slice %arg2[%dma_wait3A_730, %dma_wait3A_731] : memref<5184x256xf32, #tpu.memory_space<hbm>> -> memref<5184x256xf32, #tpu.memory_space<hbm>>
      tpu.wait_indirect_dma semaphore(%arg7 : memref<!tpu.dma_semaphore, #tpu.memory_space<semaphore_mem>>) src(%dma_wait3A_732 : memref<5184x256xf32, #tpu.memory_space<hbm>>) dst(%dma_wait3A_727 : memref<64x256xf32, #tpu.memory_space<vmem>>)
      %add3A_733 = arith.constant 0 : i32
      %add3A_734 = arith.addi %mul3A_722, %add3A_733 : i32
      %add3A_735 = arith.addi %mul3A_18, %add3A_734 : i32
      %dma_start3A_736 = arith.constant 0 : i32
      %dma_start3A_737 = arith.constant 0 : i32
      %dma_start3A_738 = arith.constant 0 : i32
      %dma_start3A_739 = tpu.memref_slice %arg6[%dma_start3A_736, %dma_start3A_737, %dma_start3A_738] : memref<6x64x256xf32, #tpu.memory_space<vmem>> -> memref<1x64x256xf32, #tpu.memory_space<vmem>>
      %dma_start3A_740 = tpu.memref_squeeze %dma_start3A_739 : memref<1x64x256xf32, #tpu.memory_space<vmem>> -> memref<64x256xf32, #tpu.memory_space<vmem>>
      %dma_start3A_741 = arith.constant 0 : i32
      %dma_start3A_742 = tpu.memref_slice %arg4[%add3A_735, %multiple_of3A, %dma_start3A_741] : memref<300x1024x256xf32, #tpu.memory_space<hbm>> -> memref<1x64x256xf32, #tpu.memory_space<hbm>>
      %dma_start3A_743 = tpu.memref_squeeze %dma_start3A_742 : memref<1x64x256xf32, #tpu.memory_space<hbm>> -> memref<64x256xf32, #tpu.memory_space<hbm>>
      %dma_start3A_744 = arith.constant 0 : i32
      %dma_start3A_745 = tpu.memref_slice %arg4[%add3A_735, %multiple_of3A, %dma_start3A_744] : memref<300x1024x256xf32, #tpu.memory_space<hbm>> -> memref<1x64x256xf32, #tpu.memory_space<hbm>>
      %dma_start3A_746 = tpu.memref_squeeze %dma_start3A_745 : memref<1x64x256xf32, #tpu.memory_space<hbm>> -> memref<64x256xf32, #tpu.memory_space<hbm>>
      %dma_start3A_747 = arith.constant 0 : i32
      %dma_start3A_748 = arith.constant 0 : i32
      %dma_start3A_749 = tpu.memref_slice %arg6[%dma_start3A_736, %dma_start3A_747, %dma_start3A_748] : memref<6x64x256xf32, #tpu.memory_space<vmem>> -> memref<1x64x256xf32, #tpu.memory_space<vmem>>
      %dma_start3A_750 = tpu.memref_squeeze %dma_start3A_749 : memref<1x64x256xf32, #tpu.memory_space<vmem>> -> memref<64x256xf32, #tpu.memory_space<vmem>>
      tpu.enqueue_dma source(%dma_start3A_750 : memref<64x256xf32, #tpu.memory_space<vmem>>) target(%dma_start3A_746 : memref<64x256xf32, #tpu.memory_space<hbm>>) target_semaphore(%arg13 : memref<!tpu.dma_semaphore, #tpu.memory_space<semaphore_mem>>)
      %add3A_751 = arith.constant 0 : i32
      %add3A_752 = arith.addi %mul3A_722, %add3A_751 : i32
      %sub3A_753 = arith.constant 3 : i32
      %sub3A_754 = arith.subi %add3A_752, %sub3A_753 : i32
      %add3A_755 = arith.addi %mul3A_18, %sub3A_754 : i32
      %dma_wait3A_756 = arith.constant 3 : i32
      %dma_wait3A_757 = arith.constant 0 : i32
      %dma_wait3A_758 = arith.constant 0 : i32
      %dma_wait3A_759 = tpu.memref_slice %arg6[%dma_wait3A_756, %dma_wait3A_757, %dma_wait3A_758] : memref<6x64x256xf32, #tpu.memory_space<vmem>> -> memref<1x64x256xf32, #tpu.memory_space<vmem>>
      %dma_wait3A_760 = tpu.memref_squeeze %dma_wait3A_759 : memref<1x64x256xf32, #tpu.memory_space<vmem>> -> memref<64x256xf32, #tpu.memory_space<vmem>>
      %dma_wait3A_761 = arith.constant 0 : i32
      %dma_wait3A_762 = tpu.memref_slice %arg4[%add3A_755, %multiple_of3A, %dma_wait3A_761] : memref<300x1024x256xf32, #tpu.memory_space<hbm>> -> memref<1x64x256xf32, #tpu.memory_space<hbm>>
      %dma_wait3A_763 = tpu.memref_squeeze %dma_wait3A_762 : memref<1x64x256xf32, #tpu.memory_space<hbm>> -> memref<64x256xf32, #tpu.memory_space<hbm>>
      %dma_wait3A_764 = arith.constant 0 : i32
      %dma_wait3A_765 = tpu.memref_slice %arg4[%add3A_755, %multiple_of3A, %dma_wait3A_764] : memref<300x1024x256xf32, #tpu.memory_space<hbm>> -> memref<1x64x256xf32, #tpu.memory_space<hbm>>
      %dma_wait3A_766 = tpu.memref_squeeze %dma_wait3A_765 : memref<1x64x256xf32, #tpu.memory_space<hbm>> -> memref<64x256xf32, #tpu.memory_space<hbm>>
      %dma_wait3A_767 = arith.constant 0 : i32
      %dma_wait3A_768 = arith.constant 0 : i32
      %dma_wait3A_769 = tpu.memref_slice %arg6[%dma_wait3A_756, %dma_wait3A_767, %dma_wait3A_768] : memref<6x64x256xf32, #tpu.memory_space<vmem>> -> memref<1x64x256xf32, #tpu.memory_space<vmem>>
      %dma_wait3A_770 = tpu.memref_squeeze %dma_wait3A_769 : memref<1x64x256xf32, #tpu.memory_space<vmem>> -> memref<64x256xf32, #tpu.memory_space<vmem>>
      tpu.wait_dma2 semaphore(%arg16 : memref<!tpu.dma_semaphore, #tpu.memory_space<semaphore_mem>>) src(%dma_wait3A_770 : memref<64x256xf32, #tpu.memory_space<vmem>>) dst(%dma_wait3A_766 : memref<64x256xf32, #tpu.memory_space<hbm>>)
      %add3A_771 = arith.constant 0 : i32
      %add3A_772 = arith.addi %mul3A_722, %add3A_771 : i32
      %add3A_773 = arith.constant 3 : i32
      %add3A_774 = arith.addi %add3A_772, %add3A_773 : i32
      %mul3A_775 = arith.constant 64 : i32
      %mul3A_776 = arith.muli %add3A_774, %mul3A_775 : i32
      %multiple_of3A_777 = tpu.assume_multiple %mul3A_776, 8 : i32
      %dma_start3A_778 = arith.constant 3 : i32
      %dma_start3A_779 = arith.constant 0 : i32
      %dma_start3A_780 = arith.constant 0 : i32
      %dma_start3A_781 = tpu.memref_slice %arg6[%dma_start3A_778, %dma_start3A_779, %dma_start3A_780] : memref<6x64x256xf32, #tpu.memory_space<vmem>> -> memref<1x64x256xf32, #tpu.memory_space<vmem>>
      %dma_start3A_782 = tpu.memref_squeeze %dma_start3A_781 : memref<1x64x256xf32, #tpu.memory_space<vmem>> -> memref<64x256xf32, #tpu.memory_space<vmem>>
      %dma_start3A_783 = tpu.memref_slice %arg5[%multiple_of3A_777] : memref<9600xi32, #tpu.memory_space<vmem>> -> memref<64xi32, #tpu.memory_space<vmem>>
      %dma_start3A_784 = arith.constant 0 : i32
      %dma_start3A_785 = arith.constant 0 : i32
      %dma_start3A_786 = tpu.memref_slice %arg2[%dma_start3A_784, %dma_start3A_785] : memref<5184x256xf32, #tpu.memory_space<hbm>> -> memref<5184x256xf32, #tpu.memory_space<hbm>>
      tpu.enqueue_indirect_dma source(%dma_start3A_786 : memref<5184x256xf32, #tpu.memory_space<hbm>>) target(%dma_start3A_782 : memref<64x256xf32, #tpu.memory_space<vmem>>) offsets(%dma_start3A_783 : memref<64xi32, #tpu.memory_space<vmem>>) semaphore(%arg10 : memref<!tpu.dma_semaphore, #tpu.memory_space<semaphore_mem>>)
      %dma_wait3A_787 = arith.constant 1 : i32
      %dma_wait3A_788 = arith.constant 0 : i32
      %dma_wait3A_789 = arith.constant 0 : i32
      %dma_wait3A_790 = tpu.memref_slice %arg6[%dma_wait3A_787, %dma_wait3A_788, %dma_wait3A_789] : memref<6x64x256xf32, #tpu.memory_space<vmem>> -> memref<1x64x256xf32, #tpu.memory_space<vmem>>
      %dma_wait3A_791 = tpu.memref_squeeze %dma_wait3A_790 : memref<1x64x256xf32, #tpu.memory_space<vmem>> -> memref<64x256xf32, #tpu.memory_space<vmem>>
      %dma_wait3A_792 = arith.constant 0 : i32
      %dma_wait3A_793 = tpu.memref_slice %arg5[%dma_wait3A_792] : memref<9600xi32, #tpu.memory_space<vmem>> -> memref<64xi32, #tpu.memory_space<vmem>>
      %dma_wait3A_794 = arith.constant 0 : i32
      %dma_wait3A_795 = arith.constant 0 : i32
      %dma_wait3A_796 = tpu.memref_slice %arg2[%dma_wait3A_794, %dma_wait3A_795] : memref<5184x256xf32, #tpu.memory_space<hbm>> -> memref<5184x256xf32, #tpu.memory_space<hbm>>
      tpu.wait_indirect_dma semaphore(%arg8 : memref<!tpu.dma_semaphore, #tpu.memory_space<semaphore_mem>>) src(%dma_wait3A_796 : memref<5184x256xf32, #tpu.memory_space<hbm>>) dst(%dma_wait3A_791 : memref<64x256xf32, #tpu.memory_space<vmem>>)
      %add3A_797 = arith.constant 1 : i32
      %add3A_798 = arith.addi %mul3A_722, %add3A_797 : i32
      %add3A_799 = arith.addi %mul3A_18, %add3A_798 : i32
      %dma_start3A_800 = arith.constant 1 : i32
      %dma_start3A_801 = arith.constant 0 : i32
      %dma_start3A_802 = arith.constant 0 : i32
      %dma_start3A_803 = tpu.memref_slice %arg6[%dma_start3A_800, %dma_start3A_801, %dma_start3A_802] : memref<6x64x256xf32, #tpu.memory_space<vmem>> -> memref<1x64x256xf32, #tpu.memory_space<vmem>>
      %dma_start3A_804 = tpu.memref_squeeze %dma_start3A_803 : memref<1x64x256xf32, #tpu.memory_space<vmem>> -> memref<64x256xf32, #tpu.memory_space<vmem>>
      %dma_start3A_805 = arith.constant 0 : i32
      %dma_start3A_806 = tpu.memref_slice %arg4[%add3A_799, %multiple_of3A, %dma_start3A_805] : memref<300x1024x256xf32, #tpu.memory_space<hbm>> -> memref<1x64x256xf32, #tpu.memory_space<hbm>>
      %dma_start3A_807 = tpu.memref_squeeze %dma_start3A_806 : memref<1x64x256xf32, #tpu.memory_space<hbm>> -> memref<64x256xf32, #tpu.memory_space<hbm>>
      %dma_start3A_808 = arith.constant 0 : i32
      %dma_start3A_809 = tpu.memref_slice %arg4[%add3A_799, %multiple_of3A, %dma_start3A_808] : memref<300x1024x256xf32, #tpu.memory_space<hbm>> -> memref<1x64x256xf32, #tpu.memory_space<hbm>>
      %dma_start3A_810 = tpu.memref_squeeze %dma_start3A_809 : memref<1x64x256xf32, #tpu.memory_space<hbm>> -> memref<64x256xf32, #tpu.memory_space<hbm>>
      %dma_start3A_811 = arith.constant 0 : i32
      %dma_start3A_812 = arith.constant 0 : i32
      %dma_start3A_813 = tpu.memref_slice %arg6[%dma_start3A_800, %dma_start3A_811, %dma_start3A_812] : memref<6x64x256xf32, #tpu.memory_space<vmem>> -> memref<1x64x256xf32, #tpu.memory_space<vmem>>
      %dma_start3A_814 = tpu.memref_squeeze %dma_start3A_813 : memref<1x64x256xf32, #tpu.memory_space<vmem>> -> memref<64x256xf32, #tpu.memory_space<vmem>>
      tpu.enqueue_dma source(%dma_start3A_814 : memref<64x256xf32, #tpu.memory_space<vmem>>) target(%dma_start3A_810 : memref<64x256xf32, #tpu.memory_space<hbm>>) target_semaphore(%arg14 : memref<!tpu.dma_semaphore, #tpu.memory_space<semaphore_mem>>)
      %add3A_815 = arith.constant 1 : i32
      %add3A_816 = arith.addi %mul3A_722, %add3A_815 : i32
      %sub3A_817 = arith.constant 3 : i32
      %sub3A_818 = arith.subi %add3A_816, %sub3A_817 : i32
      %add3A_819 = arith.addi %mul3A_18, %sub3A_818 : i32
      %dma_wait3A_820 = arith.constant 4 : i32
      %dma_wait3A_821 = arith.constant 0 : i32
      %dma_wait3A_822 = arith.constant 0 : i32
      %dma_wait3A_823 = tpu.memref_slice %arg6[%dma_wait3A_820, %dma_wait3A_821, %dma_wait3A_822] : memref<6x64x256xf32, #tpu.memory_space<vmem>> -> memref<1x64x256xf32, #tpu.memory_space<vmem>>
      %dma_wait3A_824 = tpu.memref_squeeze %dma_wait3A_823 : memref<1x64x256xf32, #tpu.memory_space<vmem>> -> memref<64x256xf32, #tpu.memory_space<vmem>>
      %dma_wait3A_825 = arith.constant 0 : i32
      %dma_wait3A_826 = tpu.memref_slice %arg4[%add3A_819, %multiple_of3A, %dma_wait3A_825] : memref<300x1024x256xf32, #tpu.memory_space<hbm>> -> memref<1x64x256xf32, #tpu.memory_space<hbm>>
      %dma_wait3A_827 = tpu.memref_squeeze %dma_wait3A_826 : memref<1x64x256xf32, #tpu.memory_space<hbm>> -> memref<64x256xf32, #tpu.memory_space<hbm>>
      %dma_wait3A_828 = arith.constant 0 : i32
      %dma_wait3A_829 = tpu.memref_slice %arg4[%add3A_819, %multiple_of3A, %dma_wait3A_828] : memref<300x1024x256xf32, #tpu.memory_space<hbm>> -> memref<1x64x256xf32, #tpu.memory_space<hbm>>
      %dma_wait3A_830 = tpu.memref_squeeze %dma_wait3A_829 : memref<1x64x256xf32, #tpu.memory_space<hbm>> -> memref<64x256xf32, #tpu.memory_space<hbm>>
      %dma_wait3A_831 = arith.constant 0 : i32
      %dma_wait3A_832 = arith.constant 0 : i32
      %dma_wait3A_833 = tpu.memref_slice %arg6[%dma_wait3A_820, %dma_wait3A_831, %dma_wait3A_832] : memref<6x64x256xf32, #tpu.memory_space<vmem>> -> memref<1x64x256xf32, #tpu.memory_space<vmem>>
      %dma_wait3A_834 = tpu.memref_squeeze %dma_wait3A_833 : memref<1x64x256xf32, #tpu.memory_space<vmem>> -> memref<64x256xf32, #tpu.memory_space<vmem>>
      tpu.wait_dma2 semaphore(%arg17 : memref<!tpu.dma_semaphore, #tpu.memory_space<semaphore_mem>>) src(%dma_wait3A_834 : memref<64x256xf32, #tpu.memory_space<vmem>>) dst(%dma_wait3A_830 : memref<64x256xf32, #tpu.memory_space<hbm>>)
      %add3A_835 = arith.constant 1 : i32
      %add3A_836 = arith.addi %mul3A_722, %add3A_835 : i32
      %add3A_837 = arith.constant 3 : i32
      %add3A_838 = arith.addi %add3A_836, %add3A_837 : i32
      %mul3A_839 = arith.constant 64 : i32
      %mul3A_840 = arith.muli %add3A_838, %mul3A_839 : i32
      %multiple_of3A_841 = tpu.assume_multiple %mul3A_840, 8 : i32
      %dma_start3A_842 = arith.constant 4 : i32
      %dma_start3A_843 = arith.constant 0 : i32
      %dma_start3A_844 = arith.constant 0 : i32
      %dma_start3A_845 = tpu.memref_slice %arg6[%dma_start3A_842, %dma_start3A_843, %dma_start3A_844] : memref<6x64x256xf32, #tpu.memory_space<vmem>> -> memref<1x64x256xf32, #tpu.memory_space<vmem>>
      %dma_start3A_846 = tpu.memref_squeeze %dma_start3A_845 : memref<1x64x256xf32, #tpu.memory_space<vmem>> -> memref<64x256xf32, #tpu.memory_space<vmem>>
      %dma_start3A_847 = tpu.memref_slice %arg5[%multiple_of3A_841] : memref<9600xi32, #tpu.memory_space<vmem>> -> memref<64xi32, #tpu.memory_space<vmem>>
      %dma_start3A_848 = arith.constant 0 : i32
      %dma_start3A_849 = arith.constant 0 : i32
      %dma_start3A_850 = tpu.memref_slice %arg2[%dma_start3A_848, %dma_start3A_849] : memref<5184x256xf32, #tpu.memory_space<hbm>> -> memref<5184x256xf32, #tpu.memory_space<hbm>>
      tpu.enqueue_indirect_dma source(%dma_start3A_850 : memref<5184x256xf32, #tpu.memory_space<hbm>>) target(%dma_start3A_846 : memref<64x256xf32, #tpu.memory_space<vmem>>) offsets(%dma_start3A_847 : memref<64xi32, #tpu.memory_space<vmem>>) semaphore(%arg11 : memref<!tpu.dma_semaphore, #tpu.memory_space<semaphore_mem>>)
      %dma_wait3A_851 = arith.constant 2 : i32
      %dma_wait3A_852 = arith.constant 0 : i32
      %dma_wait3A_853 = arith.constant 0 : i32
      %dma_wait3A_854 = tpu.memref_slice %arg6[%dma_wait3A_851, %dma_wait3A_852, %dma_wait3A_853] : memref<6x64x256xf32, #tpu.memory_space<vmem>> -> memref<1x64x256xf32, #tpu.memory_space<vmem>>
      %dma_wait3A_855 = tpu.memref_squeeze %dma_wait3A_854 : memref<1x64x256xf32, #tpu.memory_space<vmem>> -> memref<64x256xf32, #tpu.memory_space<vmem>>
      %dma_wait3A_856 = arith.constant 0 : i32
      %dma_wait3A_857 = tpu.memref_slice %arg5[%dma_wait3A_856] : memref<9600xi32, #tpu.memory_space<vmem>> -> memref<64xi32, #tpu.memory_space<vmem>>
      %dma_wait3A_858 = arith.constant 0 : i32
      %dma_wait3A_859 = arith.constant 0 : i32
      %dma_wait3A_860 = tpu.memref_slice %arg2[%dma_wait3A_858, %dma_wait3A_859] : memref<5184x256xf32, #tpu.memory_space<hbm>> -> memref<5184x256xf32, #tpu.memory_space<hbm>>
      tpu.wait_indirect_dma semaphore(%arg9 : memref<!tpu.dma_semaphore, #tpu.memory_space<semaphore_mem>>) src(%dma_wait3A_860 : memref<5184x256xf32, #tpu.memory_space<hbm>>) dst(%dma_wait3A_855 : memref<64x256xf32, #tpu.memory_space<vmem>>)
      %add3A_861 = arith.constant 2 : i32
      %add3A_862 = arith.addi %mul3A_722, %add3A_861 : i32
      %add3A_863 = arith.addi %mul3A_18, %add3A_862 : i32
      %dma_start3A_864 = arith.constant 2 : i32
      %dma_start3A_865 = arith.constant 0 : i32
      %dma_start3A_866 = arith.constant 0 : i32
      %dma_start3A_867 = tpu.memref_slice %arg6[%dma_start3A_864, %dma_start3A_865, %dma_start3A_866] : memref<6x64x256xf32, #tpu.memory_space<vmem>> -> memref<1x64x256xf32, #tpu.memory_space<vmem>>
      %dma_start3A_868 = tpu.memref_squeeze %dma_start3A_867 : memref<1x64x256xf32, #tpu.memory_space<vmem>> -> memref<64x256xf32, #tpu.memory_space<vmem>>
      %dma_start3A_869 = arith.constant 0 : i32
      %dma_start3A_870 = tpu.memref_slice %arg4[%add3A_863, %multiple_of3A, %dma_start3A_869] : memref<300x1024x256xf32, #tpu.memory_space<hbm>> -> memref<1x64x256xf32, #tpu.memory_space<hbm>>
      %dma_start3A_871 = tpu.memref_squeeze %dma_start3A_870 : memref<1x64x256xf32, #tpu.memory_space<hbm>> -> memref<64x256xf32, #tpu.memory_space<hbm>>
      %dma_start3A_872 = arith.constant 0 : i32
      %dma_start3A_873 = tpu.memref_slice %arg4[%add3A_863, %multiple_of3A, %dma_start3A_872] : memref<300x1024x256xf32, #tpu.memory_space<hbm>> -> memref<1x64x256xf32, #tpu.memory_space<hbm>>
      %dma_start3A_874 = tpu.memref_squeeze %dma_start3A_873 : memref<1x64x256xf32, #tpu.memory_space<hbm>> -> memref<64x256xf32, #tpu.memory_space<hbm>>
      %dma_start3A_875 = arith.constant 0 : i32
      %dma_start3A_876 = arith.constant 0 : i32
      %dma_start3A_877 = tpu.memref_slice %arg6[%dma_start3A_864, %dma_start3A_875, %dma_start3A_876] : memref<6x64x256xf32, #tpu.memory_space<vmem>> -> memref<1x64x256xf32, #tpu.memory_space<vmem>>
      %dma_start3A_878 = tpu.memref_squeeze %dma_start3A_877 : memref<1x64x256xf32, #tpu.memory_space<vmem>> -> memref<64x256xf32, #tpu.memory_space<vmem>>
      tpu.enqueue_dma source(%dma_start3A_878 : memref<64x256xf32, #tpu.memory_space<vmem>>) target(%dma_start3A_874 : memref<64x256xf32, #tpu.memory_space<hbm>>) target_semaphore(%arg15 : memref<!tpu.dma_semaphore, #tpu.memory_space<semaphore_mem>>)
      %add3A_879 = arith.constant 2 : i32
      %add3A_880 = arith.addi %mul3A_722, %add3A_879 : i32
      %sub3A_881 = arith.constant 3 : i32
      %sub3A_882 = arith.subi %add3A_880, %sub3A_881 : i32
      %add3A_883 = arith.addi %mul3A_18, %sub3A_882 : i32
      %dma_wait3A_884 = arith.constant 5 : i32
      %dma_wait3A_885 = arith.constant 0 : i32
      %dma_wait3A_886 = arith.constant 0 : i32
      %dma_wait3A_887 = tpu.memref_slice %arg6[%dma_wait3A_884, %dma_wait3A_885, %dma_wait3A_886] : memref<6x64x256xf32, #tpu.memory_space<vmem>> -> memref<1x64x256xf32, #tpu.memory_space<vmem>>
      %dma_wait3A_888 = tpu.memref_squeeze %dma_wait3A_887 : memref<1x64x256xf32, #tpu.memory_space<vmem>> -> memref<64x256xf32, #tpu.memory_space<vmem>>
      %dma_wait3A_889 = arith.constant 0 : i32
      %dma_wait3A_890 = tpu.memref_slice %arg4[%add3A_883, %multiple_of3A, %dma_wait3A_889] : memref<300x1024x256xf32, #tpu.memory_space<hbm>> -> memref<1x64x256xf32, #tpu.memory_space<hbm>>
      %dma_wait3A_891 = tpu.memref_squeeze %dma_wait3A_890 : memref<1x64x256xf32, #tpu.memory_space<hbm>> -> memref<64x256xf32, #tpu.memory_space<hbm>>
      %dma_wait3A_892 = arith.constant 0 : i32
      %dma_wait3A_893 = tpu.memref_slice %arg4[%add3A_883, %multiple_of3A, %dma_wait3A_892] : memref<300x1024x256xf32, #tpu.memory_space<hbm>> -> memref<1x64x256xf32, #tpu.memory_space<hbm>>
      %dma_wait3A_894 = tpu.memref_squeeze %dma_wait3A_893 : memref<1x64x256xf32, #tpu.memory_space<hbm>> -> memref<64x256xf32, #tpu.memory_space<hbm>>
      %dma_wait3A_895 = arith.constant 0 : i32
      %dma_wait3A_896 = arith.constant 0 : i32
      %dma_wait3A_897 = tpu.memref_slice %arg6[%dma_wait3A_884, %dma_wait3A_895, %dma_wait3A_896] : memref<6x64x256xf32, #tpu.memory_space<vmem>> -> memref<1x64x256xf32, #tpu.memory_space<vmem>>
      %dma_wait3A_898 = tpu.memref_squeeze %dma_wait3A_897 : memref<1x64x256xf32, #tpu.memory_space<vmem>> -> memref<64x256xf32, #tpu.memory_space<vmem>>
      tpu.wait_dma2 semaphore(%arg18 : memref<!tpu.dma_semaphore, #tpu.memory_space<semaphore_mem>>) src(%dma_wait3A_898 : memref<64x256xf32, #tpu.memory_space<vmem>>) dst(%dma_wait3A_894 : memref<64x256xf32, #tpu.memory_space<hbm>>)
      %add3A_899 = arith.constant 2 : i32
      %add3A_900 = arith.addi %mul3A_722, %add3A_899 : i32
      %add3A_901 = arith.constant 3 : i32
      %add3A_902 = arith.addi %add3A_900, %add3A_901 : i32
      %mul3A_903 = arith.constant 64 : i32
      %mul3A_904 = arith.muli %add3A_902, %mul3A_903 : i32
      %multiple_of3A_905 = tpu.assume_multiple %mul3A_904, 8 : i32
      %dma_start3A_906 = arith.constant 5 : i32
      %dma_start3A_907 = arith.constant 0 : i32
      %dma_start3A_908 = arith.constant 0 : i32
      %dma_start3A_909 = tpu.memref_slice %arg6[%dma_start3A_906, %dma_start3A_907, %dma_start3A_908] : memref<6x64x256xf32, #tpu.memory_space<vmem>> -> memref<1x64x256xf32, #tpu.memory_space<vmem>>
      %dma_start3A_910 = tpu.memref_squeeze %dma_start3A_909 : memref<1x64x256xf32, #tpu.memory_space<vmem>> -> memref<64x256xf32, #tpu.memory_space<vmem>>
      %dma_start3A_911 = tpu.memref_slice %arg5[%multiple_of3A_905] : memref<9600xi32, #tpu.memory_space<vmem>> -> memref<64xi32, #tpu.memory_space<vmem>>
      %dma_start3A_912 = arith.constant 0 : i32
      %dma_start3A_913 = arith.constant 0 : i32
      %dma_start3A_914 = tpu.memref_slice %arg2[%dma_start3A_912, %dma_start3A_913] : memref<5184x256xf32, #tpu.memory_space<hbm>> -> memref<5184x256xf32, #tpu.memory_space<hbm>>
      tpu.enqueue_indirect_dma source(%dma_start3A_914 : memref<5184x256xf32, #tpu.memory_space<hbm>>) target(%dma_start3A_910 : memref<64x256xf32, #tpu.memory_space<vmem>>) offsets(%dma_start3A_911 : memref<64xi32, #tpu.memory_space<vmem>>) semaphore(%arg12 : memref<!tpu.dma_semaphore, #tpu.memory_space<semaphore_mem>>)
      %dma_wait3A_915 = arith.constant 3 : i32
      %dma_wait3A_916 = arith.constant 0 : i32
      %dma_wait3A_917 = arith.constant 0 : i32
      %dma_wait3A_918 = tpu.memref_slice %arg6[%dma_wait3A_915, %dma_wait3A_916, %dma_wait3A_917] : memref<6x64x256xf32, #tpu.memory_space<vmem>> -> memref<1x64x256xf32, #tpu.memory_space<vmem>>
      %dma_wait3A_919 = tpu.memref_squeeze %dma_wait3A_918 : memref<1x64x256xf32, #tpu.memory_space<vmem>> -> memref<64x256xf32, #tpu.memory_space<vmem>>
      %dma_wait3A_920 = arith.constant 0 : i32
      %dma_wait3A_921 = tpu.memref_slice %arg5[%dma_wait3A_920] : memref<9600xi32, #tpu.memory_space<vmem>> -> memref<64xi32, #tpu.memory_space<vmem>>
      %dma_wait3A_922 = arith.constant 0 : i32
      %dma_wait3A_923 = arith.constant 0 : i32
      %dma_wait3A_924 = tpu.memref_slice %arg2[%dma_wait3A_922, %dma_wait3A_923] : memref<5184x256xf32, #tpu.memory_space<hbm>> -> memref<5184x256xf32, #tpu.memory_space<hbm>>
      tpu.wait_indirect_dma semaphore(%arg10 : memref<!tpu.dma_semaphore, #tpu.memory_space<semaphore_mem>>) src(%dma_wait3A_924 : memref<5184x256xf32, #tpu.memory_space<hbm>>) dst(%dma_wait3A_919 : memref<64x256xf32, #tpu.memory_space<vmem>>)
      %add3A_925 = arith.constant 3 : i32
      %add3A_926 = arith.addi %mul3A_722, %add3A_925 : i32
      %add3A_927 = arith.addi %mul3A_18, %add3A_926 : i32
      %dma_start3A_928 = arith.constant 3 : i32
      %dma_start3A_929 = arith.constant 0 : i32
      %dma_start3A_930 = arith.constant 0 : i32
      %dma_start3A_931 = tpu.memref_slice %arg6[%dma_start3A_928, %dma_start3A_929, %dma_start3A_930] : memref<6x64x256xf32, #tpu.memory_space<vmem>> -> memref<1x64x256xf32, #tpu.memory_space<vmem>>
      %dma_start3A_932 = tpu.memref_squeeze %dma_start3A_931 : memref<1x64x256xf32, #tpu.memory_space<vmem>> -> memref<64x256xf32, #tpu.memory_space<vmem>>
      %dma_start3A_933 = arith.constant 0 : i32
      %dma_start3A_934 = tpu.memref_slice %arg4[%add3A_927, %multiple_of3A, %dma_start3A_933] : memref<300x1024x256xf32, #tpu.memory_space<hbm>> -> memref<1x64x256xf32, #tpu.memory_space<hbm>>
      %dma_start3A_935 = tpu.memref_squeeze %dma_start3A_934 : memref<1x64x256xf32, #tpu.memory_space<hbm>> -> memref<64x256xf32, #tpu.memory_space<hbm>>
      %dma_start3A_936 = arith.constant 0 : i32
      %dma_start3A_937 = tpu.memref_slice %arg4[%add3A_927, %multiple_of3A, %dma_start3A_936] : memref<300x1024x256xf32, #tpu.memory_space<hbm>> -> memref<1x64x256xf32, #tpu.memory_space<hbm>>
      %dma_start3A_938 = tpu.memref_squeeze %dma_start3A_937 : memref<1x64x256xf32, #tpu.memory_space<hbm>> -> memref<64x256xf32, #tpu.memory_space<hbm>>
      %dma_start3A_939 = arith.constant 0 : i32
      %dma_start3A_940 = arith.constant 0 : i32
      %dma_start3A_941 = tpu.memref_slice %arg6[%dma_start3A_928, %dma_start3A_939, %dma_start3A_940] : memref<6x64x256xf32, #tpu.memory_space<vmem>> -> memref<1x64x256xf32, #tpu.memory_space<vmem>>
      %dma_start3A_942 = tpu.memref_squeeze %dma_start3A_941 : memref<1x64x256xf32, #tpu.memory_space<vmem>> -> memref<64x256xf32, #tpu.memory_space<vmem>>
      tpu.enqueue_dma source(%dma_start3A_942 : memref<64x256xf32, #tpu.memory_space<vmem>>) target(%dma_start3A_938 : memref<64x256xf32, #tpu.memory_space<hbm>>) target_semaphore(%arg16 : memref<!tpu.dma_semaphore, #tpu.memory_space<semaphore_mem>>)
      %add3A_943 = arith.constant 3 : i32
      %add3A_944 = arith.addi %mul3A_722, %add3A_943 : i32
      %add3A_945 = arith.addi %mul3A_18, %add3A_944 : i32
      %dma_wait3A_946 = arith.constant 0 : i32
      %dma_wait3A_947 = arith.constant 0 : i32
      %dma_wait3A_948 = arith.constant 0 : i32
      %dma_wait3A_949 = tpu.memref_slice %arg6[%dma_wait3A_946, %dma_wait3A_947, %dma_wait3A_948] : memref<6x64x256xf32, #tpu.memory_space<vmem>> -> memref<1x64x256xf32, #tpu.memory_space<vmem>>
      %dma_wait3A_950 = tpu.memref_squeeze %dma_wait3A_949 : memref<1x64x256xf32, #tpu.memory_space<vmem>> -> memref<64x256xf32, #tpu.memory_space<vmem>>
      %dma_wait3A_951 = arith.constant 0 : i32
      %dma_wait3A_952 = tpu.memref_slice %arg4[%add3A_945, %multiple_of3A, %dma_wait3A_951] : memref<300x1024x256xf32, #tpu.memory_space<hbm>> -> memref<1x64x256xf32, #tpu.memory_space<hbm>>
      %dma_wait3A_953 = tpu.memref_squeeze %dma_wait3A_952 : memref<1x64x256xf32, #tpu.memory_space<hbm>> -> memref<64x256xf32, #tpu.memory_space<hbm>>
      %dma_wait3A_954 = arith.constant 0 : i32
      %dma_wait3A_955 = tpu.memref_slice %arg4[%add3A_945, %multiple_of3A, %dma_wait3A_954] : memref<300x1024x256xf32, #tpu.memory_space<hbm>> -> memref<1x64x256xf32, #tpu.memory_space<hbm>>
      %dma_wait3A_956 = tpu.memref_squeeze %dma_wait3A_955 : memref<1x64x256xf32, #tpu.memory_space<hbm>> -> memref<64x256xf32, #tpu.memory_space<hbm>>
      %dma_wait3A_957 = arith.constant 0 : i32
      %dma_wait3A_958 = arith.constant 0 : i32
      %dma_wait3A_959 = tpu.memref_slice %arg6[%dma_wait3A_946, %dma_wait3A_957, %dma_wait3A_958] : memref<6x64x256xf32, #tpu.memory_space<vmem>> -> memref<1x64x256xf32, #tpu.memory_space<vmem>>
      %dma_wait3A_960 = tpu.memref_squeeze %dma_wait3A_959 : memref<1x64x256xf32, #tpu.memory_space<vmem>> -> memref<64x256xf32, #tpu.memory_space<vmem>>
      tpu.wait_dma2 semaphore(%arg13 : memref<!tpu.dma_semaphore, #tpu.memory_space<semaphore_mem>>) src(%dma_wait3A_960 : memref<64x256xf32, #tpu.memory_space<vmem>>) dst(%dma_wait3A_956 : memref<64x256xf32, #tpu.memory_space<hbm>>)
      %add3A_961 = arith.constant 3 : i32
      %add3A_962 = arith.addi %mul3A_722, %add3A_961 : i32
      %add3A_963 = arith.constant 3 : i32
      %add3A_964 = arith.addi %add3A_962, %add3A_963 : i32
      %mul3A_965 = arith.constant 64 : i32
      %mul3A_966 = arith.muli %add3A_964, %mul3A_965 : i32
      %multiple_of3A_967 = tpu.assume_multiple %mul3A_966, 8 : i32
      %dma_start3A_968 = arith.constant 0 : i32
      %dma_start3A_969 = arith.constant 0 : i32
      %dma_start3A_970 = arith.constant 0 : i32
      %dma_start3A_971 = tpu.memref_slice %arg6[%dma_start3A_968, %dma_start3A_969, %dma_start3A_970] : memref<6x64x256xf32, #tpu.memory_space<vmem>> -> memref<1x64x256xf32, #tpu.memory_space<vmem>>
      %dma_start3A_972 = tpu.memref_squeeze %dma_start3A_971 : memref<1x64x256xf32, #tpu.memory_space<vmem>> -> memref<64x256xf32, #tpu.memory_space<vmem>>
      %dma_start3A_973 = tpu.memref_slice %arg5[%multiple_of3A_967] : memref<9600xi32, #tpu.memory_space<vmem>> -> memref<64xi32, #tpu.memory_space<vmem>>
      %dma_start3A_974 = arith.constant 0 : i32
      %dma_start3A_975 = arith.constant 0 : i32
      %dma_start3A_976 = tpu.memref_slice %arg2[%dma_start3A_974, %dma_start3A_975] : memref<5184x256xf32, #tpu.memory_space<hbm>> -> memref<5184x256xf32, #tpu.memory_space<hbm>>
      tpu.enqueue_indirect_dma source(%dma_start3A_976 : memref<5184x256xf32, #tpu.memory_space<hbm>>) target(%dma_start3A_972 : memref<64x256xf32, #tpu.memory_space<vmem>>) offsets(%dma_start3A_973 : memref<64xi32, #tpu.memory_space<vmem>>) semaphore(%arg7 : memref<!tpu.dma_semaphore, #tpu.memory_space<semaphore_mem>>)
      %dma_wait3A_977 = arith.constant 4 : i32
      %dma_wait3A_978 = arith.constant 0 : i32
      %dma_wait3A_979 = arith.constant 0 : i32
      %dma_wait3A_980 = tpu.memref_slice %arg6[%dma_wait3A_977, %dma_wait3A_978, %dma_wait3A_979] : memref<6x64x256xf32, #tpu.memory_space<vmem>> -> memref<1x64x256xf32, #tpu.memory_space<vmem>>
      %dma_wait3A_981 = tpu.memref_squeeze %dma_wait3A_980 : memref<1x64x256xf32, #tpu.memory_space<vmem>> -> memref<64x256xf32, #tpu.memory_space<vmem>>
      %dma_wait3A_982 = arith.constant 0 : i32
      %dma_wait3A_983 = tpu.memref_slice %arg5[%dma_wait3A_982] : memref<9600xi32, #tpu.memory_space<vmem>> -> memref<64xi32, #tpu.memory_space<vmem>>
      %dma_wait3A_984 = arith.constant 0 : i32
      %dma_wait3A_985 = arith.constant 0 : i32
      %dma_wait3A_986 = tpu.memref_slice %arg2[%dma_wait3A_984, %dma_wait3A_985] : memref<5184x256xf32, #tpu.memory_space<hbm>> -> memref<5184x256xf32, #tpu.memory_space<hbm>>
      tpu.wait_indirect_dma semaphore(%arg11 : memref<!tpu.dma_semaphore, #tpu.memory_space<semaphore_mem>>) src(%dma_wait3A_986 : memref<5184x256xf32, #tpu.memory_space<hbm>>) dst(%dma_wait3A_981 : memref<64x256xf32, #tpu.memory_space<vmem>>)
      %add3A_987 = arith.constant 4 : i32
      %add3A_988 = arith.addi %mul3A_722, %add3A_987 : i32
      %add3A_989 = arith.addi %mul3A_18, %add3A_988 : i32
      %dma_start3A_990 = arith.constant 4 : i32
      %dma_start3A_991 = arith.constant 0 : i32
      %dma_start3A_992 = arith.constant 0 : i32
      %dma_start3A_993 = tpu.memref_slice %arg6[%dma_start3A_990, %dma_start3A_991, %dma_start3A_992] : memref<6x64x256xf32, #tpu.memory_space<vmem>> -> memref<1x64x256xf32, #tpu.memory_space<vmem>>
      %dma_start3A_994 = tpu.memref_squeeze %dma_start3A_993 : memref<1x64x256xf32, #tpu.memory_space<vmem>> -> memref<64x256xf32, #tpu.memory_space<vmem>>
      %dma_start3A_995 = arith.constant 0 : i32
      %dma_start3A_996 = tpu.memref_slice %arg4[%add3A_989, %multiple_of3A, %dma_start3A_995] : memref<300x1024x256xf32, #tpu.memory_space<hbm>> -> memref<1x64x256xf32, #tpu.memory_space<hbm>>
      %dma_start3A_997 = tpu.memref_squeeze %dma_start3A_996 : memref<1x64x256xf32, #tpu.memory_space<hbm>> -> memref<64x256xf32, #tpu.memory_space<hbm>>
      %dma_start3A_998 = arith.constant 0 : i32
      %dma_start3A_999 = tpu.memref_slice %arg4[%add3A_989, %multiple_of3A, %dma_start3A_998] : memref<300x1024x256xf32, #tpu.memory_space<hbm>> -> memref<1x64x256xf32, #tpu.memory_space<hbm>>
      %dma_start3A_1000 = tpu.memref_squeeze %dma_start3A_999 : memref<1x64x256xf32, #tpu.memory_space<hbm>> -> memref<64x256xf32, #tpu.memory_space<hbm>>
      %dma_start3A_1001 = arith.constant 0 : i32
      %dma_start3A_1002 = arith.constant 0 : i32
      %dma_start3A_1003 = tpu.memref_slice %arg6[%dma_start3A_990, %dma_start3A_1001, %dma_start3A_1002] : memref<6x64x256xf32, #tpu.memory_space<vmem>> -> memref<1x64x256xf32, #tpu.memory_space<vmem>>
      %dma_start3A_1004 = tpu.memref_squeeze %dma_start3A_1003 : memref<1x64x256xf32, #tpu.memory_space<vmem>> -> memref<64x256xf32, #tpu.memory_space<vmem>>
      tpu.enqueue_dma source(%dma_start3A_1004 : memref<64x256xf32, #tpu.memory_space<vmem>>) target(%dma_start3A_1000 : memref<64x256xf32, #tpu.memory_space<hbm>>) target_semaphore(%arg17 : memref<!tpu.dma_semaphore, #tpu.memory_space<semaphore_mem>>)
      %add3A_1005 = arith.constant 4 : i32
      %add3A_1006 = arith.addi %mul3A_722, %add3A_1005 : i32
      %add3A_1007 = arith.addi %mul3A_18, %add3A_1006 : i32
      %dma_wait3A_1008 = arith.constant 1 : i32
      %dma_wait3A_1009 = arith.constant 0 : i32
      %dma_wait3A_1010 = arith.constant 0 : i32
      %dma_wait3A_1011 = tpu.memref_slice %arg6[%dma_wait3A_1008, %dma_wait3A_1009, %dma_wait3A_1010] : memref<6x64x256xf32, #tpu.memory_space<vmem>> -> memref<1x64x256xf32, #tpu.memory_space<vmem>>
      %dma_wait3A_1012 = tpu.memref_squeeze %dma_wait3A_1011 : memref<1x64x256xf32, #tpu.memory_space<vmem>> -> memref<64x256xf32, #tpu.memory_space<vmem>>
      %dma_wait3A_1013 = arith.constant 0 : i32
      %dma_wait3A_1014 = tpu.memref_slice %arg4[%add3A_1007, %multiple_of3A, %dma_wait3A_1013] : memref<300x1024x256xf32, #tpu.memory_space<hbm>> -> memref<1x64x256xf32, #tpu.memory_space<hbm>>
      %dma_wait3A_1015 = tpu.memref_squeeze %dma_wait3A_1014 : memref<1x64x256xf32, #tpu.memory_space<hbm>> -> memref<64x256xf32, #tpu.memory_space<hbm>>
      %dma_wait3A_1016 = arith.constant 0 : i32
      %dma_wait3A_1017 = tpu.memref_slice %arg4[%add3A_1007, %multiple_of3A, %dma_wait3A_1016] : memref<300x1024x256xf32, #tpu.memory_space<hbm>> -> memref<1x64x256xf32, #tpu.memory_space<hbm>>
      %dma_wait3A_1018 = tpu.memref_squeeze %dma_wait3A_1017 : memref<1x64x256xf32, #tpu.memory_space<hbm>> -> memref<64x256xf32, #tpu.memory_space<hbm>>
      %dma_wait3A_1019 = arith.constant 0 : i32
      %dma_wait3A_1020 = arith.constant 0 : i32
      %dma_wait3A_1021 = tpu.memref_slice %arg6[%dma_wait3A_1008, %dma_wait3A_1019, %dma_wait3A_1020] : memref<6x64x256xf32, #tpu.memory_space<vmem>> -> memref<1x64x256xf32, #tpu.memory_space<vmem>>
      %dma_wait3A_1022 = tpu.memref_squeeze %dma_wait3A_1021 : memref<1x64x256xf32, #tpu.memory_space<vmem>> -> memref<64x256xf32, #tpu.memory_space<vmem>>
      tpu.wait_dma2 semaphore(%arg14 : memref<!tpu.dma_semaphore, #tpu.memory_space<semaphore_mem>>) src(%dma_wait3A_1022 : memref<64x256xf32, #tpu.memory_space<vmem>>) dst(%dma_wait3A_1018 : memref<64x256xf32, #tpu.memory_space<hbm>>)
      %add3A_1023 = arith.constant 4 : i32
      %add3A_1024 = arith.addi %mul3A_722, %add3A_1023 : i32
      %add3A_1025 = arith.constant 3 : i32
      %add3A_1026 = arith.addi %add3A_1024, %add3A_1025 : i32
      %mul3A_1027 = arith.constant 64 : i32
      %mul3A_1028 = arith.muli %add3A_1026, %mul3A_1027 : i32
      %multiple_of3A_1029 = tpu.assume_multiple %mul3A_1028, 8 : i32
      %dma_start3A_1030 = arith.constant 1 : i32
      %dma_start3A_1031 = arith.constant 0 : i32
      %dma_start3A_1032 = arith.constant 0 : i32
      %dma_start3A_1033 = tpu.memref_slice %arg6[%dma_start3A_1030, %dma_start3A_1031, %dma_start3A_1032] : memref<6x64x256xf32, #tpu.memory_space<vmem>> -> memref<1x64x256xf32, #tpu.memory_space<vmem>>
      %dma_start3A_1034 = tpu.memref_squeeze %dma_start3A_1033 : memref<1x64x256xf32, #tpu.memory_space<vmem>> -> memref<64x256xf32, #tpu.memory_space<vmem>>
      %dma_start3A_1035 = tpu.memref_slice %arg5[%multiple_of3A_1029] : memref<9600xi32, #tpu.memory_space<vmem>> -> memref<64xi32, #tpu.memory_space<vmem>>
      %dma_start3A_1036 = arith.constant 0 : i32
      %dma_start3A_1037 = arith.constant 0 : i32
      %dma_start3A_1038 = tpu.memref_slice %arg2[%dma_start3A_1036, %dma_start3A_1037] : memref<5184x256xf32, #tpu.memory_space<hbm>> -> memref<5184x256xf32, #tpu.memory_space<hbm>>
      tpu.enqueue_indirect_dma source(%dma_start3A_1038 : memref<5184x256xf32, #tpu.memory_space<hbm>>) target(%dma_start3A_1034 : memref<64x256xf32, #tpu.memory_space<vmem>>) offsets(%dma_start3A_1035 : memref<64xi32, #tpu.memory_space<vmem>>) semaphore(%arg8 : memref<!tpu.dma_semaphore, #tpu.memory_space<semaphore_mem>>)
      %dma_wait3A_1039 = arith.constant 5 : i32
      %dma_wait3A_1040 = arith.constant 0 : i32
      %dma_wait3A_1041 = arith.constant 0 : i32
      %dma_wait3A_1042 = tpu.memref_slice %arg6[%dma_wait3A_1039, %dma_wait3A_1040, %dma_wait3A_1041] : memref<6x64x256xf32, #tpu.memory_space<vmem>> -> memref<1x64x256xf32, #tpu.memory_space<vmem>>
      %dma_wait3A_1043 = tpu.memref_squeeze %dma_wait3A_1042 : memref<1x64x256xf32, #tpu.memory_space<vmem>> -> memref<64x256xf32, #tpu.memory_space<vmem>>
      %dma_wait3A_1044 = arith.constant 0 : i32
      %dma_wait3A_1045 = tpu.memref_slice %arg5[%dma_wait3A_1044] : memref<9600xi32, #tpu.memory_space<vmem>> -> memref<64xi32, #tpu.memory_space<vmem>>
      %dma_wait3A_1046 = arith.constant 0 : i32
      %dma_wait3A_1047 = arith.constant 0 : i32
      %dma_wait3A_1048 = tpu.memref_slice %arg2[%dma_wait3A_1046, %dma_wait3A_1047] : memref<5184x256xf32, #tpu.memory_space<hbm>> -> memref<5184x256xf32, #tpu.memory_space<hbm>>
      tpu.wait_indirect_dma semaphore(%arg12 : memref<!tpu.dma_semaphore, #tpu.memory_space<semaphore_mem>>) src(%dma_wait3A_1048 : memref<5184x256xf32, #tpu.memory_space<hbm>>) dst(%dma_wait3A_1043 : memref<64x256xf32, #tpu.memory_space<vmem>>)
      %add3A_1049 = arith.constant 5 : i32
      %add3A_1050 = arith.addi %mul3A_722, %add3A_1049 : i32
      %add3A_1051 = arith.addi %mul3A_18, %add3A_1050 : i32
      %dma_start3A_1052 = arith.constant 5 : i32
      %dma_start3A_1053 = arith.constant 0 : i32
      %dma_start3A_1054 = arith.constant 0 : i32
      %dma_start3A_1055 = tpu.memref_slice %arg6[%dma_start3A_1052, %dma_start3A_1053, %dma_start3A_1054] : memref<6x64x256xf32, #tpu.memory_space<vmem>> -> memref<1x64x256xf32, #tpu.memory_space<vmem>>
      %dma_start3A_1056 = tpu.memref_squeeze %dma_start3A_1055 : memref<1x64x256xf32, #tpu.memory_space<vmem>> -> memref<64x256xf32, #tpu.memory_space<vmem>>
      %dma_start3A_1057 = arith.constant 0 : i32
      %dma_start3A_1058 = tpu.memref_slice %arg4[%add3A_1051, %multiple_of3A, %dma_start3A_1057] : memref<300x1024x256xf32, #tpu.memory_space<hbm>> -> memref<1x64x256xf32, #tpu.memory_space<hbm>>
      %dma_start3A_1059 = tpu.memref_squeeze %dma_start3A_1058 : memref<1x64x256xf32, #tpu.memory_space<hbm>> -> memref<64x256xf32, #tpu.memory_space<hbm>>
      %dma_start3A_1060 = arith.constant 0 : i32
      %dma_start3A_1061 = tpu.memref_slice %arg4[%add3A_1051, %multiple_of3A, %dma_start3A_1060] : memref<300x1024x256xf32, #tpu.memory_space<hbm>> -> memref<1x64x256xf32, #tpu.memory_space<hbm>>
      %dma_start3A_1062 = tpu.memref_squeeze %dma_start3A_1061 : memref<1x64x256xf32, #tpu.memory_space<hbm>> -> memref<64x256xf32, #tpu.memory_space<hbm>>
      %dma_start3A_1063 = arith.constant 0 : i32
      %dma_start3A_1064 = arith.constant 0 : i32
      %dma_start3A_1065 = tpu.memref_slice %arg6[%dma_start3A_1052, %dma_start3A_1063, %dma_start3A_1064] : memref<6x64x256xf32, #tpu.memory_space<vmem>> -> memref<1x64x256xf32, #tpu.memory_space<vmem>>
      %dma_start3A_1066 = tpu.memref_squeeze %dma_start3A_1065 : memref<1x64x256xf32, #tpu.memory_space<vmem>> -> memref<64x256xf32, #tpu.memory_space<vmem>>
      tpu.enqueue_dma source(%dma_start3A_1066 : memref<64x256xf32, #tpu.memory_space<vmem>>) target(%dma_start3A_1062 : memref<64x256xf32, #tpu.memory_space<hbm>>) target_semaphore(%arg18 : memref<!tpu.dma_semaphore, #tpu.memory_space<semaphore_mem>>)
      %add3A_1067 = arith.constant 5 : i32
      %add3A_1068 = arith.addi %mul3A_722, %add3A_1067 : i32
      %add3A_1069 = arith.addi %mul3A_18, %add3A_1068 : i32
      %dma_wait3A_1070 = arith.constant 2 : i32
      %dma_wait3A_1071 = arith.constant 0 : i32
      %dma_wait3A_1072 = arith.constant 0 : i32
      %dma_wait3A_1073 = tpu.memref_slice %arg6[%dma_wait3A_1070, %dma_wait3A_1071, %dma_wait3A_1072] : memref<6x64x256xf32, #tpu.memory_space<vmem>> -> memref<1x64x256xf32, #tpu.memory_space<vmem>>
      %dma_wait3A_1074 = tpu.memref_squeeze %dma_wait3A_1073 : memref<1x64x256xf32, #tpu.memory_space<vmem>> -> memref<64x256xf32, #tpu.memory_space<vmem>>
      %dma_wait3A_1075 = arith.constant 0 : i32
      %dma_wait3A_1076 = tpu.memref_slice %arg4[%add3A_1069, %multiple_of3A, %dma_wait3A_1075] : memref<300x1024x256xf32, #tpu.memory_space<hbm>> -> memref<1x64x256xf32, #tpu.memory_space<hbm>>
      %dma_wait3A_1077 = tpu.memref_squeeze %dma_wait3A_1076 : memref<1x64x256xf32, #tpu.memory_space<hbm>> -> memref<64x256xf32, #tpu.memory_space<hbm>>
      %dma_wait3A_1078 = arith.constant 0 : i32
      %dma_wait3A_1079 = tpu.memref_slice %arg4[%add3A_1069, %multiple_of3A, %dma_wait3A_1078] : memref<300x1024x256xf32, #tpu.memory_space<hbm>> -> memref<1x64x256xf32, #tpu.memory_space<hbm>>
      %dma_wait3A_1080 = tpu.memref_squeeze %dma_wait3A_1079 : memref<1x64x256xf32, #tpu.memory_space<hbm>> -> memref<64x256xf32, #tpu.memory_space<hbm>>
      %dma_wait3A_1081 = arith.constant 0 : i32
      %dma_wait3A_1082 = arith.constant 0 : i32
      %dma_wait3A_1083 = tpu.memref_slice %arg6[%dma_wait3A_1070, %dma_wait3A_1081, %dma_wait3A_1082] : memref<6x64x256xf32, #tpu.memory_space<vmem>> -> memref<1x64x256xf32, #tpu.memory_space<vmem>>
      %dma_wait3A_1084 = tpu.memref_squeeze %dma_wait3A_1083 : memref<1x64x256xf32, #tpu.memory_space<vmem>> -> memref<64x256xf32, #tpu.memory_space<vmem>>
      tpu.wait_dma2 semaphore(%arg15 : memref<!tpu.dma_semaphore, #tpu.memory_space<semaphore_mem>>) src(%dma_wait3A_1084 : memref<64x256xf32, #tpu.memory_space<vmem>>) dst(%dma_wait3A_1080 : memref<64x256xf32, #tpu.memory_space<hbm>>)
      %add3A_1085 = arith.constant 5 : i32
      %add3A_1086 = arith.addi %mul3A_722, %add3A_1085 : i32
      %add3A_1087 = arith.constant 3 : i32
      %add3A_1088 = arith.addi %add3A_1086, %add3A_1087 : i32
      %mul3A_1089 = arith.constant 64 : i32
      %mul3A_1090 = arith.muli %add3A_1088, %mul3A_1089 : i32
      %multiple_of3A_1091 = tpu.assume_multiple %mul3A_1090, 8 : i32
      %dma_start3A_1092 = arith.constant 2 : i32
      %dma_start3A_1093 = arith.constant 0 : i32
      %dma_start3A_1094 = arith.constant 0 : i32
      %dma_start3A_1095 = tpu.memref_slice %arg6[%dma_start3A_1092, %dma_start3A_1093, %dma_start3A_1094] : memref<6x64x256xf32, #tpu.memory_space<vmem>> -> memref<1x64x256xf32, #tpu.memory_space<vmem>>
      %dma_start3A_1096 = tpu.memref_squeeze %dma_start3A_1095 : memref<1x64x256xf32, #tpu.memory_space<vmem>> -> memref<64x256xf32, #tpu.memory_space<vmem>>
      %dma_start3A_1097 = tpu.memref_slice %arg5[%multiple_of3A_1091] : memref<9600xi32, #tpu.memory_space<vmem>> -> memref<64xi32, #tpu.memory_space<vmem>>
      %dma_start3A_1098 = arith.constant 0 : i32
      %dma_start3A_1099 = arith.constant 0 : i32
      %dma_start3A_1100 = tpu.memref_slice %arg2[%dma_start3A_1098, %dma_start3A_1099] : memref<5184x256xf32, #tpu.memory_space<hbm>> -> memref<5184x256xf32, #tpu.memory_space<hbm>>
      tpu.enqueue_indirect_dma source(%dma_start3A_1100 : memref<5184x256xf32, #tpu.memory_space<hbm>>) target(%dma_start3A_1096 : memref<64x256xf32, #tpu.memory_space<vmem>>) offsets(%dma_start3A_1097 : memref<64xi32, #tpu.memory_space<vmem>>) semaphore(%arg9 : memref<!tpu.dma_semaphore, #tpu.memory_space<semaphore_mem>>)
    }
    %scan3A_371 = arith.constant 23 : i32
    %dma_wait3A_372 = arith.constant 0 : i32
    %dma_wait3A_373 = arith.constant 0 : i32
    %dma_wait3A_374 = arith.constant 0 : i32
    %dma_wait3A_375 = tpu.memref_slice %arg6[%dma_wait3A_372, %dma_wait3A_373, %dma_wait3A_374] : memref<6x64x256xf32, #tpu.memory_space<vmem>> -> memref<1x64x256xf32, #tpu.memory_space<vmem>>
    %dma_wait3A_376 = tpu.memref_squeeze %dma_wait3A_375 : memref<1x64x256xf32, #tpu.memory_space<vmem>> -> memref<64x256xf32, #tpu.memory_space<vmem>>
    %dma_wait3A_377 = arith.constant 0 : i32
    %dma_wait3A_378 = tpu.memref_slice %arg5[%dma_wait3A_377] : memref<9600xi32, #tpu.memory_space<vmem>> -> memref<64xi32, #tpu.memory_space<vmem>>
    %dma_wait3A_379 = arith.constant 0 : i32
    %dma_wait3A_380 = arith.constant 0 : i32
    %dma_wait3A_381 = tpu.memref_slice %arg2[%dma_wait3A_379, %dma_wait3A_380] : memref<5184x256xf32, #tpu.memory_space<hbm>> -> memref<5184x256xf32, #tpu.memory_space<hbm>>
    tpu.wait_indirect_dma semaphore(%arg7 : memref<!tpu.dma_semaphore, #tpu.memory_space<semaphore_mem>>) src(%dma_wait3A_381 : memref<5184x256xf32, #tpu.memory_space<hbm>>) dst(%dma_wait3A_376 : memref<64x256xf32, #tpu.memory_space<vmem>>)
    %add3A_382 = arith.constant 144 : i32
    %add3A_383 = arith.addi %mul3A_18, %add3A_382 : i32
    %dma_start3A_384 = arith.constant 0 : i32
    %dma_start3A_385 = arith.constant 0 : i32
    %dma_start3A_386 = arith.constant 0 : i32
    %dma_start3A_387 = tpu.memref_slice %arg6[%dma_start3A_384, %dma_start3A_385, %dma_start3A_386] : memref<6x64x256xf32, #tpu.memory_space<vmem>> -> memref<1x64x256xf32, #tpu.memory_space<vmem>>
    %dma_start3A_388 = tpu.memref_squeeze %dma_start3A_387 : memref<1x64x256xf32, #tpu.memory_space<vmem>> -> memref<64x256xf32, #tpu.memory_space<vmem>>
    %dma_start3A_389 = arith.constant 0 : i32
    %dma_start3A_390 = tpu.memref_slice %arg4[%add3A_383, %multiple_of3A, %dma_start3A_389] : memref<300x1024x256xf32, #tpu.memory_space<hbm>> -> memref<1x64x256xf32, #tpu.memory_space<hbm>>
    %dma_start3A_391 = tpu.memref_squeeze %dma_start3A_390 : memref<1x64x256xf32, #tpu.memory_space<hbm>> -> memref<64x256xf32, #tpu.memory_space<hbm>>
    %dma_start3A_392 = arith.constant 0 : i32
    %dma_start3A_393 = tpu.memref_slice %arg4[%add3A_383, %multiple_of3A, %dma_start3A_392] : memref<300x1024x256xf32, #tpu.memory_space<hbm>> -> memref<1x64x256xf32, #tpu.memory_space<hbm>>
    %dma_start3A_394 = tpu.memref_squeeze %dma_start3A_393 : memref<1x64x256xf32, #tpu.memory_space<hbm>> -> memref<64x256xf32, #tpu.memory_space<hbm>>
    %dma_start3A_395 = arith.constant 0 : i32
    %dma_start3A_396 = arith.constant 0 : i32
    %dma_start3A_397 = tpu.memref_slice %arg6[%dma_start3A_384, %dma_start3A_395, %dma_start3A_396] : memref<6x64x256xf32, #tpu.memory_space<vmem>> -> memref<1x64x256xf32, #tpu.memory_space<vmem>>
    %dma_start3A_398 = tpu.memref_squeeze %dma_start3A_397 : memref<1x64x256xf32, #tpu.memory_space<vmem>> -> memref<64x256xf32, #tpu.memory_space<vmem>>
    tpu.enqueue_dma source(%dma_start3A_398 : memref<64x256xf32, #tpu.memory_space<vmem>>) target(%dma_start3A_394 : memref<64x256xf32, #tpu.memory_space<hbm>>) target_semaphore(%arg13 : memref<!tpu.dma_semaphore, #tpu.memory_space<semaphore_mem>>)
    %add3A_399 = arith.constant 141 : i32
    %add3A_400 = arith.addi %mul3A_18, %add3A_399 : i32
    %dma_wait3A_401 = arith.constant 3 : i32
    %dma_wait3A_402 = arith.constant 0 : i32
    %dma_wait3A_403 = arith.constant 0 : i32
    %dma_wait3A_404 = tpu.memref_slice %arg6[%dma_wait3A_401, %dma_wait3A_402, %dma_wait3A_403] : memref<6x64x256xf32, #tpu.memory_space<vmem>> -> memref<1x64x256xf32, #tpu.memory_space<vmem>>
    %dma_wait3A_405 = tpu.memref_squeeze %dma_wait3A_404 : memref<1x64x256xf32, #tpu.memory_space<vmem>> -> memref<64x256xf32, #tpu.memory_space<vmem>>
    %dma_wait3A_406 = arith.constant 0 : i32
    %dma_wait3A_407 = tpu.memref_slice %arg4[%add3A_400, %multiple_of3A, %dma_wait3A_406] : memref<300x1024x256xf32, #tpu.memory_space<hbm>> -> memref<1x64x256xf32, #tpu.memory_space<hbm>>
    %dma_wait3A_408 = tpu.memref_squeeze %dma_wait3A_407 : memref<1x64x256xf32, #tpu.memory_space<hbm>> -> memref<64x256xf32, #tpu.memory_space<hbm>>
    %dma_wait3A_409 = arith.constant 0 : i32
    %dma_wait3A_410 = tpu.memref_slice %arg4[%add3A_400, %multiple_of3A, %dma_wait3A_409] : memref<300x1024x256xf32, #tpu.memory_space<hbm>> -> memref<1x64x256xf32, #tpu.memory_space<hbm>>
    %dma_wait3A_411 = tpu.memref_squeeze %dma_wait3A_410 : memref<1x64x256xf32, #tpu.memory_space<hbm>> -> memref<64x256xf32, #tpu.memory_space<hbm>>
    %dma_wait3A_412 = arith.constant 0 : i32
    %dma_wait3A_413 = arith.constant 0 : i32
    %dma_wait3A_414 = tpu.memref_slice %arg6[%dma_wait3A_401, %dma_wait3A_412, %dma_wait3A_413] : memref<6x64x256xf32, #tpu.memory_space<vmem>> -> memref<1x64x256xf32, #tpu.memory_space<vmem>>
    %dma_wait3A_415 = tpu.memref_squeeze %dma_wait3A_414 : memref<1x64x256xf32, #tpu.memory_space<vmem>> -> memref<64x256xf32, #tpu.memory_space<vmem>>
    tpu.wait_dma2 semaphore(%arg16 : memref<!tpu.dma_semaphore, #tpu.memory_space<semaphore_mem>>) src(%dma_wait3A_415 : memref<64x256xf32, #tpu.memory_space<vmem>>) dst(%dma_wait3A_411 : memref<64x256xf32, #tpu.memory_space<hbm>>)
    %multiple_of3A_416 = arith.constant 9408 : i32
    %multiple_of3A_417 = tpu.assume_multiple %multiple_of3A_416, 8 : i32
    %dma_start3A_418 = arith.constant 3 : i32
    %dma_start3A_419 = arith.constant 0 : i32
    %dma_start3A_420 = arith.constant 0 : i32
    %dma_start3A_421 = tpu.memref_slice %arg6[%dma_start3A_418, %dma_start3A_419, %dma_start3A_420] : memref<6x64x256xf32, #tpu.memory_space<vmem>> -> memref<1x64x256xf32, #tpu.memory_space<vmem>>
    %dma_start3A_422 = tpu.memref_squeeze %dma_start3A_421 : memref<1x64x256xf32, #tpu.memory_space<vmem>> -> memref<64x256xf32, #tpu.memory_space<vmem>>
    %dma_start3A_423 = tpu.memref_slice %arg5[%multiple_of3A_417] : memref<9600xi32, #tpu.memory_space<vmem>> -> memref<64xi32, #tpu.memory_space<vmem>>
    %dma_start3A_424 = arith.constant 0 : i32
    %dma_start3A_425 = arith.constant 0 : i32
    %dma_start3A_426 = tpu.memref_slice %arg2[%dma_start3A_424, %dma_start3A_425] : memref<5184x256xf32, #tpu.memory_space<hbm>> -> memref<5184x256xf32, #tpu.memory_space<hbm>>
    tpu.enqueue_indirect_dma source(%dma_start3A_426 : memref<5184x256xf32, #tpu.memory_space<hbm>>) target(%dma_start3A_422 : memref<64x256xf32, #tpu.memory_space<vmem>>) offsets(%dma_start3A_423 : memref<64xi32, #tpu.memory_space<vmem>>) semaphore(%arg10 : memref<!tpu.dma_semaphore, #tpu.memory_space<semaphore_mem>>)
    %dma_wait3A_427 = arith.constant 1 : i32
    %dma_wait3A_428 = arith.constant 0 : i32
    %dma_wait3A_429 = arith.constant 0 : i32
    %dma_wait3A_430 = tpu.memref_slice %arg6[%dma_wait3A_427, %dma_wait3A_428, %dma_wait3A_429] : memref<6x64x256xf32, #tpu.memory_space<vmem>> -> memref<1x64x256xf32, #tpu.memory_space<vmem>>
    %dma_wait3A_431 = tpu.memref_squeeze %dma_wait3A_430 : memref<1x64x256xf32, #tpu.memory_space<vmem>> -> memref<64x256xf32, #tpu.memory_space<vmem>>
    %dma_wait3A_432 = arith.constant 0 : i32
    %dma_wait3A_433 = tpu.memref_slice %arg5[%dma_wait3A_432] : memref<9600xi32, #tpu.memory_space<vmem>> -> memref<64xi32, #tpu.memory_space<vmem>>
    %dma_wait3A_434 = arith.constant 0 : i32
    %dma_wait3A_435 = arith.constant 0 : i32
    %dma_wait3A_436 = tpu.memref_slice %arg2[%dma_wait3A_434, %dma_wait3A_435] : memref<5184x256xf32, #tpu.memory_space<hbm>> -> memref<5184x256xf32, #tpu.memory_space<hbm>>
    tpu.wait_indirect_dma semaphore(%arg8 : memref<!tpu.dma_semaphore, #tpu.memory_space<semaphore_mem>>) src(%dma_wait3A_436 : memref<5184x256xf32, #tpu.memory_space<hbm>>) dst(%dma_wait3A_431 : memref<64x256xf32, #tpu.memory_space<vmem>>)
    %add3A_437 = arith.constant 145 : i32
    %add3A_438 = arith.addi %mul3A_18, %add3A_437 : i32
    %dma_start3A_439 = arith.constant 1 : i32
    %dma_start3A_440 = arith.constant 0 : i32
    %dma_start3A_441 = arith.constant 0 : i32
    %dma_start3A_442 = tpu.memref_slice %arg6[%dma_start3A_439, %dma_start3A_440, %dma_start3A_441] : memref<6x64x256xf32, #tpu.memory_space<vmem>> -> memref<1x64x256xf32, #tpu.memory_space<vmem>>
    %dma_start3A_443 = tpu.memref_squeeze %dma_start3A_442 : memref<1x64x256xf32, #tpu.memory_space<vmem>> -> memref<64x256xf32, #tpu.memory_space<vmem>>
    %dma_start3A_444 = arith.constant 0 : i32
    %dma_start3A_445 = tpu.memref_slice %arg4[%add3A_438, %multiple_of3A, %dma_start3A_444] : memref<300x1024x256xf32, #tpu.memory_space<hbm>> -> memref<1x64x256xf32, #tpu.memory_space<hbm>>
    %dma_start3A_446 = tpu.memref_squeeze %dma_start3A_445 : memref<1x64x256xf32, #tpu.memory_space<hbm>> -> memref<64x256xf32, #tpu.memory_space<hbm>>
    %dma_start3A_447 = arith.constant 0 : i32
    %dma_start3A_448 = tpu.memref_slice %arg4[%add3A_438, %multiple_of3A, %dma_start3A_447] : memref<300x1024x256xf32, #tpu.memory_space<hbm>> -> memref<1x64x256xf32, #tpu.memory_space<hbm>>
    %dma_start3A_449 = tpu.memref_squeeze %dma_start3A_448 : memref<1x64x256xf32, #tpu.memory_space<hbm>> -> memref<64x256xf32, #tpu.memory_space<hbm>>
    %dma_start3A_450 = arith.constant 0 : i32
    %dma_start3A_451 = arith.constant 0 : i32
    %dma_start3A_452 = tpu.memref_slice %arg6[%dma_start3A_439, %dma_start3A_450, %dma_start3A_451] : memref<6x64x256xf32, #tpu.memory_space<vmem>> -> memref<1x64x256xf32, #tpu.memory_space<vmem>>
    %dma_start3A_453 = tpu.memref_squeeze %dma_start3A_452 : memref<1x64x256xf32, #tpu.memory_space<vmem>> -> memref<64x256xf32, #tpu.memory_space<vmem>>
    tpu.enqueue_dma source(%dma_start3A_453 : memref<64x256xf32, #tpu.memory_space<vmem>>) target(%dma_start3A_449 : memref<64x256xf32, #tpu.memory_space<hbm>>) target_semaphore(%arg14 : memref<!tpu.dma_semaphore, #tpu.memory_space<semaphore_mem>>)
    %add3A_454 = arith.constant 142 : i32
    %add3A_455 = arith.addi %mul3A_18, %add3A_454 : i32
    %dma_wait3A_456 = arith.constant 4 : i32
    %dma_wait3A_457 = arith.constant 0 : i32
    %dma_wait3A_458 = arith.constant 0 : i32
    %dma_wait3A_459 = tpu.memref_slice %arg6[%dma_wait3A_456, %dma_wait3A_457, %dma_wait3A_458] : memref<6x64x256xf32, #tpu.memory_space<vmem>> -> memref<1x64x256xf32, #tpu.memory_space<vmem>>
    %dma_wait3A_460 = tpu.memref_squeeze %dma_wait3A_459 : memref<1x64x256xf32, #tpu.memory_space<vmem>> -> memref<64x256xf32, #tpu.memory_space<vmem>>
    %dma_wait3A_461 = arith.constant 0 : i32
    %dma_wait3A_462 = tpu.memref_slice %arg4[%add3A_455, %multiple_of3A, %dma_wait3A_461] : memref<300x1024x256xf32, #tpu.memory_space<hbm>> -> memref<1x64x256xf32, #tpu.memory_space<hbm>>
    %dma_wait3A_463 = tpu.memref_squeeze %dma_wait3A_462 : memref<1x64x256xf32, #tpu.memory_space<hbm>> -> memref<64x256xf32, #tpu.memory_space<hbm>>
    %dma_wait3A_464 = arith.constant 0 : i32
    %dma_wait3A_465 = tpu.memref_slice %arg4[%add3A_455, %multiple_of3A, %dma_wait3A_464] : memref<300x1024x256xf32, #tpu.memory_space<hbm>> -> memref<1x64x256xf32, #tpu.memory_space<hbm>>
    %dma_wait3A_466 = tpu.memref_squeeze %dma_wait3A_465 : memref<1x64x256xf32, #tpu.memory_space<hbm>> -> memref<64x256xf32, #tpu.memory_space<hbm>>
    %dma_wait3A_467 = arith.constant 0 : i32
    %dma_wait3A_468 = arith.constant 0 : i32
    %dma_wait3A_469 = tpu.memref_slice %arg6[%dma_wait3A_456, %dma_wait3A_467, %dma_wait3A_468] : memref<6x64x256xf32, #tpu.memory_space<vmem>> -> memref<1x64x256xf32, #tpu.memory_space<vmem>>
    %dma_wait3A_470 = tpu.memref_squeeze %dma_wait3A_469 : memref<1x64x256xf32, #tpu.memory_space<vmem>> -> memref<64x256xf32, #tpu.memory_space<vmem>>
    tpu.wait_dma2 semaphore(%arg17 : memref<!tpu.dma_semaphore, #tpu.memory_space<semaphore_mem>>) src(%dma_wait3A_470 : memref<64x256xf32, #tpu.memory_space<vmem>>) dst(%dma_wait3A_466 : memref<64x256xf32, #tpu.memory_space<hbm>>)
    %multiple_of3A_471 = arith.constant 9472 : i32
    %multiple_of3A_472 = tpu.assume_multiple %multiple_of3A_471, 8 : i32
    %dma_start3A_473 = arith.constant 4 : i32
    %dma_start3A_474 = arith.constant 0 : i32
    %dma_start3A_475 = arith.constant 0 : i32
    %dma_start3A_476 = tpu.memref_slice %arg6[%dma_start3A_473, %dma_start3A_474, %dma_start3A_475] : memref<6x64x256xf32, #tpu.memory_space<vmem>> -> memref<1x64x256xf32, #tpu.memory_space<vmem>>
    %dma_start3A_477 = tpu.memref_squeeze %dma_start3A_476 : memref<1x64x256xf32, #tpu.memory_space<vmem>> -> memref<64x256xf32, #tpu.memory_space<vmem>>
    %dma_start3A_478 = tpu.memref_slice %arg5[%multiple_of3A_472] : memref<9600xi32, #tpu.memory_space<vmem>> -> memref<64xi32, #tpu.memory_space<vmem>>
    %dma_start3A_479 = arith.constant 0 : i32
    %dma_start3A_480 = arith.constant 0 : i32
    %dma_start3A_481 = tpu.memref_slice %arg2[%dma_start3A_479, %dma_start3A_480] : memref<5184x256xf32, #tpu.memory_space<hbm>> -> memref<5184x256xf32, #tpu.memory_space<hbm>>
    tpu.enqueue_indirect_dma source(%dma_start3A_481 : memref<5184x256xf32, #tpu.memory_space<hbm>>) target(%dma_start3A_477 : memref<64x256xf32, #tpu.memory_space<vmem>>) offsets(%dma_start3A_478 : memref<64xi32, #tpu.memory_space<vmem>>) semaphore(%arg11 : memref<!tpu.dma_semaphore, #tpu.memory_space<semaphore_mem>>)
    %dma_wait3A_482 = arith.constant 2 : i32
    %dma_wait3A_483 = arith.constant 0 : i32
    %dma_wait3A_484 = arith.constant 0 : i32
    %dma_wait3A_485 = tpu.memref_slice %arg6[%dma_wait3A_482, %dma_wait3A_483, %dma_wait3A_484] : memref<6x64x256xf32, #tpu.memory_space<vmem>> -> memref<1x64x256xf32, #tpu.memory_space<vmem>>
    %dma_wait3A_486 = tpu.memref_squeeze %dma_wait3A_485 : memref<1x64x256xf32, #tpu.memory_space<vmem>> -> memref<64x256xf32, #tpu.memory_space<vmem>>
    %dma_wait3A_487 = arith.constant 0 : i32
    %dma_wait3A_488 = tpu.memref_slice %arg5[%dma_wait3A_487] : memref<9600xi32, #tpu.memory_space<vmem>> -> memref<64xi32, #tpu.memory_space<vmem>>
    %dma_wait3A_489 = arith.constant 0 : i32
    %dma_wait3A_490 = arith.constant 0 : i32
    %dma_wait3A_491 = tpu.memref_slice %arg2[%dma_wait3A_489, %dma_wait3A_490] : memref<5184x256xf32, #tpu.memory_space<hbm>> -> memref<5184x256xf32, #tpu.memory_space<hbm>>
    tpu.wait_indirect_dma semaphore(%arg9 : memref<!tpu.dma_semaphore, #tpu.memory_space<semaphore_mem>>) src(%dma_wait3A_491 : memref<5184x256xf32, #tpu.memory_space<hbm>>) dst(%dma_wait3A_486 : memref<64x256xf32, #tpu.memory_space<vmem>>)
    %add3A_492 = arith.constant 146 : i32
    %add3A_493 = arith.addi %mul3A_18, %add3A_492 : i32
    %dma_start3A_494 = arith.constant 2 : i32
    %dma_start3A_495 = arith.constant 0 : i32
    %dma_start3A_496 = arith.constant 0 : i32
    %dma_start3A_497 = tpu.memref_slice %arg6[%dma_start3A_494, %dma_start3A_495, %dma_start3A_496] : memref<6x64x256xf32, #tpu.memory_space<vmem>> -> memref<1x64x256xf32, #tpu.memory_space<vmem>>
    %dma_start3A_498 = tpu.memref_squeeze %dma_start3A_497 : memref<1x64x256xf32, #tpu.memory_space<vmem>> -> memref<64x256xf32, #tpu.memory_space<vmem>>
    %dma_start3A_499 = arith.constant 0 : i32
    %dma_start3A_500 = tpu.memref_slice %arg4[%add3A_493, %multiple_of3A, %dma_start3A_499] : memref<300x1024x256xf32, #tpu.memory_space<hbm>> -> memref<1x64x256xf32, #tpu.memory_space<hbm>>
    %dma_start3A_501 = tpu.memref_squeeze %dma_start3A_500 : memref<1x64x256xf32, #tpu.memory_space<hbm>> -> memref<64x256xf32, #tpu.memory_space<hbm>>
    %dma_start3A_502 = arith.constant 0 : i32
    %dma_start3A_503 = tpu.memref_slice %arg4[%add3A_493, %multiple_of3A, %dma_start3A_502] : memref<300x1024x256xf32, #tpu.memory_space<hbm>> -> memref<1x64x256xf32, #tpu.memory_space<hbm>>
    %dma_start3A_504 = tpu.memref_squeeze %dma_start3A_503 : memref<1x64x256xf32, #tpu.memory_space<hbm>> -> memref<64x256xf32, #tpu.memory_space<hbm>>
    %dma_start3A_505 = arith.constant 0 : i32
    %dma_start3A_506 = arith.constant 0 : i32
    %dma_start3A_507 = tpu.memref_slice %arg6[%dma_start3A_494, %dma_start3A_505, %dma_start3A_506] : memref<6x64x256xf32, #tpu.memory_space<vmem>> -> memref<1x64x256xf32, #tpu.memory_space<vmem>>
    %dma_start3A_508 = tpu.memref_squeeze %dma_start3A_507 : memref<1x64x256xf32, #tpu.memory_space<vmem>> -> memref<64x256xf32, #tpu.memory_space<vmem>>
    tpu.enqueue_dma source(%dma_start3A_508 : memref<64x256xf32, #tpu.memory_space<vmem>>) target(%dma_start3A_504 : memref<64x256xf32, #tpu.memory_space<hbm>>) target_semaphore(%arg15 : memref<!tpu.dma_semaphore, #tpu.memory_space<semaphore_mem>>)
    %add3A_509 = arith.constant 143 : i32
    %add3A_510 = arith.addi %mul3A_18, %add3A_509 : i32
    %dma_wait3A_511 = arith.constant 5 : i32
    %dma_wait3A_512 = arith.constant 0 : i32
    %dma_wait3A_513 = arith.constant 0 : i32
    %dma_wait3A_514 = tpu.memref_slice %arg6[%dma_wait3A_511, %dma_wait3A_512, %dma_wait3A_513] : memref<6x64x256xf32, #tpu.memory_space<vmem>> -> memref<1x64x256xf32, #tpu.memory_space<vmem>>
    %dma_wait3A_515 = tpu.memref_squeeze %dma_wait3A_514 : memref<1x64x256xf32, #tpu.memory_space<vmem>> -> memref<64x256xf32, #tpu.memory_space<vmem>>
    %dma_wait3A_516 = arith.constant 0 : i32
    %dma_wait3A_517 = tpu.memref_slice %arg4[%add3A_510, %multiple_of3A, %dma_wait3A_516] : memref<300x1024x256xf32, #tpu.memory_space<hbm>> -> memref<1x64x256xf32, #tpu.memory_space<hbm>>
    %dma_wait3A_518 = tpu.memref_squeeze %dma_wait3A_517 : memref<1x64x256xf32, #tpu.memory_space<hbm>> -> memref<64x256xf32, #tpu.memory_space<hbm>>
    %dma_wait3A_519 = arith.constant 0 : i32
    %dma_wait3A_520 = tpu.memref_slice %arg4[%add3A_510, %multiple_of3A, %dma_wait3A_519] : memref<300x1024x256xf32, #tpu.memory_space<hbm>> -> memref<1x64x256xf32, #tpu.memory_space<hbm>>
    %dma_wait3A_521 = tpu.memref_squeeze %dma_wait3A_520 : memref<1x64x256xf32, #tpu.memory_space<hbm>> -> memref<64x256xf32, #tpu.memory_space<hbm>>
    %dma_wait3A_522 = arith.constant 0 : i32
    %dma_wait3A_523 = arith.constant 0 : i32
    %dma_wait3A_524 = tpu.memref_slice %arg6[%dma_wait3A_511, %dma_wait3A_522, %dma_wait3A_523] : memref<6x64x256xf32, #tpu.memory_space<vmem>> -> memref<1x64x256xf32, #tpu.memory_space<vmem>>
    %dma_wait3A_525 = tpu.memref_squeeze %dma_wait3A_524 : memref<1x64x256xf32, #tpu.memory_space<vmem>> -> memref<64x256xf32, #tpu.memory_space<vmem>>
    tpu.wait_dma2 semaphore(%arg18 : memref<!tpu.dma_semaphore, #tpu.memory_space<semaphore_mem>>) src(%dma_wait3A_525 : memref<64x256xf32, #tpu.memory_space<vmem>>) dst(%dma_wait3A_521 : memref<64x256xf32, #tpu.memory_space<hbm>>)
    %multiple_of3A_526 = arith.constant 9536 : i32
    %multiple_of3A_527 = tpu.assume_multiple %multiple_of3A_526, 8 : i32
    %dma_start3A_528 = arith.constant 5 : i32
    %dma_start3A_529 = arith.constant 0 : i32
    %dma_start3A_530 = arith.constant 0 : i32
    %dma_start3A_531 = tpu.memref_slice %arg6[%dma_start3A_528, %dma_start3A_529, %dma_start3A_530] : memref<6x64x256xf32, #tpu.memory_space<vmem>> -> memref<1x64x256xf32, #tpu.memory_space<vmem>>
    %dma_start3A_532 = tpu.memref_squeeze %dma_start3A_531 : memref<1x64x256xf32, #tpu.memory_space<vmem>> -> memref<64x256xf32, #tpu.memory_space<vmem>>
    %dma_start3A_533 = tpu.memref_slice %arg5[%multiple_of3A_527] : memref<9600xi32, #tpu.memory_space<vmem>> -> memref<64xi32, #tpu.memory_space<vmem>>
    %dma_start3A_534 = arith.constant 0 : i32
    %dma_start3A_535 = arith.constant 0 : i32
    %dma_start3A_536 = tpu.memref_slice %arg2[%dma_start3A_534, %dma_start3A_535] : memref<5184x256xf32, #tpu.memory_space<hbm>> -> memref<5184x256xf32, #tpu.memory_space<hbm>>
    tpu.enqueue_indirect_dma source(%dma_start3A_536 : memref<5184x256xf32, #tpu.memory_space<hbm>>) target(%dma_start3A_532 : memref<64x256xf32, #tpu.memory_space<vmem>>) offsets(%dma_start3A_533 : memref<64xi32, #tpu.memory_space<vmem>>) semaphore(%arg12 : memref<!tpu.dma_semaphore, #tpu.memory_space<semaphore_mem>>)
    %dma_wait3A_537 = arith.constant 3 : i32
    %dma_wait3A_538 = arith.constant 0 : i32
    %dma_wait3A_539 = arith.constant 0 : i32
    %dma_wait3A_540 = tpu.memref_slice %arg6[%dma_wait3A_537, %dma_wait3A_538, %dma_wait3A_539] : memref<6x64x256xf32, #tpu.memory_space<vmem>> -> memref<1x64x256xf32, #tpu.memory_space<vmem>>
    %dma_wait3A_541 = tpu.memref_squeeze %dma_wait3A_540 : memref<1x64x256xf32, #tpu.memory_space<vmem>> -> memref<64x256xf32, #tpu.memory_space<vmem>>
    %dma_wait3A_542 = arith.constant 0 : i32
    %dma_wait3A_543 = tpu.memref_slice %arg5[%dma_wait3A_542] : memref<9600xi32, #tpu.memory_space<vmem>> -> memref<64xi32, #tpu.memory_space<vmem>>
    %dma_wait3A_544 = arith.constant 0 : i32
    %dma_wait3A_545 = arith.constant 0 : i32
    %dma_wait3A_546 = tpu.memref_slice %arg2[%dma_wait3A_544, %dma_wait3A_545] : memref<5184x256xf32, #tpu.memory_space<hbm>> -> memref<5184x256xf32, #tpu.memory_space<hbm>>
    tpu.wait_indirect_dma semaphore(%arg10 : memref<!tpu.dma_semaphore, #tpu.memory_space<semaphore_mem>>) src(%dma_wait3A_546 : memref<5184x256xf32, #tpu.memory_space<hbm>>) dst(%dma_wait3A_541 : memref<64x256xf32, #tpu.memory_space<vmem>>)
    %add3A_547 = arith.constant 147 : i32
    %add3A_548 = arith.addi %mul3A_18, %add3A_547 : i32
    %dma_start3A_549 = arith.constant 3 : i32
    %dma_start3A_550 = arith.constant 0 : i32
    %dma_start3A_551 = arith.constant 0 : i32
    %dma_start3A_552 = tpu.memref_slice %arg6[%dma_start3A_549, %dma_start3A_550, %dma_start3A_551] : memref<6x64x256xf32, #tpu.memory_space<vmem>> -> memref<1x64x256xf32, #tpu.memory_space<vmem>>
    %dma_start3A_553 = tpu.memref_squeeze %dma_start3A_552 : memref<1x64x256xf32, #tpu.memory_space<vmem>> -> memref<64x256xf32, #tpu.memory_space<vmem>>
    %dma_start3A_554 = arith.constant 0 : i32
    %dma_start3A_555 = tpu.memref_slice %arg4[%add3A_548, %multiple_of3A, %dma_start3A_554] : memref<300x1024x256xf32, #tpu.memory_space<hbm>> -> memref<1x64x256xf32, #tpu.memory_space<hbm>>
    %dma_start3A_556 = tpu.memref_squeeze %dma_start3A_555 : memref<1x64x256xf32, #tpu.memory_space<hbm>> -> memref<64x256xf32, #tpu.memory_space<hbm>>
    %dma_start3A_557 = arith.constant 0 : i32
    %dma_start3A_558 = tpu.memref_slice %arg4[%add3A_548, %multiple_of3A, %dma_start3A_557] : memref<300x1024x256xf32, #tpu.memory_space<hbm>> -> memref<1x64x256xf32, #tpu.memory_space<hbm>>
    %dma_start3A_559 = tpu.memref_squeeze %dma_start3A_558 : memref<1x64x256xf32, #tpu.memory_space<hbm>> -> memref<64x256xf32, #tpu.memory_space<hbm>>
    %dma_start3A_560 = arith.constant 0 : i32
    %dma_start3A_561 = arith.constant 0 : i32
    %dma_start3A_562 = tpu.memref_slice %arg6[%dma_start3A_549, %dma_start3A_560, %dma_start3A_561] : memref<6x64x256xf32, #tpu.memory_space<vmem>> -> memref<1x64x256xf32, #tpu.memory_space<vmem>>
    %dma_start3A_563 = tpu.memref_squeeze %dma_start3A_562 : memref<1x64x256xf32, #tpu.memory_space<vmem>> -> memref<64x256xf32, #tpu.memory_space<vmem>>
    tpu.enqueue_dma source(%dma_start3A_563 : memref<64x256xf32, #tpu.memory_space<vmem>>) target(%dma_start3A_559 : memref<64x256xf32, #tpu.memory_space<hbm>>) target_semaphore(%arg16 : memref<!tpu.dma_semaphore, #tpu.memory_space<semaphore_mem>>)
    %dma_wait3A_564 = arith.constant 4 : i32
    %dma_wait3A_565 = arith.constant 0 : i32
    %dma_wait3A_566 = arith.constant 0 : i32
    %dma_wait3A_567 = tpu.memref_slice %arg6[%dma_wait3A_564, %dma_wait3A_565, %dma_wait3A_566] : memref<6x64x256xf32, #tpu.memory_space<vmem>> -> memref<1x64x256xf32, #tpu.memory_space<vmem>>
    %dma_wait3A_568 = tpu.memref_squeeze %dma_wait3A_567 : memref<1x64x256xf32, #tpu.memory_space<vmem>> -> memref<64x256xf32, #tpu.memory_space<vmem>>
    %dma_wait3A_569 = arith.constant 0 : i32
    %dma_wait3A_570 = tpu.memref_slice %arg5[%dma_wait3A_569] : memref<9600xi32, #tpu.memory_space<vmem>> -> memref<64xi32, #tpu.memory_space<vmem>>
    %dma_wait3A_571 = arith.constant 0 : i32
    %dma_wait3A_572 = arith.constant 0 : i32
    %dma_wait3A_573 = tpu.memref_slice %arg2[%dma_wait3A_571, %dma_wait3A_572] : memref<5184x256xf32, #tpu.memory_space<hbm>> -> memref<5184x256xf32, #tpu.memory_space<hbm>>
    tpu.wait_indirect_dma semaphore(%arg11 : memref<!tpu.dma_semaphore, #tpu.memory_space<semaphore_mem>>) src(%dma_wait3A_573 : memref<5184x256xf32, #tpu.memory_space<hbm>>) dst(%dma_wait3A_568 : memref<64x256xf32, #tpu.memory_space<vmem>>)
    %add3A_574 = arith.constant 148 : i32
    %add3A_575 = arith.addi %mul3A_18, %add3A_574 : i32
    %dma_start3A_576 = arith.constant 4 : i32
    %dma_start3A_577 = arith.constant 0 : i32
    %dma_start3A_578 = arith.constant 0 : i32
    %dma_start3A_579 = tpu.memref_slice %arg6[%dma_start3A_576, %dma_start3A_577, %dma_start3A_578] : memref<6x64x256xf32, #tpu.memory_space<vmem>> -> memref<1x64x256xf32, #tpu.memory_space<vmem>>
    %dma_start3A_580 = tpu.memref_squeeze %dma_start3A_579 : memref<1x64x256xf32, #tpu.memory_space<vmem>> -> memref<64x256xf32, #tpu.memory_space<vmem>>
    %dma_start3A_581 = arith.constant 0 : i32
    %dma_start3A_582 = tpu.memref_slice %arg4[%add3A_575, %multiple_of3A, %dma_start3A_581] : memref<300x1024x256xf32, #tpu.memory_space<hbm>> -> memref<1x64x256xf32, #tpu.memory_space<hbm>>
    %dma_start3A_583 = tpu.memref_squeeze %dma_start3A_582 : memref<1x64x256xf32, #tpu.memory_space<hbm>> -> memref<64x256xf32, #tpu.memory_space<hbm>>
    %dma_start3A_584 = arith.constant 0 : i32
    %dma_start3A_585 = tpu.memref_slice %arg4[%add3A_575, %multiple_of3A, %dma_start3A_584] : memref<300x1024x256xf32, #tpu.memory_space<hbm>> -> memref<1x64x256xf32, #tpu.memory_space<hbm>>
    %dma_start3A_586 = tpu.memref_squeeze %dma_start3A_585 : memref<1x64x256xf32, #tpu.memory_space<hbm>> -> memref<64x256xf32, #tpu.memory_space<hbm>>
    %dma_start3A_587 = arith.constant 0 : i32
    %dma_start3A_588 = arith.constant 0 : i32
    %dma_start3A_589 = tpu.memref_slice %arg6[%dma_start3A_576, %dma_start3A_587, %dma_start3A_588] : memref<6x64x256xf32, #tpu.memory_space<vmem>> -> memref<1x64x256xf32, #tpu.memory_space<vmem>>
    %dma_start3A_590 = tpu.memref_squeeze %dma_start3A_589 : memref<1x64x256xf32, #tpu.memory_space<vmem>> -> memref<64x256xf32, #tpu.memory_space<vmem>>
    tpu.enqueue_dma source(%dma_start3A_590 : memref<64x256xf32, #tpu.memory_space<vmem>>) target(%dma_start3A_586 : memref<64x256xf32, #tpu.memory_space<hbm>>) target_semaphore(%arg17 : memref<!tpu.dma_semaphore, #tpu.memory_space<semaphore_mem>>)
    %dma_wait3A_591 = arith.constant 5 : i32
    %dma_wait3A_592 = arith.constant 0 : i32
    %dma_wait3A_593 = arith.constant 0 : i32
    %dma_wait3A_594 = tpu.memref_slice %arg6[%dma_wait3A_591, %dma_wait3A_592, %dma_wait3A_593] : memref<6x64x256xf32, #tpu.memory_space<vmem>> -> memref<1x64x256xf32, #tpu.memory_space<vmem>>
    %dma_wait3A_595 = tpu.memref_squeeze %dma_wait3A_594 : memref<1x64x256xf32, #tpu.memory_space<vmem>> -> memref<64x256xf32, #tpu.memory_space<vmem>>
    %dma_wait3A_596 = arith.constant 0 : i32
    %dma_wait3A_597 = tpu.memref_slice %arg5[%dma_wait3A_596] : memref<9600xi32, #tpu.memory_space<vmem>> -> memref<64xi32, #tpu.memory_space<vmem>>
    %dma_wait3A_598 = arith.constant 0 : i32
    %dma_wait3A_599 = arith.constant 0 : i32
    %dma_wait3A_600 = tpu.memref_slice %arg2[%dma_wait3A_598, %dma_wait3A_599] : memref<5184x256xf32, #tpu.memory_space<hbm>> -> memref<5184x256xf32, #tpu.memory_space<hbm>>
    tpu.wait_indirect_dma semaphore(%arg12 : memref<!tpu.dma_semaphore, #tpu.memory_space<semaphore_mem>>) src(%dma_wait3A_600 : memref<5184x256xf32, #tpu.memory_space<hbm>>) dst(%dma_wait3A_595 : memref<64x256xf32, #tpu.memory_space<vmem>>)
    %add3A_601 = arith.constant 149 : i32
    %add3A_602 = arith.addi %mul3A_18, %add3A_601 : i32
    %dma_start3A_603 = arith.constant 5 : i32
    %dma_start3A_604 = arith.constant 0 : i32
    %dma_start3A_605 = arith.constant 0 : i32
    %dma_start3A_606 = tpu.memref_slice %arg6[%dma_start3A_603, %dma_start3A_604, %dma_start3A_605] : memref<6x64x256xf32, #tpu.memory_space<vmem>> -> memref<1x64x256xf32, #tpu.memory_space<vmem>>
    %dma_start3A_607 = tpu.memref_squeeze %dma_start3A_606 : memref<1x64x256xf32, #tpu.memory_space<vmem>> -> memref<64x256xf32, #tpu.memory_space<vmem>>
    %dma_start3A_608 = arith.constant 0 : i32
    %dma_start3A_609 = tpu.memref_slice %arg4[%add3A_602, %multiple_of3A, %dma_start3A_608] : memref<300x1024x256xf32, #tpu.memory_space<hbm>> -> memref<1x64x256xf32, #tpu.memory_space<hbm>>
    %dma_start3A_610 = tpu.memref_squeeze %dma_start3A_609 : memref<1x64x256xf32, #tpu.memory_space<hbm>> -> memref<64x256xf32, #tpu.memory_space<hbm>>
    %dma_start3A_611 = arith.constant 0 : i32
    %dma_start3A_612 = tpu.memref_slice %arg4[%add3A_602, %multiple_of3A, %dma_start3A_611] : memref<300x1024x256xf32, #tpu.memory_space<hbm>> -> memref<1x64x256xf32, #tpu.memory_space<hbm>>
    %dma_start3A_613 = tpu.memref_squeeze %dma_start3A_612 : memref<1x64x256xf32, #tpu.memory_space<hbm>> -> memref<64x256xf32, #tpu.memory_space<hbm>>
    %dma_start3A_614 = arith.constant 0 : i32
    %dma_start3A_615 = arith.constant 0 : i32
    %dma_start3A_616 = tpu.memref_slice %arg6[%dma_start3A_603, %dma_start3A_614, %dma_start3A_615] : memref<6x64x256xf32, #tpu.memory_space<vmem>> -> memref<1x64x256xf32, #tpu.memory_space<vmem>>
    %dma_start3A_617 = tpu.memref_squeeze %dma_start3A_616 : memref<1x64x256xf32, #tpu.memory_space<vmem>> -> memref<64x256xf32, #tpu.memory_space<vmem>>
    tpu.enqueue_dma source(%dma_start3A_617 : memref<64x256xf32, #tpu.memory_space<vmem>>) target(%dma_start3A_613 : memref<64x256xf32, #tpu.memory_space<hbm>>) target_semaphore(%arg18 : memref<!tpu.dma_semaphore, #tpu.memory_space<semaphore_mem>>)
    %add3A_618 = arith.constant 144 : i32
    %add3A_619 = arith.addi %mul3A_18, %add3A_618 : i32
    %dma_wait3A_620 = arith.constant 0 : i32
    %dma_wait3A_621 = arith.constant 0 : i32
    %dma_wait3A_622 = arith.constant 0 : i32
    %dma_wait3A_623 = tpu.memref_slice %arg6[%dma_wait3A_620, %dma_wait3A_621, %dma_wait3A_622] : memref<6x64x256xf32, #tpu.memory_space<vmem>> -> memref<1x64x256xf32, #tpu.memory_space<vmem>>
    %dma_wait3A_624 = tpu.memref_squeeze %dma_wait3A_623 : memref<1x64x256xf32, #tpu.memory_space<vmem>> -> memref<64x256xf32, #tpu.memory_space<vmem>>
    %dma_wait3A_625 = arith.constant 0 : i32
    %dma_wait3A_626 = tpu.memref_slice %arg4[%add3A_619, %multiple_of3A, %dma_wait3A_625] : memref<300x1024x256xf32, #tpu.memory_space<hbm>> -> memref<1x64x256xf32, #tpu.memory_space<hbm>>
    %dma_wait3A_627 = tpu.memref_squeeze %dma_wait3A_626 : memref<1x64x256xf32, #tpu.memory_space<hbm>> -> memref<64x256xf32, #tpu.memory_space<hbm>>
    %dma_wait3A_628 = arith.constant 0 : i32
    %dma_wait3A_629 = tpu.memref_slice %arg4[%add3A_619, %multiple_of3A, %dma_wait3A_628] : memref<300x1024x256xf32, #tpu.memory_space<hbm>> -> memref<1x64x256xf32, #tpu.memory_space<hbm>>
    %dma_wait3A_630 = tpu.memref_squeeze %dma_wait3A_629 : memref<1x64x256xf32, #tpu.memory_space<hbm>> -> memref<64x256xf32, #tpu.memory_space<hbm>>
    %dma_wait3A_631 = arith.constant 0 : i32
    %dma_wait3A_632 = arith.constant 0 : i32
    %dma_wait3A_633 = tpu.memref_slice %arg6[%dma_wait3A_620, %dma_wait3A_631, %dma_wait3A_632] : memref<6x64x256xf32, #tpu.memory_space<vmem>> -> memref<1x64x256xf32, #tpu.memory_space<vmem>>
    %dma_wait3A_634 = tpu.memref_squeeze %dma_wait3A_633 : memref<1x64x256xf32, #tpu.memory_space<vmem>> -> memref<64x256xf32, #tpu.memory_space<vmem>>
    tpu.wait_dma2 semaphore(%arg13 : memref<!tpu.dma_semaphore, #tpu.memory_space<semaphore_mem>>) src(%dma_wait3A_634 : memref<64x256xf32, #tpu.memory_space<vmem>>) dst(%dma_wait3A_630 : memref<64x256xf32, #tpu.memory_space<hbm>>)
    %add3A_635 = arith.constant 145 : i32
    %add3A_636 = arith.addi %mul3A_18, %add3A_635 : i32
    %dma_wait3A_637 = arith.constant 1 : i32
    %dma_wait3A_638 = arith.constant 0 : i32
    %dma_wait3A_639 = arith.constant 0 : i32
    %dma_wait3A_640 = tpu.memref_slice %arg6[%dma_wait3A_637, %dma_wait3A_638, %dma_wait3A_639] : memref<6x64x256xf32, #tpu.memory_space<vmem>> -> memref<1x64x256xf32, #tpu.memory_space<vmem>>
    %dma_wait3A_641 = tpu.memref_squeeze %dma_wait3A_640 : memref<1x64x256xf32, #tpu.memory_space<vmem>> -> memref<64x256xf32, #tpu.memory_space<vmem>>
    %dma_wait3A_642 = arith.constant 0 : i32
    %dma_wait3A_643 = tpu.memref_slice %arg4[%add3A_636, %multiple_of3A, %dma_wait3A_642] : memref<300x1024x256xf32, #tpu.memory_space<hbm>> -> memref<1x64x256xf32, #tpu.memory_space<hbm>>
    %dma_wait3A_644 = tpu.memref_squeeze %dma_wait3A_643 : memref<1x64x256xf32, #tpu.memory_space<hbm>> -> memref<64x256xf32, #tpu.memory_space<hbm>>
    %dma_wait3A_645 = arith.constant 0 : i32
    %dma_wait3A_646 = tpu.memref_slice %arg4[%add3A_636, %multiple_of3A, %dma_wait3A_645] : memref<300x1024x256xf32, #tpu.memory_space<hbm>> -> memref<1x64x256xf32, #tpu.memory_space<hbm>>
    %dma_wait3A_647 = tpu.memref_squeeze %dma_wait3A_646 : memref<1x64x256xf32, #tpu.memory_space<hbm>> -> memref<64x256xf32, #tpu.memory_space<hbm>>
    %dma_wait3A_648 = arith.constant 0 : i32
    %dma_wait3A_649 = arith.constant 0 : i32
    %dma_wait3A_650 = tpu.memref_slice %arg6[%dma_wait3A_637, %dma_wait3A_648, %dma_wait3A_649] : memref<6x64x256xf32, #tpu.memory_space<vmem>> -> memref<1x64x256xf32, #tpu.memory_space<vmem>>
    %dma_wait3A_651 = tpu.memref_squeeze %dma_wait3A_650 : memref<1x64x256xf32, #tpu.memory_space<vmem>> -> memref<64x256xf32, #tpu.memory_space<vmem>>
    tpu.wait_dma2 semaphore(%arg14 : memref<!tpu.dma_semaphore, #tpu.memory_space<semaphore_mem>>) src(%dma_wait3A_651 : memref<64x256xf32, #tpu.memory_space<vmem>>) dst(%dma_wait3A_647 : memref<64x256xf32, #tpu.memory_space<hbm>>)
    %add3A_652 = arith.constant 146 : i32
    %add3A_653 = arith.addi %mul3A_18, %add3A_652 : i32
    %dma_wait3A_654 = arith.constant 2 : i32
    %dma_wait3A_655 = arith.constant 0 : i32
    %dma_wait3A_656 = arith.constant 0 : i32
    %dma_wait3A_657 = tpu.memref_slice %arg6[%dma_wait3A_654, %dma_wait3A_655, %dma_wait3A_656] : memref<6x64x256xf32, #tpu.memory_space<vmem>> -> memref<1x64x256xf32, #tpu.memory_space<vmem>>
    %dma_wait3A_658 = tpu.memref_squeeze %dma_wait3A_657 : memref<1x64x256xf32, #tpu.memory_space<vmem>> -> memref<64x256xf32, #tpu.memory_space<vmem>>
    %dma_wait3A_659 = arith.constant 0 : i32
    %dma_wait3A_660 = tpu.memref_slice %arg4[%add3A_653, %multiple_of3A, %dma_wait3A_659] : memref<300x1024x256xf32, #tpu.memory_space<hbm>> -> memref<1x64x256xf32, #tpu.memory_space<hbm>>
    %dma_wait3A_661 = tpu.memref_squeeze %dma_wait3A_660 : memref<1x64x256xf32, #tpu.memory_space<hbm>> -> memref<64x256xf32, #tpu.memory_space<hbm>>
    %dma_wait3A_662 = arith.constant 0 : i32
    %dma_wait3A_663 = tpu.memref_slice %arg4[%add3A_653, %multiple_of3A, %dma_wait3A_662] : memref<300x1024x256xf32, #tpu.memory_space<hbm>> -> memref<1x64x256xf32, #tpu.memory_space<hbm>>
    %dma_wait3A_664 = tpu.memref_squeeze %dma_wait3A_663 : memref<1x64x256xf32, #tpu.memory_space<hbm>> -> memref<64x256xf32, #tpu.memory_space<hbm>>
    %dma_wait3A_665 = arith.constant 0 : i32
    %dma_wait3A_666 = arith.constant 0 : i32
    %dma_wait3A_667 = tpu.memref_slice %arg6[%dma_wait3A_654, %dma_wait3A_665, %dma_wait3A_666] : memref<6x64x256xf32, #tpu.memory_space<vmem>> -> memref<1x64x256xf32, #tpu.memory_space<vmem>>
    %dma_wait3A_668 = tpu.memref_squeeze %dma_wait3A_667 : memref<1x64x256xf32, #tpu.memory_space<vmem>> -> memref<64x256xf32, #tpu.memory_space<vmem>>
    tpu.wait_dma2 semaphore(%arg15 : memref<!tpu.dma_semaphore, #tpu.memory_space<semaphore_mem>>) src(%dma_wait3A_668 : memref<64x256xf32, #tpu.memory_space<vmem>>) dst(%dma_wait3A_664 : memref<64x256xf32, #tpu.memory_space<hbm>>)
    %add3A_669 = arith.constant 147 : i32
    %add3A_670 = arith.addi %mul3A_18, %add3A_669 : i32
    %dma_wait3A_671 = arith.constant 3 : i32
    %dma_wait3A_672 = arith.constant 0 : i32
    %dma_wait3A_673 = arith.constant 0 : i32
    %dma_wait3A_674 = tpu.memref_slice %arg6[%dma_wait3A_671, %dma_wait3A_672, %dma_wait3A_673] : memref<6x64x256xf32, #tpu.memory_space<vmem>> -> memref<1x64x256xf32, #tpu.memory_space<vmem>>
    %dma_wait3A_675 = tpu.memref_squeeze %dma_wait3A_674 : memref<1x64x256xf32, #tpu.memory_space<vmem>> -> memref<64x256xf32, #tpu.memory_space<vmem>>
    %dma_wait3A_676 = arith.constant 0 : i32
    %dma_wait3A_677 = tpu.memref_slice %arg4[%add3A_670, %multiple_of3A, %dma_wait3A_676] : memref<300x1024x256xf32, #tpu.memory_space<hbm>> -> memref<1x64x256xf32, #tpu.memory_space<hbm>>
    %dma_wait3A_678 = tpu.memref_squeeze %dma_wait3A_677 : memref<1x64x256xf32, #tpu.memory_space<hbm>> -> memref<64x256xf32, #tpu.memory_space<hbm>>
    %dma_wait3A_679 = arith.constant 0 : i32
    %dma_wait3A_680 = tpu.memref_slice %arg4[%add3A_670, %multiple_of3A, %dma_wait3A_679] : memref<300x1024x256xf32, #tpu.memory_space<hbm>> -> memref<1x64x256xf32, #tpu.memory_space<hbm>>
    %dma_wait3A_681 = tpu.memref_squeeze %dma_wait3A_680 : memref<1x64x256xf32, #tpu.memory_space<hbm>> -> memref<64x256xf32, #tpu.memory_space<hbm>>
    %dma_wait3A_682 = arith.constant 0 : i32
    %dma_wait3A_683 = arith.constant 0 : i32
    %dma_wait3A_684 = tpu.memref_slice %arg6[%dma_wait3A_671, %dma_wait3A_682, %dma_wait3A_683] : memref<6x64x256xf32, #tpu.memory_space<vmem>> -> memref<1x64x256xf32, #tpu.memory_space<vmem>>
    %dma_wait3A_685 = tpu.memref_squeeze %dma_wait3A_684 : memref<1x64x256xf32, #tpu.memory_space<vmem>> -> memref<64x256xf32, #tpu.memory_space<vmem>>
    tpu.wait_dma2 semaphore(%arg16 : memref<!tpu.dma_semaphore, #tpu.memory_space<semaphore_mem>>) src(%dma_wait3A_685 : memref<64x256xf32, #tpu.memory_space<vmem>>) dst(%dma_wait3A_681 : memref<64x256xf32, #tpu.memory_space<hbm>>)
    %add3A_686 = arith.constant 148 : i32
    %add3A_687 = arith.addi %mul3A_18, %add3A_686 : i32
    %dma_wait3A_688 = arith.constant 4 : i32
    %dma_wait3A_689 = arith.constant 0 : i32
    %dma_wait3A_690 = arith.constant 0 : i32
    %dma_wait3A_691 = tpu.memref_slice %arg6[%dma_wait3A_688, %dma_wait3A_689, %dma_wait3A_690] : memref<6x64x256xf32, #tpu.memory_space<vmem>> -> memref<1x64x256xf32, #tpu.memory_space<vmem>>
    %dma_wait3A_692 = tpu.memref_squeeze %dma_wait3A_691 : memref<1x64x256xf32, #tpu.memory_space<vmem>> -> memref<64x256xf32, #tpu.memory_space<vmem>>
    %dma_wait3A_693 = arith.constant 0 : i32
    %dma_wait3A_694 = tpu.memref_slice %arg4[%add3A_687, %multiple_of3A, %dma_wait3A_693] : memref<300x1024x256xf32, #tpu.memory_space<hbm>> -> memref<1x64x256xf32, #tpu.memory_space<hbm>>
    %dma_wait3A_695 = tpu.memref_squeeze %dma_wait3A_694 : memref<1x64x256xf32, #tpu.memory_space<hbm>> -> memref<64x256xf32, #tpu.memory_space<hbm>>
    %dma_wait3A_696 = arith.constant 0 : i32
    %dma_wait3A_697 = tpu.memref_slice %arg4[%add3A_687, %multiple_of3A, %dma_wait3A_696] : memref<300x1024x256xf32, #tpu.memory_space<hbm>> -> memref<1x64x256xf32, #tpu.memory_space<hbm>>
    %dma_wait3A_698 = tpu.memref_squeeze %dma_wait3A_697 : memref<1x64x256xf32, #tpu.memory_space<hbm>> -> memref<64x256xf32, #tpu.memory_space<hbm>>
    %dma_wait3A_699 = arith.constant 0 : i32
    %dma_wait3A_700 = arith.constant 0 : i32
    %dma_wait3A_701 = tpu.memref_slice %arg6[%dma_wait3A_688, %dma_wait3A_699, %dma_wait3A_700] : memref<6x64x256xf32, #tpu.memory_space<vmem>> -> memref<1x64x256xf32, #tpu.memory_space<vmem>>
    %dma_wait3A_702 = tpu.memref_squeeze %dma_wait3A_701 : memref<1x64x256xf32, #tpu.memory_space<vmem>> -> memref<64x256xf32, #tpu.memory_space<vmem>>
    tpu.wait_dma2 semaphore(%arg17 : memref<!tpu.dma_semaphore, #tpu.memory_space<semaphore_mem>>) src(%dma_wait3A_702 : memref<64x256xf32, #tpu.memory_space<vmem>>) dst(%dma_wait3A_698 : memref<64x256xf32, #tpu.memory_space<hbm>>)
    %add3A_703 = arith.constant 149 : i32
    %add3A_704 = arith.addi %mul3A_18, %add3A_703 : i32
    %dma_wait3A_705 = arith.constant 5 : i32
    %dma_wait3A_706 = arith.constant 0 : i32
    %dma_wait3A_707 = arith.constant 0 : i32
    %dma_wait3A_708 = tpu.memref_slice %arg6[%dma_wait3A_705, %dma_wait3A_706, %dma_wait3A_707] : memref<6x64x256xf32, #tpu.memory_space<vmem>> -> memref<1x64x256xf32, #tpu.memory_space<vmem>>
    %dma_wait3A_709 = tpu.memref_squeeze %dma_wait3A_708 : memref<1x64x256xf32, #tpu.memory_space<vmem>> -> memref<64x256xf32, #tpu.memory_space<vmem>>
    %dma_wait3A_710 = arith.constant 0 : i32
    %dma_wait3A_711 = tpu.memref_slice %arg4[%add3A_704, %multiple_of3A, %dma_wait3A_710] : memref<300x1024x256xf32, #tpu.memory_space<hbm>> -> memref<1x64x256xf32, #tpu.memory_space<hbm>>
    %dma_wait3A_712 = tpu.memref_squeeze %dma_wait3A_711 : memref<1x64x256xf32, #tpu.memory_space<hbm>> -> memref<64x256xf32, #tpu.memory_space<hbm>>
    %dma_wait3A_713 = arith.constant 0 : i32
    %dma_wait3A_714 = tpu.memref_slice %arg4[%add3A_704, %multiple_of3A, %dma_wait3A_713] : memref<300x1024x256xf32, #tpu.memory_space<hbm>> -> memref<1x64x256xf32, #tpu.memory_space<hbm>>
    %dma_wait3A_715 = tpu.memref_squeeze %dma_wait3A_714 : memref<1x64x256xf32, #tpu.memory_space<hbm>> -> memref<64x256xf32, #tpu.memory_space<hbm>>
    %dma_wait3A_716 = arith.constant 0 : i32
    %dma_wait3A_717 = arith.constant 0 : i32
    %dma_wait3A_718 = tpu.memref_slice %arg6[%dma_wait3A_705, %dma_wait3A_716, %dma_wait3A_717] : memref<6x64x256xf32, #tpu.memory_space<vmem>> -> memref<1x64x256xf32, #tpu.memory_space<vmem>>
    %dma_wait3A_719 = tpu.memref_squeeze %dma_wait3A_718 : memref<1x64x256xf32, #tpu.memory_space<vmem>> -> memref<64x256xf32, #tpu.memory_space<vmem>>
    tpu.wait_dma2 semaphore(%arg18 : memref<!tpu.dma_semaphore, #tpu.memory_space<semaphore_mem>>) src(%dma_wait3A_719 : memref<64x256xf32, #tpu.memory_space<vmem>>) dst(%dma_wait3A_715 : memref<64x256xf32, #tpu.memory_space<hbm>>)
    return
  }
}

</mosaic_0001>

<sc_bundles>
// kernel: kernel.3.cloned.1.call-start
scs
__scs_entry_jumppad:
0x0: {  	(pc) =	sbr.rel $0x88, $3  }
0x1: {  	(tag) =	ssettag $0x0;
	lr =	simm.s32 $0x1  }
0x2: {  	[smem:$0x3F9F] =	sst lr;
	_ =	strace $0xD0000000  }
0x3: {  	_ = 	snop  }
0x4: {  	_ = 	snop  }
0x5: {  	_ = 	snop  }
0x6: {  	_ = 	snop  }
0x7: {  	_ = 	snop  }
__scs_overlays_trampoline_lowered:
0x8: {  	[smem:$0x3FAE] =	sst s0  }
0x9: {  	[smem:$0x3FAF] =	sst s1  }
0xa: {  	[smem:$0x3FB0] =	sst s2  }
0xb: {  	[smem:$0x3FB1] =	sst s3  }
0xc: {  	[smem:$0x3FB2] =	sst s4  }
0xd: {  	[smem:$0x3FB3] =	sst s5  }
0xe: {  	[smem:$0x3FB4] =	sst s6  }
0xf: {  	[smem:$0x3FB5] =	sst s7  }
0x10: {  	[smem:$0x3FB6] =	sst s8  }
0x11: {  	[smem:$0x3FB7] =	sst s9;
	s0 =	simm.s32 @!p0 $0x0  }
0x12: {  	s1 =	sld [smem:$0x3F9D];
	s0 =	simm.s32 @p0 $0x1  }
0x13: {  	[smem:$0x3FB8] =	sst s0;
	s0 =	simm.s32 @!p1 $0x0  }
0x14: {  	s2 =	sld [smem:$0x3F9C];
	s0 =	simm.s32 @p1 $0x1  }
0x15: {  	[smem:$0x3FB9] =	sst s0;
	s0 =	simm.s32 @!p2 $0x0  }
0x16: {  	s3 =	sld [smem:$0x3FDB];
	s0 =	simm.s32 @p2 $0x1  }
0x17: {  	s4 =	simm.s32 $0x1BF5;
	[smem:$0x3FBB] =	sst s0  }
0x18: {  	s0 =	sld [smem:$0x3F9E];
	_ =	swait.ge [sflag:s4], $0x0  }
0x19: {  	s7 =	sld [smem:$0x3F9F]  }
0x1a: {  	s8 =	sadd.s32 $0xFFFFE003, lr  }
0x1b: {  	s9 =	sadd.s32 $0xFFFFFEF7, lr;
	s5 =	simm.s32 $0xFFFFFFFF;
	p2 =	slt.u32 s8, $0xFFFFF086  }
0x1c: {  	p1 =	slt.u32 s9, $0xF7A;
	s5 =	simm.s32 @!p2 $0x0  }
0x1d: {  	s5 =	simm.s32 @p1 $0x1;
	p0 =	seq.s32 s7, s2  }
0x1e: {  	s7 =	smul.u32 @!p0 $0xF7A, s2;
	p2 =	seq.s32 @!p0 s5, $0x0  }
0x1f: {  	s9 =	smul.u32 $0xF7A, s1;
	s8 =	simm.s32 @!p0 $0x1BF5;
	p2 =	por !p2, p0  }
0x20: {  	[sflag:s8] =	ssyncset.s32 @!p0 $0xFFFFF086;
	s6 =	sadd.s32 @!p0 s3, s7;
	s7 =	simm.s32 @!p0 $0x108  }
0x21: {  	s3 =	sadd.s32 s3, s9;
	s6 =	sadd.s32 @!p0 $0x88, s6;
	s7 =	simm.s32 @p2 $0x1082  }
0x22: {  	[simem:s7], [sflag:s8] =	dma.local @!p0 [hbm:s6], $0xF7A  }
0x23: {  	s9 =	sor.u32 $0xD0000000, s2;
	s6 =	simm.s32 $0x108;
	_ =	swait.ge @!p0 [sflag:s8], $0x0  }
0x24: {  	s3 =	sadd.s32 $0x88, s3;
	s6 =	simm.s32 @!p1 $0x1082;
	[sflag:s4] =	ssyncset.s32 $0xFFFFF086  }
0x25: {  	[simem:s6], [sflag:s4] =	dma.local [hbm:s3], $0xF7A  }
0x26: {  	[smem:$0x3F9F] =	sst s1;
	(tag) =	ssettag s2;
	_ =	strace s9  }
0x27: {  	s1 =	sld [smem:$0x3FAF]  }
0x28: {  	s2 =	sld [smem:$0x3FB0]  }
0x29: {  	s4 =	sld [smem:$0x3FB2]  }
0x2a: {  	p0 =	seq.s32 s5, $0x0;
	s5 =	sld [smem:$0x3FB3]  }
0x2b: {  	s6 =	sld [smem:$0x3FB4]  }
0x2c: {  	s7 =	sld [smem:$0x3FB5]  }
0x2d: {  	s3 =	simm.s32 $0x108;
	s8 =	sld [smem:$0x3FB6]  }
0x2e: {  	s3 =	simm.s32 @!p0 $0x1082;
	s9 =	sld [smem:$0x3FB7]  }
0x2f: {  	lr =	sadd.s32 s0, s3;
	s0 =	sld [smem:$0x3FAE]  }
0x30: {  	s3 =	sld [smem:$0x3FB1]  }
0x31: {  	[smem:$0x3FBA] =	sst s10  }
0x32: {  	s10 =	sld [smem:$0x3FB8];
	_ =	sdelay $0x3  }
0x33: {  	p0 =	seq.s32 s10, $0x1;
	s10 =	sld [smem:$0x3FBA];
	_ =	sdelay $0x3  }
0x34: {  	[smem:$0x3FBA] =	sst s10  }
0x35: {  	s10 =	sld [smem:$0x3FB9];
	_ =	sdelay $0x3  }
0x36: {  	p1 =	seq.s32 s10, $0x1;
	s10 =	sld [smem:$0x3FBA];
	_ =	sdelay $0x3  }
0x37: {  	[smem:$0x3FBA] =	sst s10  }
0x38: {  	s10 =	sld [smem:$0x3FBB]  }
0x39: {  	_ = 	snop;
	(pc) =	sbr.ind lr, $3  }
0x3a: {  	_ = 	snop  }
0x3b: {  	_ = 	snop  }
0x3c: {  	p2 =	seq.s32 s10, $0x1;
	s10 =	sld [smem:$0x3FBA]  }
0x3d: {  	_ =	shalt  }
0x3e: {  	_ =	shalt  }
0x3f: {  	_ =	shalt  }
0x40: {  	_ =	shalt  }
0x41: {  	_ =	shalt  }
0x42: {  	_ =	shalt  }
0x43: {  	_ =	shalt  }
0x44: {  	_ =	shalt  }
0x45: {  	_ =	shalt  }
0x46: {  	_ =	shalt  }
0x47: {  	_ =	shalt  }
0x48: {  	_ =	shalt  }
0x49: {  	_ =	shalt  }
0x4a: {  	_ =	shalt  }
0x4b: {  	_ =	shalt  }
0x4c: {  	_ =	shalt  }
0x4d: {  	_ =	shalt  }
0x4e: {  	_ =	shalt  }
0x4f: {  	_ =	shalt  }
0x50: {  	_ =	shalt  }
0x51: {  	_ =	shalt  }
0x52: {  	_ =	shalt  }
0x53: {  	_ =	shalt  }
0x54: {  	_ =	shalt  }
0x55: {  	_ =	shalt  }
0x56: {  	_ =	shalt  }
0x57: {  	_ =	shalt  }
0x58: {  	_ =	shalt  }
0x59: {  	_ =	shalt  }
0x5a: {  	_ =	shalt  }
0x5b: {  	_ =	shalt  }
0x5c: {  	_ =	shalt  }
0x5d: {  	_ =	shalt  }
0x5e: {  	_ =	shalt  }
0x5f: {  	_ =	shalt  }
0x60: {  	_ =	shalt  }
0x61: {  	_ =	shalt  }
0x62: {  	_ =	shalt  }
0x63: {  	_ =	shalt  }
0x64: {  	_ =	shalt  }
0x65: {  	_ =	shalt  }
0x66: {  	_ =	shalt  }
0x67: {  	_ =	shalt  }
0x68: {  	_ =	shalt  }
0x69: {  	_ =	shalt  }
0x6a: {  	_ =	shalt  }
0x6b: {  	_ =	shalt  }
0x6c: {  	_ =	shalt  }
0x6d: {  	_ =	shalt  }
0x6e: {  	_ =	shalt  }
0x6f: {  	_ =	shalt  }
0x70: {  	_ =	shalt  }
0x71: {  	_ =	shalt  }
0x72: {  	_ =	shalt  }
0x73: {  	_ =	shalt  }
0x74: {  	_ =	shalt  }
0x75: {  	_ =	shalt  }
0x76: {  	_ =	shalt  }
0x77: {  	_ =	shalt  }
0x78: {  	_ =	shalt  }
0x79: {  	_ =	shalt  }
0x7a: {  	_ =	shalt  }
0x7b: {  	_ =	shalt  }
0x7c: {  	_ =	shalt  }
0x7d: {  	_ =	shalt  }
0x7e: {  	_ =	shalt  }
0x7f: {  	_ =	shalt  }
0x80: {  	_ =	shalt  }
0x81: {  	_ =	shalt  }
0x82: {  	_ =	shalt  }
0x83: {  	_ =	shalt  }
0x84: {  	_ =	shalt  }
0x85: {  	_ =	shalt  }
0x86: {  	_ =	shalt  }
0x87: {  	_ =	shalt  }
.Lfunc_end0:
.L_simem_size_0:
called_computation_lowered:
.L_overlay_start_0:
0x88: {  	s2 =	sld [smem:$0x3FD9]  }
0x89: {  	s3 =	sld [smem:$0x3FFE];
	_ =	sdelay $0x1  }
0x8a: {  	s1 =	srdreg.scid  }
0x8b: {  	s0 =	sand.u32 $0x1, s1  }
0x8c: {  	s17 =	sshll.u32 s0, $0xA;
	s2 =	sadd.s32 s3, s2  }
0x8d: {  	s2 =	sadd.s32 s2, s17  }
0x8e: {  	[smem:$0x3FC6] =	sst s2  }
0x8f: {  	_ = 	snop  }
0x90: {  	s2 =	sld [smem:$0x3FD0];
	(tm) =	ssettm $0x1  }
0x91: {  	s18 =	sld [smem:$0x3FFB];
	_ =	sdelay $0x3  }
0x92: {  	_ =	strace s18  }
0x93: {  	s3 =	sld [smem:$0x3FFC];
	_ =	sdelay $0x3  }
0x94: {  	_ =	strace s3  }
0x95: {  	s3 =	sld [smem:$0x3FFD];
	_ =	sdelay $0x3  }
0x96: {  	_ =	strace s3  }
0x97: {  	_ =	strace $0x8FFFFFFF  }
0x98: {  	s19 =	sld [smem:$0x3FDB];
	_ =	sdelay $0x1  }
0x99: {  	s4 =	simm.s32 $_scs_section_size  }
0x9a: {  	s5 =	simm.s32 $_size__tile_overlayer_lowered;
	s6 =	simm.s32 $_tile_overlayer_lowered  }
0x9b: {  	s22 =	simm.s32 $0x1BFF;
	s21 =	sshll.u32 s6, $0x1;
	s3 =	sadd.s32 s4, s19  }
0x9c: {  	s7 =	simm.s32 $0x0;
	s20 =	sshll.u32 s5, $0x1;
	s5 =	sadd.s32 s21, s3  }
0x9d: {  	[timem:s7], [sflag:s22] =	dma.local [hbm:s5], s20  }
0x9e: {  	_ =	swait.ge [sflag:s22], s20  }
0x9f: {  	s4 =	ssub.s32 $0x0, s20;
	[sflag:s22] =	ssyncset.done $0x0  }
0xa0: {  	[sflag:s22] =	ssyncadd.s32 s4;
	_ =	sdelay $0x1  }
0xa1: {  	s23 =	simm.s32 $0x1B8B  }
0xa2: {  	_ =	swait.ge [sflag:s23], $0x1  }
0xa3: {  	[sflag:s23] =	ssyncset.done $0x0  }
0xa4: {  	s25 =	simm.s32 $0x1B8E;
	s24 =	sld [smem:$0x3FFE];
	[sflag:s23] =	ssyncadd.s32 $0xFFFFFFFF  }
0xa5: {  	s26 =	simm.s32 $execute0_lowered;
	[smem:$0x3FD2] =	sst s25  }
0xa6: {  	s5 =	sshll.u32 s26, $0x1;
	_ =	strace $0x80000046;
	[dreg:$0x1] =	wrdreg $0xFFFFFFFF  }
0xa7: {  	s28 =	simm.s32 $_size_execute0_lowered;
	s3 =	sadd.s32 s3, s5;
	[dreg:$0x0] =	wrdreg $0x0  }
0xa8: {  	s5 =	sshll.u32 s28, $0x1;
	[dreg:$0x2] =	wrdreg s3  }
0xa9: {  	[dreg:$0x3] =	wrdreg s5  }
0xaa: {  	[dreg:$0x4] =	wrdreg $0xC0  }
0xab: {  	_ =	task [dreg:s7], $0x5FFFF  }
0xac: {  	[dreg:$0x1] =	wrdreg $0xFFFFFFFF  }
0xad: {  	[dreg:$0x0] =	wrdreg $0x60  }
0xae: {  	[dreg:$0x2] =	wrdreg s24  }
0xaf: {  	[dreg:$0x3] =	wrdreg s2  }
0xb0: {  	[dreg:$0x4] =	wrdreg $0x9  }
0xb1: {  	_ =	task.clear_ibuf [dreg:s7], $0x5FFFF;
	_ =	strace $0x90000046  }
0xb2: {  	s29 =	simm.s32 $0x9;
	_ =	strace $0x80000048  }
0xb3: {  	_ =	swait.ge [sflag:s29], $0x1  }
0xb4: {  	[sflag:s29] =	ssyncadd.s32 $0xFFFFFFFF  }
0xb5: {  	_ =	strace $0x90000048  }
0xb6: {  	_ =	sfence  }
0xb7: {  	s30 =	sld [smem:$0x0];
	_ =	sdelay $0x2  }
0xb8: {  	s31 =	sshll.u32 s1, $0xD;
	s1 =	sshrl.u32 s1, $0x2  }
0xb9: {  	s3 =	sand.u32 $0x4000, s31;
	s1 =	sadd.s32 s1, s30  }
0xba: {  	s0 =	sor.u32 s3, s0;
	s1 =	sshll.u32 s1, $0x11  }
0xbb: {  	s0 =	sor.u32 s1, s0  }
0xbc: {  	s0 =	sadd.s32 $0x8F2B, s0  }
0xbd: {  	[sflag:s0] =	ssyncadd.remote.s32 $0x1  }
0xbe: {  	_ =	sfence.sel $0xFFFF  }
0xbf: {  	[dreg:$0x0] =	wrdreg $0xFFFFFFFF;
	(pc) =	sbr.abs _section_cstart, $3  }
0xc0: {  	[dreg:$0x1] =	wrdreg $0xFFFFFFFF  }
0xc1: {  	_ =	task.clear_ibuf [dreg:s7], $0x2FFFF;
	_ =	strace $0x9FFFFFFF  }
0xc2: {  	(tm) =	ssettm $0x7FFFFFFF  }
0xc3: {  	_ =	shalt  }
tec
execute0_lowered:
.L_overlay_start_1:
0x0: {  	(tag) =	ssettag $0x1  }
0x1: {  	s0 =	rddreg [dreg:$0x0]  }
0x2: {  	s10 =	rddreg [dreg:$0x1]  }
0x3: {  	s9 =	stileid.u32;
	s1 =	srdreg.scid  }
0x4: {  	s3 =	simm.s32 $0x0;
	s28 =	simm.s32 $0x9580;
	s30 =	simm.s32 $0x9D80  }
0x5: {  	s29 =	simm.s32 $0xA;
	s31 =	simm.s32 $0xB;
	s2 =	sshll.u32 s9, $0x1  }
0x6: {  	s1 =	sand.u32 $0x1, s1;
	s4 =	sshrl.u32 s9, $0x3;
	[smem:$0x7FF] =	sst s3  }
0x7: {  	s9 =	sand.u32 $0x7, s9;
	s2 =	sand.u32 $0xE, s2;
	s5 =	smul.u32 $0x96, s4  }
0x8: {  	_ =	strace $0x80000047;
	s7 =	smul.u32 $0x2580000, s4;
	s4 =	sadd.s32 $0x9C00, s0  }
0x9: {  	s14 =	ssub.s32 $0x2, s1;
	s12 =	sshll.u32 s9, $0xF;
	s2 =	sor.u32 s1, s2  }
0xa: {  	s9 =	simm.s32 $0x3;
	s6 =	smul.u32 $0x12C, s2;
	s2 =	sshll.u32 s2, $0xE  }
0xb: {  	s15 =	sshrl.u32 s14, $0x1;
	s1 =	sshll.u32 s1, $0xE;
	s2 =	sor.u32 s7, s2  }
0xc: {  	s5 =	sadd.s32 s5, s6;
	s8 =	sshrl.u32 s2, $0x3;
	s17 =	sadd.s32 $0x80000, s2  }
0xd: {  	s18 =	sadd.s32 $0xC0000, s2;
	s19 =	sadd.s32 $0x100000, s2;
	s22 =	sadd.s32 $0x140000, s2  }
0xe: {  	s23 =	sadd.s32 $0x2400000, s2;
	s24 =	sadd.s32 $0x2440000, s2;
	s13 =	sadd.s32 $0x2500000, s2  }
0xf: {  	s5 =	sshll.u32 s5, $0x3;
	s16 =	sadd.s32 s10, s8;
	s6 =	sshrl.u32 s18, $0x3  }
0x10: {  	s21 =	sshrl.u32 s19, $0x3;
	s26 =	sshrl.u32 s24, $0x3;
	s8 =	sadd.s32 $0x24C0000, s2  }
0x11: {  	s0 =	sadd.s32 s5, s0;
	[dreg:$0x9] =	wrdreg s16;
	s20 =	sadd.s32 s10, s6  }
0x12: {  	s5 =	ssub.s32 s14, s15;
	s0 =	sadd.s32 $0x600, s0;
	[dreg:$0xc] =	wrdreg s20  }
0x13: {  	s6 =	sshrl.u32 s23, $0x3;
	[dreg:$0x8] =	wrdreg s0;
	s0 =	sadd.s32 $0x8000, s16  }
0x14: {  	s25 =	sadd.s32 s10, s6;
	[dreg:$0xa] =	wrdreg s0;
	s0 =	sshrl.u32 s17, $0x3  }
0x15: {  	s6 =	sadd.s32 $0x2480000, s2;
	[dreg:$0xf] =	wrdreg s25;
	s0 =	sadd.s32 s10, s0  }
0x16: {  	s2 =	sadd.s32 $0x2540000, s2;
	[dreg:$0xb] =	wrdreg s0;
	s0 =	sadd.s32 s10, s21  }
0x17: {  	s5 =	smax.u32 s5, $0x1;
	[dreg:$0xd] =	wrdreg s0;
	s0 =	sshrl.u32 s22, $0x3  }
0x18: {  	s15 =	sshrl.u32 s2, $0x3;
	[dreg:$0x15] =	wrdreg s5;
	s0 =	sadd.s32 s10, s0  }
0x19: {  	s5 =	simm.s32 $0x2D80;
	[dreg:$0xe] =	wrdreg s0;
	s0 =	sadd.s32 s10, s26  }
0x1a: {  	[dreg:$0x10] =	wrdreg s0;
	s0 =	sshrl.u32 s6, $0x3;
	s6 =	sshrl.u32 s8, $0x3  }
0x1b: {  	s8 =	simm.s32 $0x3D80;
	s0 =	sadd.s32 s10, s0;
	s11 =	sadd.s32 s10, s6  }
0x1c: {  	s6 =	sshrl.u32 s13, $0x3;
	s13 =	simm.s32 $0x5580;
	[dreg:$0x11] =	wrdreg s0  }
0x1d: {  	[dreg:$0x12] =	wrdreg s11;
	s0 =	sor.u32 s12, s7;
	s14 =	sadd.s32 s10, s6  }
0x1e: {  	s7 =	simm.s32 $0x3580;
	s12 =	simm.s32 $0x4580;
	s6 =	simm.s32 $0x4D80  }
0x1f: {  	s11 =	simm.s32 $0x8580;
	s0 =	sor.u32 s1, s0;
	[dreg:$0x13] =	wrdreg s14  }
0x20: {  	s1 =	sadd.s32 s10, s15;
	s14 =	simm.s32 $0x5D80;
	s16 =	sadd.s32 $0x240000, s0  }
0x21: {  	[dreg:$0x14] =	wrdreg s1;
	s18 =	sadd.s32 $0x280000, s0;
	s20 =	sadd.s32 $0x2C0000, s0  }
0x22: {  	s22 =	sadd.s32 $0x1C0000, s0;
	s23 =	sadd.s32 $0x200000, s0;
	s0 =	sadd.s32 $0x180000, s0  }
0x23: {  	s17 =	sshrl.u32 s16, $0x3;
	s2 =	sshrl.u32 s18, $0x3;
	s21 =	sshrl.u32 s20, $0x3  }
0x24: {  	s25 =	sshrl.u32 s23, $0x3;
	[dreg:$0x16] =	wrdreg s0;
	s18 =	simm.s32 $0x6D80  }
0x25: {  	s16 =	simm.s32 $0x7580;
	s20 =	simm.s32 $0x4;
	s23 =	simm.s32 $0x8  }
0x26: {  	s0 =	simm.s32 $0xC;
	s1 =	sadd.s32 s17, s10;
	s19 =	sadd.s32 s2, s10  }
0x27: {  	s2 =	sshrl.u32 s22, $0x3;
	s26 =	sadd.s32 s25, s10;
	s17 =	simm.s32 $0x1  }
0x28: {  	s22 =	simm.s32 $0x5;
	s25 =	simm.s32 $0x9;
	[dreg:$0x3] =	wrdreg s1  }
0x29: {  	[dreg:$0x4] =	wrdreg s19;
	s1 =	sadd.s32 s21, s10;
	s24 =	sadd.s32 s2, s10  }
0x2a: {  	v2 =	vlaneseq.u32;
	[dreg:$0x7] =	wrdreg s26;
	s19 =	simm.s32 $0x7D80;
	s21 =	simm.s32 $0x8D80  }
0x2b: {  	vm0 =	vmmov $0xffff;
	v1 =	vshrl.u32 v2, $0x3;
	s26 =	simm.s32 $0x2;
	s2 =	simm.s32 $0x7;
	[dreg:$0x5] =	wrdreg s1  }
0x2c: {  	v0 =	vand.u32 $0x7, v2;
	v2 =	vor.u32 $0x8, v2;
	v1 =	vmul.u32 $0x8, v1;
	s10 =	simm.s32 $0x0;
	[dreg:$0x6] =	wrdreg s24;
	s24 =	simm.s32 $0x6  }
.LBB2_1:
0x2d: {  	[dreg:$0x17] =	wrdreg s10  }
0x2e: {  	s1 =	rddreg [dreg:$0x8];
	s15 =	simm.s32 $0xD  }
0x2f: {  	[tilespmem:s3], [sflag:$0xD] =	stream.linear.gather [hbm4b:s1+s3], $0x2580, $0x38;
	[tilespmem:$0x1A580] =	vst v63  }
0x30: {  	_ =	swait.ge [sflag:s15], $0x2580  }
0x31: {  	[sflag:s15] =	ssyncset.done $0x0  }
0x32: {  	[sflag:s15] =	ssyncadd.s32 $0xFFFFDA80  }
0x33: {  	v3 =	vld [tilespmem:$0x0];
	_ =	sdelay $0x4  }
0x34: {  	v4 =	vshll.u32 v3, $0x1  }
0x35: {  	v3 =	vand.u32 $0x7, v3;
	v4 =	vand.u32 $0xFFFFFFF0, v4  }
0x36: {  	v3 =	vor.u32 v3, v4  }
0x37: {  	v4 =	vperm.xlane v3, v0;
	_ =	sdelay $0x1  }
0x38: {  	v3 =	vperm.xlane v3, v2;
	v4 =	vadd.s32 v1, v4;
	_ =	sdelay $0x1  }
0x39: {  	v3 =	vadd.s32 v1, v3;
	_ =	sdelay $0x1  }
0x3a: {  	s10 =	simm.s32 $0x2580  }
0x3b: {  	[tilespmem:s10], [sflag:$0x1] =	stream.indirect_vreg.gather [hbm4b:s4+s3], $0x80, v4, vm0, $0xb8;
	[tilespmem:$0x1A580] =	vst v63  }
0x3c: {  	_ = 	snop  }
0x3d: {  	[tilespmem:s5], [sflag:$0x1] =	stream.indirect_vreg.gather [hbm4b:s4+s3], $0x80, v3, vm0, $0xb8;
	[tilespmem:$0x1A580] =	vst v63  }
0x3e: {  	v3 =	vld [tilespmem:$0x10];
	_ =	sdelay $0x4  }
0x3f: {  	v29 =	vshll.u32 v3, $0x1  }
0x40: {  	v3 =	vand.u32 $0x7, v3;
	v4 =	vand.u32 $0xFFFFFFF0, v29  }
0x41: {  	v3 =	vor.u32 v3, v4  }
0x42: {  	v4 =	vperm.xlane v3, v0;
	_ =	sdelay $0x1  }
0x43: {  	v3 =	vperm.xlane v3, v2;
	v4 =	vadd.s32 v1, v4;
	_ =	sdelay $0x1  }
0x44: {  	v3 =	vadd.s32 v1, v3;
	_ =	sdelay $0x2  }
0x45: {  	[tilespmem:s7], [sflag:$0x1] =	stream.indirect_vreg.gather [hbm4b:s4+s3], $0x80, v4, vm0, $0xb8;
	[tilespmem:$0x1A580] =	vst v63  }
0x46: {  	_ = 	snop  }
0x47: {  	[tilespmem:s8], [sflag:$0x1] =	stream.indirect_vreg.gather [hbm4b:s4+s3], $0x80, v3, vm0, $0xb8;
	[tilespmem:$0x1A580] =	vst v63  }
0x48: {  	v3 =	vld [tilespmem:$0x20];
	_ =	sdelay $0x4  }
0x49: {  	v30 =	vshll.u32 v3, $0x1  }
0x4a: {  	v3 =	vand.u32 $0x7, v3;
	v4 =	vand.u32 $0xFFFFFFF0, v30  }
0x4b: {  	v3 =	vor.u32 v3, v4  }
0x4c: {  	v4 =	vperm.xlane v3, v0;
	_ =	sdelay $0x1  }
0x4d: {  	v3 =	vperm.xlane v3, v2;
	v4 =	vadd.s32 v1, v4;
	_ =	sdelay $0x1  }
0x4e: {  	v3 =	vadd.s32 v1, v3;
	_ =	sdelay $0x2  }
0x4f: {  	[tilespmem:s12], [sflag:$0x1] =	stream.indirect_vreg.gather [hbm4b:s4+s3], $0x80, v4, vm0, $0xb8;
	[tilespmem:$0x1A580] =	vst v63  }
0x50: {  	_ = 	snop  }
0x51: {  	[tilespmem:s6], [sflag:$0x1] =	stream.indirect_vreg.gather [hbm4b:s4+s3], $0x80, v3, vm0, $0xb8;
	[tilespmem:$0x1A580] =	vst v63  }
0x52: {  	v3 =	vld [tilespmem:$0x30];
	_ =	sdelay $0x4  }
0x53: {  	v31 =	vshll.u32 v3, $0x1  }
0x54: {  	v3 =	vand.u32 $0x7, v3;
	v4 =	vand.u32 $0xFFFFFFF0, v31  }
0x55: {  	v3 =	vor.u32 v3, v4  }
0x56: {  	v4 =	vperm.xlane v3, v0;
	_ =	sdelay $0x1  }
0x57: {  	v3 =	vperm.xlane v3, v2;
	v4 =	vadd.s32 v1, v4;
	_ =	sdelay $0x1  }
0x58: {  	v3 =	vadd.s32 v1, v3;
	_ =	sdelay $0x2  }
0x59: {  	[tilespmem:s13], [sflag:$0x1] =	stream.indirect_vreg.gather [hbm4b:s4+s3], $0x80, v4, vm0, $0xb8;
	[tilespmem:$0x1A580] =	vst v63  }
0x5a: {  	_ = 	snop  }
0x5b: {  	[tilespmem:s14], [sflag:$0x1] =	stream.indirect_vreg.gather [hbm4b:s4+s3], $0x80, v3, vm0, $0xb8;
	[tilespmem:$0x1A580] =	vst v63  }
0x5c: {  	v3 =	vld [tilespmem:$0x40];
	_ =	sdelay $0x4  }
0x5d: {  	v32 =	vshll.u32 v3, $0x1  }
0x5e: {  	v3 =	vand.u32 $0x7, v3;
	v4 =	vand.u32 $0xFFFFFFF0, v32  }
0x5f: {  	v3 =	vor.u32 v3, v4  }
0x60: {  	v4 =	vperm.xlane v3, v0;
	_ =	sdelay $0x1  }
0x61: {  	v3 =	vperm.xlane v3, v2;
	v4 =	vadd.s32 v1, v4;
	_ =	sdelay $0x1  }
0x62: {  	v3 =	vadd.s32 v1, v3;
	_ =	sdelay $0x1  }
0x63: {  	s15 =	simm.s32 $0x6580  }
0x64: {  	[tilespmem:s15], [sflag:$0x2] =	stream.indirect_vreg.gather [hbm4b:s4+s3], $0x80, v4, vm0, $0xb8;
	[tilespmem:$0x1A580] =	vst v63  }
0x65: {  	_ = 	snop  }
0x66: {  	[tilespmem:s18], [sflag:$0x2] =	stream.indirect_vreg.gather [hbm4b:s4+s3], $0x80, v3, vm0, $0xb8;
	[tilespmem:$0x1A580] =	vst v63  }
0x67: {  	v3 =	vld [tilespmem:$0x50];
	_ =	sdelay $0x4  }
0x68: {  	v33 =	vshll.u32 v3, $0x1  }
0x69: {  	v3 =	vand.u32 $0x7, v3;
	v4 =	vand.u32 $0xFFFFFFF0, v33  }
0x6a: {  	v3 =	vor.u32 v3, v4  }
0x6b: {  	v4 =	vperm.xlane v3, v0;
	_ =	sdelay $0x1  }
0x6c: {  	v3 =	vperm.xlane v3, v2;
	v4 =	vadd.s32 v1, v4;
	_ =	sdelay $0x1  }
0x6d: {  	v3 =	vadd.s32 v1, v3;
	_ =	sdelay $0x2  }
0x6e: {  	[tilespmem:s16], [sflag:$0x2] =	stream.indirect_vreg.gather [hbm4b:s4+s3], $0x80, v4, vm0, $0xb8;
	[tilespmem:$0x1A580] =	vst v63  }
0x6f: {  	_ = 	snop  }
0x70: {  	[tilespmem:s19], [sflag:$0x2] =	stream.indirect_vreg.gather [hbm4b:s4+s3], $0x80, v3, vm0, $0xb8;
	[tilespmem:$0x1A580] =	vst v63  }
0x71: {  	v3 =	vld [tilespmem:$0x60];
	_ =	sdelay $0x4  }
0x72: {  	v34 =	vshll.u32 v3, $0x1  }
0x73: {  	v3 =	vand.u32 $0x7, v3;
	v4 =	vand.u32 $0xFFFFFFF0, v34  }
0x74: {  	v3 =	vor.u32 v3, v4  }
0x75: {  	v4 =	vperm.xlane v3, v0;
	_ =	sdelay $0x1  }
0x76: {  	v3 =	vperm.xlane v3, v2;
	v4 =	vadd.s32 v1, v4;
	_ =	sdelay $0x1  }
0x77: {  	v3 =	vadd.s32 v1, v3;
	_ =	sdelay $0x2  }
0x78: {  	[tilespmem:s11], [sflag:$0x2] =	stream.indirect_vreg.gather [hbm4b:s4+s3], $0x80, v4, vm0, $0xb8;
	[tilespmem:$0x1A580] =	vst v63  }
0x79: {  	_ = 	snop  }
0x7a: {  	[tilespmem:s21], [sflag:$0x2] =	stream.indirect_vreg.gather [hbm4b:s4+s3], $0x80, v3, vm0, $0xb8;
	[tilespmem:$0x1A580] =	vst v63  }
0x7b: {  	v3 =	vld [tilespmem:$0x70];
	_ =	sdelay $0x4  }
0x7c: {  	v35 =	vshll.u32 v3, $0x1  }
0x7d: {  	v3 =	vand.u32 $0x7, v3;
	v4 =	vand.u32 $0xFFFFFFF0, v35  }
0x7e: {  	v3 =	vor.u32 v3, v4  }
0x7f: {  	v4 =	vperm.xlane v3, v0;
	_ =	sdelay $0x1  }
0x80: {  	v3 =	vperm.xlane v3, v2;
	v4 =	vadd.s32 v1, v4;
	_ =	sdelay $0x1  }
0x81: {  	v3 =	vadd.s32 v1, v3;
	_ =	sdelay $0x2  }
0x82: {  	[tilespmem:s28], [sflag:$0x2] =	stream.indirect_vreg.gather [hbm4b:s4+s3], $0x80, v4, vm0, $0xb8;
	[tilespmem:$0x1A580] =	vst v63  }
0x83: {  	_ = 	snop  }
0x84: {  	[tilespmem:s30], [sflag:$0x2] =	stream.indirect_vreg.gather [hbm4b:s4+s3], $0x80, v3, vm0, $0xb8;
	[tilespmem:$0x1A580] =	vst v63  }
0x85: {  	v3 =	vld [tilespmem:$0x80];
	_ =	sdelay $0x4  }
0x86: {  	v36 =	vshll.u32 v3, $0x1  }
0x87: {  	v3 =	vand.u32 $0x7, v3;
	v4 =	vand.u32 $0xFFFFFFF0, v36  }
0x88: {  	v3 =	vor.u32 v3, v4  }
0x89: {  	v4 =	vperm.xlane v3, v0;
	_ =	sdelay $0x1  }
0x8a: {  	v3 =	vperm.xlane v3, v2;
	v4 =	vadd.s32 v1, v4;
	_ =	sdelay $0x1  }
0x8b: {  	v3 =	vadd.s32 v1, v3;
	_ =	sdelay $0x1  }
0x8c: {  	s30 =	simm.s32 $0xA580  }
0x8d: {  	[tilespmem:s30], [sflag:$0x3] =	stream.indirect_vreg.gather [hbm4b:s4+s3], $0x80, v4, vm0, $0xb8;
	[tilespmem:$0x1A580] =	vst v63  }
0x8e: {  	s1 =	simm.s32 $0xAD80  }
0x8f: {  	[tilespmem:s1], [sflag:$0x3] =	stream.indirect_vreg.gather [hbm4b:s4+s3], $0x80, v3, vm0, $0xb8;
	[tilespmem:$0x1A580] =	vst v63  }
0x90: {  	v3 =	vld [tilespmem:$0x90];
	_ =	sdelay $0x4  }
0x91: {  	v37 =	vshll.u32 v3, $0x1  }
0x92: {  	v3 =	vand.u32 $0x7, v3;
	v4 =	vand.u32 $0xFFFFFFF0, v37  }
0x93: {  	v3 =	vor.u32 v3, v4  }
0x94: {  	v4 =	vperm.xlane v3, v0;
	_ =	sdelay $0x1  }
0x95: {  	v3 =	vperm.xlane v3, v2;
	v4 =	vadd.s32 v1, v4;
	_ =	sdelay $0x1  }
0x96: {  	v3 =	vadd.s32 v1, v3;
	_ =	sdelay $0x1  }
0x97: {  	s1 =	simm.s32 $0xB580  }
0x98: {  	[tilespmem:s1], [sflag:$0x3] =	stream.indirect_vreg.gather [hbm4b:s4+s3], $0x80, v4, vm0, $0xb8;
	[tilespmem:$0x1A580] =	vst v63  }
0x99: {  	s1 =	simm.s32 $0xBD80  }
0x9a: {  	[tilespmem:s1], [sflag:$0x3] =	stream.indirect_vreg.gather [hbm4b:s4+s3], $0x80, v3, vm0, $0xb8;
	[tilespmem:$0x1A580] =	vst v63  }
0x9b: {  	v3 =	vld [tilespmem:$0xA0];
	_ =	sdelay $0x4  }
0x9c: {  	v38 =	vshll.u32 v3, $0x1  }
0x9d: {  	v3 =	vand.u32 $0x7, v3;
	v4 =	vand.u32 $0xFFFFFFF0, v38  }
0x9e: {  	v3 =	vor.u32 v3, v4  }
0x9f: {  	v4 =	vperm.xlane v3, v0;
	_ =	sdelay $0x1  }
0xa0: {  	v3 =	vperm.xlane v3, v2;
	v4 =	vadd.s32 v1, v4;
	_ =	sdelay $0x1  }
0xa1: {  	v3 =	vadd.s32 v1, v3;
	_ =	sdelay $0x1  }
0xa2: {  	s1 =	simm.s32 $0xC580  }
0xa3: {  	[tilespmem:s1], [sflag:$0x3] =	stream.indirect_vreg.gather [hbm4b:s4+s3], $0x80, v4, vm0, $0xb8;
	[tilespmem:$0x1A580] =	vst v63  }
0xa4: {  	s1 =	simm.s32 $0xCD80  }
0xa5: {  	[tilespmem:s1], [sflag:$0x3] =	stream.indirect_vreg.gather [hbm4b:s4+s3], $0x80, v3, vm0, $0xb8;
	[tilespmem:$0x1A580] =	vst v63  }
0xa6: {  	v3 =	vld [tilespmem:$0xB0];
	_ =	sdelay $0x4  }
0xa7: {  	v39 =	vshll.u32 v3, $0x1  }
0xa8: {  	v3 =	vand.u32 $0x7, v3;
	v4 =	vand.u32 $0xFFFFFFF0, v39  }
0xa9: {  	v3 =	vor.u32 v3, v4  }
0xaa: {  	v4 =	vperm.xlane v3, v0;
	_ =	sdelay $0x1  }
0xab: {  	v3 =	vperm.xlane v3, v2;
	v4 =	vadd.s32 v1, v4;
	_ =	sdelay $0x1  }
0xac: {  	v3 =	vadd.s32 v1, v3;
	_ =	sdelay $0x1  }
0xad: {  	s1 =	simm.s32 $0xD580  }
0xae: {  	[tilespmem:s1], [sflag:$0x3] =	stream.indirect_vreg.gather [hbm4b:s4+s3], $0x80, v4, vm0, $0xb8;
	[tilespmem:$0x1A580] =	vst v63  }
0xaf: {  	s1 =	simm.s32 $0xDD80  }
0xb0: {  	[tilespmem:s1], [sflag:$0x3] =	stream.indirect_vreg.gather [hbm4b:s4+s3], $0x80, v3, vm0, $0xb8;
	[tilespmem:$0x1A580] =	vst v63  }
0xb1: {  	_ =	swait.ge [sflag:s17], $0x4000  }
0xb2: {  	[sflag:s17] =	ssyncset.done $0x0  }
0xb3: {  	s10 =	simm.s32 $0x2580;
	s1 =	rddreg [dreg:$0x9];
	[sflag:s17] =	ssyncadd.s32 $0xFFFFC000  }
0xb4: {  	[hbm4b:s1+s3] =	stream.linear.scatter [tilespmem:s10], [sflag:$0x7], $0x4000, $0x38;
	[tilespmem:$0x1A580] =	vst v63  }
0xb5: {  	v3 =	vld [tilespmem:$0xC0];
	_ =	sdelay $0x4  }
0xb6: {  	v40 =	vshll.u32 v3, $0x1  }
0xb7: {  	v3 =	vand.u32 $0x7, v3;
	v4 =	vand.u32 $0xFFFFFFF0, v40  }
0xb8: {  	v3 =	vor.u32 v3, v4  }
0xb9: {  	v4 =	vperm.xlane v3, v0;
	_ =	sdelay $0x1  }
0xba: {  	v3 =	vperm.xlane v3, v2;
	v4 =	vadd.s32 v1, v4;
	_ =	sdelay $0x1  }
0xbb: {  	v3 =	vadd.s32 v1, v3;
	_ =	sdelay $0x1  }
0xbc: {  	s10 =	simm.s32 $0xE580  }
0xbd: {  	[tilespmem:s10], [sflag:$0x4] =	stream.indirect_vreg.gather [hbm4b:s4+s3], $0x80, v4, vm0, $0xb8;
	[tilespmem:$0x1A580] =	vst v63  }
0xbe: {  	s1 =	simm.s32 $0xED80  }
0xbf: {  	[tilespmem:s1], [sflag:$0x4] =	stream.indirect_vreg.gather [hbm4b:s4+s3], $0x80, v3, vm0, $0xb8;
	[tilespmem:$0x1A580] =	vst v63  }
0xc0: {  	v3 =	vld [tilespmem:$0xD0];
	_ =	sdelay $0x4  }
0xc1: {  	v41 =	vshll.u32 v3, $0x1  }
0xc2: {  	v3 =	vand.u32 $0x7, v3;
	v4 =	vand.u32 $0xFFFFFFF0, v41  }
0xc3: {  	v3 =	vor.u32 v3, v4  }
0xc4: {  	v4 =	vperm.xlane v3, v0;
	_ =	sdelay $0x1  }
0xc5: {  	v3 =	vperm.xlane v3, v2;
	v4 =	vadd.s32 v1, v4;
	_ =	sdelay $0x1  }
0xc6: {  	v3 =	vadd.s32 v1, v3;
	_ =	sdelay $0x1  }
0xc7: {  	s1 =	simm.s32 $0xF580  }
0xc8: {  	[tilespmem:s1], [sflag:$0x4] =	stream.indirect_vreg.gather [hbm4b:s4+s3], $0x80, v4, vm0, $0xb8;
	[tilespmem:$0x1A580] =	vst v63  }
0xc9: {  	s1 =	simm.s32 $0xFD80  }
0xca: {  	[tilespmem:s1], [sflag:$0x4] =	stream.indirect_vreg.gather [hbm4b:s4+s3], $0x80, v3, vm0, $0xb8;
	[tilespmem:$0x1A580] =	vst v63  }
0xcb: {  	v3 =	vld [tilespmem:$0xE0];
	_ =	sdelay $0x4  }
0xcc: {  	v42 =	vshll.u32 v3, $0x1  }
0xcd: {  	v3 =	vand.u32 $0x7, v3;
	v4 =	vand.u32 $0xFFFFFFF0, v42  }
0xce: {  	v3 =	vor.u32 v3, v4  }
0xcf: {  	v4 =	vperm.xlane v3, v0;
	_ =	sdelay $0x1  }
0xd0: {  	v3 =	vperm.xlane v3, v2;
	v4 =	vadd.s32 v1, v4;
	_ =	sdelay $0x1  }
0xd1: {  	v3 =	vadd.s32 v1, v3;
	_ =	sdelay $0x1  }
0xd2: {  	s1 =	simm.s32 $0x10580  }
0xd3: {  	[tilespmem:s1], [sflag:$0x4] =	stream.indirect_vreg.gather [hbm4b:s4+s3], $0x80, v4, vm0, $0xb8;
	[tilespmem:$0x1A580] =	vst v63  }
0xd4: {  	s1 =	simm.s32 $0x10D80  }
0xd5: {  	[tilespmem:s1], [sflag:$0x4] =	stream.indirect_vreg.gather [hbm4b:s4+s3], $0x80, v3, vm0, $0xb8;
	[tilespmem:$0x1A580] =	vst v63  }
0xd6: {  	v3 =	vld [tilespmem:$0xF0];
	_ =	sdelay $0x4  }
0xd7: {  	v43 =	vshll.u32 v3, $0x1  }
0xd8: {  	v3 =	vand.u32 $0x7, v3;
	v4 =	vand.u32 $0xFFFFFFF0, v43  }
0xd9: {  	v3 =	vor.u32 v3, v4  }
0xda: {  	v4 =	vperm.xlane v3, v0;
	_ =	sdelay $0x1  }
0xdb: {  	v3 =	vperm.xlane v3, v2;
	v4 =	vadd.s32 v1, v4;
	_ =	sdelay $0x1  }
0xdc: {  	v3 =	vadd.s32 v1, v3;
	_ =	sdelay $0x1  }
0xdd: {  	s1 =	simm.s32 $0x11580  }
0xde: {  	[tilespmem:s1], [sflag:$0x4] =	stream.indirect_vreg.gather [hbm4b:s4+s3], $0x80, v4, vm0, $0xb8;
	[tilespmem:$0x1A580] =	vst v63  }
0xdf: {  	s1 =	simm.s32 $0x11D80  }
0xe0: {  	[tilespmem:s1], [sflag:$0x4] =	stream.indirect_vreg.gather [hbm4b:s4+s3], $0x80, v3, vm0, $0xb8;
	[tilespmem:$0x1A580] =	vst v63  }
0xe1: {  	_ =	swait.ge [sflag:s26], $0x4000  }
0xe2: {  	[sflag:s26] =	ssyncset.done $0x0  }
0xe3: {  	s15 =	simm.s32 $0x6580;
	s1 =	rddreg [dreg:$0xa];
	[sflag:s26] =	ssyncadd.s32 $0xFFFFC000  }
0xe4: {  	[hbm4b:s1+s3] =	stream.linear.scatter [tilespmem:s15], [sflag:$0x8], $0x4000, $0x38;
	[tilespmem:$0x1A580] =	vst v63  }
0xe5: {  	v3 =	vld [tilespmem:$0x100];
	_ =	sdelay $0x4  }
0xe6: {  	v44 =	vshll.u32 v3, $0x1  }
0xe7: {  	v3 =	vand.u32 $0x7, v3;
	v4 =	vand.u32 $0xFFFFFFF0, v44  }
0xe8: {  	v3 =	vor.u32 v3, v4  }
0xe9: {  	v4 =	vperm.xlane v3, v0;
	_ =	sdelay $0x1  }
0xea: {  	v3 =	vperm.xlane v3, v2;
	v4 =	vadd.s32 v1, v4;
	_ =	sdelay $0x1  }
0xeb: {  	v3 =	vadd.s32 v1, v3;
	_ =	sdelay $0x1  }
0xec: {  	s15 =	simm.s32 $0x12580  }
0xed: {  	[tilespmem:s15], [sflag:$0x5] =	stream.indirect_vreg.gather [hbm4b:s4+s3], $0x80, v4, vm0, $0xb8;
	[tilespmem:$0x1A580] =	vst v63  }
0xee: {  	s1 =	simm.s32 $0x12D80  }
0xef: {  	[tilespmem:s1], [sflag:$0x5] =	stream.indirect_vreg.gather [hbm4b:s4+s3], $0x80, v3, vm0, $0xb8;
	[tilespmem:$0x1A580] =	vst v63  }
0xf0: {  	v3 =	vld [tilespmem:$0x110];
	_ =	sdelay $0x4  }
0xf1: {  	v45 =	vshll.u32 v3, $0x1  }
0xf2: {  	v3 =	vand.u32 $0x7, v3;
	v4 =	vand.u32 $0xFFFFFFF0, v45  }
0xf3: {  	v3 =	vor.u32 v3, v4  }
0xf4: {  	v4 =	vperm.xlane v3, v0;
	_ =	sdelay $0x1  }
0xf5: {  	v3 =	vperm.xlane v3, v2;
	v4 =	vadd.s32 v1, v4;
	_ =	sdelay $0x1  }
0xf6: {  	v3 =	vadd.s32 v1, v3;
	_ =	sdelay $0x1  }
0xf7: {  	s1 =	simm.s32 $0x13580  }
0xf8: {  	[tilespmem:s1], [sflag:$0x5] =	stream.indirect_vreg.gather [hbm4b:s4+s3], $0x80, v4, vm0, $0xb8;
	[tilespmem:$0x1A580] =	vst v63  }
0xf9: {  	s1 =	simm.s32 $0x13D80  }
0xfa: {  	[tilespmem:s1], [sflag:$0x5] =	stream.indirect_vreg.gather [hbm4b:s4+s3], $0x80, v3, vm0, $0xb8;
	[tilespmem:$0x1A580] =	vst v63  }
0xfb: {  	v3 =	vld [tilespmem:$0x120];
	_ =	sdelay $0x4  }
0xfc: {  	v46 =	vshll.u32 v3, $0x1  }
0xfd: {  	v3 =	vand.u32 $0x7, v3;
	v4 =	vand.u32 $0xFFFFFFF0, v46  }
0xfe: {  	v3 =	vor.u32 v3, v4  }
0xff: {  	v4 =	vperm.xlane v3, v0;
	_ =	sdelay $0x1  }
0x100: {  	v3 =	vperm.xlane v3, v2;
	v4 =	vadd.s32 v1, v4;
	_ =	sdelay $0x1  }
0x101: {  	v3 =	vadd.s32 v1, v3;
	_ =	sdelay $0x1  }
0x102: {  	s1 =	simm.s32 $0x14580  }
0x103: {  	[tilespmem:s1], [sflag:$0x5] =	stream.indirect_vreg.gather [hbm4b:s4+s3], $0x80, v4, vm0, $0xb8;
	[tilespmem:$0x1A580] =	vst v63  }
0x104: {  	s1 =	simm.s32 $0x14D80  }
0x105: {  	[tilespmem:s1], [sflag:$0x5] =	stream.indirect_vreg.gather [hbm4b:s4+s3], $0x80, v3, vm0, $0xb8;
	[tilespmem:$0x1A580] =	vst v63  }
0x106: {  	v3 =	vld [tilespmem:$0x130];
	_ =	sdelay $0x4  }
0x107: {  	v47 =	vshll.u32 v3, $0x1  }
0x108: {  	v3 =	vand.u32 $0x7, v3;
	v4 =	vand.u32 $0xFFFFFFF0, v47  }
0x109: {  	v3 =	vor.u32 v3, v4  }
0x10a: {  	v4 =	vperm.xlane v3, v0;
	_ =	sdelay $0x1  }
0x10b: {  	v3 =	vperm.xlane v3, v2;
	v4 =	vadd.s32 v1, v4;
	_ =	sdelay $0x1  }
0x10c: {  	v3 =	vadd.s32 v1, v3;
	_ =	sdelay $0x1  }
0x10d: {  	s1 =	simm.s32 $0x15580  }
0x10e: {  	[tilespmem:s1], [sflag:$0x5] =	stream.indirect_vreg.gather [hbm4b:s4+s3], $0x80, v4, vm0, $0xb8;
	[tilespmem:$0x1A580] =	vst v63  }
0x10f: {  	s1 =	simm.s32 $0x15D80  }
0x110: {  	[tilespmem:s1], [sflag:$0x5] =	stream.indirect_vreg.gather [hbm4b:s4+s3], $0x80, v3, vm0, $0xb8;
	[tilespmem:$0x1A580] =	vst v63  }
0x111: {  	_ =	swait.ge [sflag:s9], $0x4000  }
0x112: {  	[sflag:s9] =	ssyncset.done $0x0  }
0x113: {  	s30 =	simm.s32 $0xA580;
	s1 =	rddreg [dreg:$0xb];
	[sflag:s9] =	ssyncadd.s32 $0xFFFFC000  }
0x114: {  	[hbm4b:s1+s3] =	stream.linear.scatter [tilespmem:s30], [sflag:$0x9], $0x4000, $0x38;
	[tilespmem:$0x1A580] =	vst v63  }
0x115: {  	v3 =	vld [tilespmem:$0x140];
	_ =	sdelay $0x4  }
0x116: {  	v48 =	vshll.u32 v3, $0x1  }
0x117: {  	v3 =	vand.u32 $0x7, v3;
	v4 =	vand.u32 $0xFFFFFFF0, v48  }
0x118: {  	v3 =	vor.u32 v3, v4  }
0x119: {  	v4 =	vperm.xlane v3, v0;
	_ =	sdelay $0x1  }
0x11a: {  	v3 =	vperm.xlane v3, v2;
	v4 =	vadd.s32 v1, v4;
	_ =	sdelay $0x1  }
0x11b: {  	v3 =	vadd.s32 v1, v3;
	_ =	sdelay $0x1  }
0x11c: {  	s30 =	simm.s32 $0x16580  }
0x11d: {  	[tilespmem:s30], [sflag:$0x6] =	stream.indirect_vreg.gather [hbm4b:s4+s3], $0x80, v4, vm0, $0xb8;
	[tilespmem:$0x1A580] =	vst v63  }
0x11e: {  	s1 =	simm.s32 $0x16D80  }
0x11f: {  	[tilespmem:s1], [sflag:$0x6] =	stream.indirect_vreg.gather [hbm4b:s4+s3], $0x80, v3, vm0, $0xb8;
	[tilespmem:$0x1A580] =	vst v63  }
0x120: {  	v3 =	vld [tilespmem:$0x150];
	_ =	sdelay $0x4  }
0x121: {  	v49 =	vshll.u32 v3, $0x1  }
0x122: {  	v3 =	vand.u32 $0x7, v3;
	v4 =	vand.u32 $0xFFFFFFF0, v49  }
0x123: {  	v3 =	vor.u32 v3, v4  }
0x124: {  	v4 =	vperm.xlane v3, v0;
	_ =	sdelay $0x1  }
0x125: {  	v3 =	vperm.xlane v3, v2;
	v4 =	vadd.s32 v1, v4;
	_ =	sdelay $0x1  }
0x126: {  	v3 =	vadd.s32 v1, v3;
	_ =	sdelay $0x1  }
0x127: {  	s1 =	simm.s32 $0x17580  }
0x128: {  	[tilespmem:s1], [sflag:$0x6] =	stream.indirect_vreg.gather [hbm4b:s4+s3], $0x80, v4, vm0, $0xb8;
	[tilespmem:$0x1A580] =	vst v63  }
0x129: {  	s1 =	simm.s32 $0x17D80  }
0x12a: {  	[tilespmem:s1], [sflag:$0x6] =	stream.indirect_vreg.gather [hbm4b:s4+s3], $0x80, v3, vm0, $0xb8;
	[tilespmem:$0x1A580] =	vst v63  }
0x12b: {  	v3 =	vld [tilespmem:$0x160];
	_ =	sdelay $0x4  }
0x12c: {  	v50 =	vshll.u32 v3, $0x1  }
0x12d: {  	v3 =	vand.u32 $0x7, v3;
	v4 =	vand.u32 $0xFFFFFFF0, v50  }
0x12e: {  	v3 =	vor.u32 v3, v4  }
0x12f: {  	v4 =	vperm.xlane v3, v0;
	_ =	sdelay $0x1  }
0x130: {  	v3 =	vperm.xlane v3, v2;
	v4 =	vadd.s32 v1, v4;
	_ =	sdelay $0x1  }
0x131: {  	v3 =	vadd.s32 v1, v3;
	_ =	sdelay $0x1  }
0x132: {  	s1 =	simm.s32 $0x18580  }
0x133: {  	[tilespmem:s1], [sflag:$0x6] =	stream.indirect_vreg.gather [hbm4b:s4+s3], $0x80, v4, vm0, $0xb8;
	[tilespmem:$0x1A580] =	vst v63  }
0x134: {  	s1 =	simm.s32 $0x18D80  }
0x135: {  	[tilespmem:s1], [sflag:$0x6] =	stream.indirect_vreg.gather [hbm4b:s4+s3], $0x80, v3, vm0, $0xb8;
	[tilespmem:$0x1A580] =	vst v63  }
0x136: {  	v3 =	vld [tilespmem:$0x170];
	_ =	sdelay $0x4  }
0x137: {  	v51 =	vshll.u32 v3, $0x1  }
0x138: {  	v3 =	vand.u32 $0x7, v3;
	v4 =	vand.u32 $0xFFFFFFF0, v51  }
0x139: {  	v3 =	vor.u32 v3, v4  }
0x13a: {  	v4 =	vperm.xlane v3, v0;
	_ =	sdelay $0x1  }
0x13b: {  	v3 =	vperm.xlane v3, v2;
	v4 =	vadd.s32 v1, v4;
	_ =	sdelay $0x1  }
0x13c: {  	v3 =	vadd.s32 v1, v3;
	_ =	sdelay $0x1  }
0x13d: {  	s1 =	simm.s32 $0x19580  }
0x13e: {  	[tilespmem:s1], [sflag:$0x6] =	stream.indirect_vreg.gather [hbm4b:s4+s3], $0x80, v4, vm0, $0xb8;
	[tilespmem:$0x1A580] =	vst v63  }
0x13f: {  	s1 =	simm.s32 $0x19D80  }
0x140: {  	[tilespmem:s1], [sflag:$0x6] =	stream.indirect_vreg.gather [hbm4b:s4+s3], $0x80, v3, vm0, $0xb8;
	[tilespmem:$0x1A580] =	vst v63  }
0x141: {  	_ =	swait.ge [sflag:s20], $0x4000  }
0x142: {  	[sflag:s20] =	ssyncset.done $0x0  }
0x143: {  	s1 =	rddreg [dreg:$0xc];
	[sflag:s20] =	ssyncadd.s32 $0xFFFFC000  }
0x144: {  	[hbm4b:s1+s3] =	stream.linear.scatter [tilespmem:s10], [sflag:$0xA], $0x4000, $0x38;
	[tilespmem:$0x1A580] =	vst v63  }
0x145: {  	_ =	swait.ge [sflag:s2], $0x4000  }
0x146: {  	[sflag:s2] =	ssyncset.done $0x0  }
0x147: {  	[sflag:s2] =	ssyncadd.s32 $0xFFFFC000  }
0x148: {  	v3 =	vld [tilespmem:$0x180];
	_ =	sdelay $0x4  }
0x149: {  	v52 =	vshll.u32 v3, $0x1  }
0x14a: {  	v3 =	vand.u32 $0x7, v3;
	v4 =	vand.u32 $0xFFFFFFF0, v52  }
0x14b: {  	v3 =	vor.u32 v3, v4  }
0x14c: {  	v4 =	vperm.xlane v3, v0;
	_ =	sdelay $0x1  }
0x14d: {  	v3 =	vperm.xlane v3, v2;
	v4 =	vadd.s32 v1, v4;
	_ =	sdelay $0x1  }
0x14e: {  	v3 =	vadd.s32 v1, v3;
	_ =	sdelay $0x1  }
0x14f: {  	s10 =	simm.s32 $0x2580  }
0x150: {  	[tilespmem:s10], [sflag:$0x1] =	stream.indirect_vreg.gather [hbm4b:s4+s3], $0x80, v4, vm0, $0xb8;
	[tilespmem:$0x1A580] =	vst v63  }
0x151: {  	_ = 	snop  }
0x152: {  	[tilespmem:s5], [sflag:$0x1] =	stream.indirect_vreg.gather [hbm4b:s4+s3], $0x80, v3, vm0, $0xb8;
	[tilespmem:$0x1A580] =	vst v63  }
0x153: {  	v3 =	vld [tilespmem:$0x190];
	_ =	sdelay $0x4  }
0x154: {  	v53 =	vshll.u32 v3, $0x1  }
0x155: {  	v3 =	vand.u32 $0x7, v3;
	v4 =	vand.u32 $0xFFFFFFF0, v53  }
0x156: {  	v3 =	vor.u32 v3, v4  }
0x157: {  	v4 =	vperm.xlane v3, v0;
	_ =	sdelay $0x1  }
0x158: {  	v3 =	vperm.xlane v3, v2;
	v4 =	vadd.s32 v1, v4;
	_ =	sdelay $0x1  }
0x159: {  	v3 =	vadd.s32 v1, v3;
	_ =	sdelay $0x2  }
0x15a: {  	[tilespmem:s7], [sflag:$0x1] =	stream.indirect_vreg.gather [hbm4b:s4+s3], $0x80, v4, vm0, $0xb8;
	[tilespmem:$0x1A580] =	vst v63  }
0x15b: {  	_ = 	snop  }
0x15c: {  	[tilespmem:s8], [sflag:$0x1] =	stream.indirect_vreg.gather [hbm4b:s4+s3], $0x80, v3, vm0, $0xb8;
	[tilespmem:$0x1A580] =	vst v63  }
0x15d: {  	v3 =	vld [tilespmem:$0x1A0];
	_ =	sdelay $0x4  }
0x15e: {  	v54 =	vshll.u32 v3, $0x1  }
0x15f: {  	v3 =	vand.u32 $0x7, v3;
	v4 =	vand.u32 $0xFFFFFFF0, v54  }
0x160: {  	v3 =	vor.u32 v3, v4  }
0x161: {  	v4 =	vperm.xlane v3, v0;
	_ =	sdelay $0x1  }
0x162: {  	v3 =	vperm.xlane v3, v2;
	v4 =	vadd.s32 v1, v4;
	_ =	sdelay $0x1  }
0x163: {  	v3 =	vadd.s32 v1, v3;
	_ =	sdelay $0x2  }
0x164: {  	[tilespmem:s12], [sflag:$0x1] =	stream.indirect_vreg.gather [hbm4b:s4+s3], $0x80, v4, vm0, $0xb8;
	[tilespmem:$0x1A580] =	vst v63  }
0x165: {  	_ = 	snop  }
0x166: {  	[tilespmem:s6], [sflag:$0x1] =	stream.indirect_vreg.gather [hbm4b:s4+s3], $0x80, v3, vm0, $0xb8;
	[tilespmem:$0x1A580] =	vst v63  }
0x167: {  	v3 =	vld [tilespmem:$0x1B0];
	_ =	sdelay $0x4  }
0x168: {  	v55 =	vshll.u32 v3, $0x1  }
0x169: {  	v3 =	vand.u32 $0x7, v3;
	v4 =	vand.u32 $0xFFFFFFF0, v55  }
0x16a: {  	v3 =	vor.u32 v3, v4  }
0x16b: {  	v4 =	vperm.xlane v3, v0;
	_ =	sdelay $0x1  }
0x16c: {  	v3 =	vperm.xlane v3, v2;
	v4 =	vadd.s32 v1, v4;
	_ =	sdelay $0x1  }
0x16d: {  	v3 =	vadd.s32 v1, v3;
	_ =	sdelay $0x2  }
0x16e: {  	[tilespmem:s13], [sflag:$0x1] =	stream.indirect_vreg.gather [hbm4b:s4+s3], $0x80, v4, vm0, $0xb8;
	[tilespmem:$0x1A580] =	vst v63  }
0x16f: {  	_ = 	snop  }
0x170: {  	[tilespmem:s14], [sflag:$0x1] =	stream.indirect_vreg.gather [hbm4b:s4+s3], $0x80, v3, vm0, $0xb8;
	[tilespmem:$0x1A580] =	vst v63  }
0x171: {  	_ =	swait.ge [sflag:s22], $0x4000  }
0x172: {  	[sflag:s22] =	ssyncset.done $0x0  }
0x173: {  	s8 =	rddreg [dreg:$0xd];
	[sflag:s22] =	ssyncadd.s32 $0xFFFFC000  }
0x174: {  	[hbm4b:s8+s3] =	stream.linear.scatter [tilespmem:s15], [sflag:$0xB], $0x4000, $0x38;
	[tilespmem:$0x1A580] =	vst v63  }
0x175: {  	_ =	swait.ge [sflag:s23], $0x4000  }
0x176: {  	[sflag:s23] =	ssyncset.done $0x0  }
0x177: {  	[sflag:s23] =	ssyncadd.s32 $0xFFFFC000  }
0x178: {  	v3 =	vld [tilespmem:$0x1C0];
	_ =	sdelay $0x4  }
0x179: {  	v56 =	vshll.u32 v3, $0x1  }
0x17a: {  	v3 =	vand.u32 $0x7, v3;
	v4 =	vand.u32 $0xFFFFFFF0, v56  }
0x17b: {  	v3 =	vor.u32 v3, v4  }
0x17c: {  	v4 =	vperm.xlane v3, v0;
	_ =	sdelay $0x1  }
0x17d: {  	v3 =	vperm.xlane v3, v2;
	v4 =	vadd.s32 v1, v4;
	_ =	sdelay $0x1  }
0x17e: {  	v3 =	vadd.s32 v1, v3;
	_ =	sdelay $0x1  }
0x17f: {  	s10 =	simm.s32 $0x6580  }
0x180: {  	[tilespmem:s10], [sflag:$0x2] =	stream.indirect_vreg.gather [hbm4b:s4+s3], $0x80, v4, vm0, $0xb8;
	[tilespmem:$0x1A580] =	vst v63  }
0x181: {  	_ = 	snop  }
0x182: {  	[tilespmem:s18], [sflag:$0x2] =	stream.indirect_vreg.gather [hbm4b:s4+s3], $0x80, v3, vm0, $0xb8;
	[tilespmem:$0x1A580] =	vst v63  }
0x183: {  	v3 =	vld [tilespmem:$0x1D0];
	_ =	sdelay $0x4  }
0x184: {  	v57 =	vshll.u32 v3, $0x1  }
0x185: {  	v3 =	vand.u32 $0x7, v3;
	v4 =	vand.u32 $0xFFFFFFF0, v57  }
0x186: {  	v3 =	vor.u32 v3, v4  }
0x187: {  	v4 =	vperm.xlane v3, v0;
	_ =	sdelay $0x1  }
0x188: {  	v3 =	vperm.xlane v3, v2;
	v4 =	vadd.s32 v1, v4;
	_ =	sdelay $0x1  }
0x189: {  	v3 =	vadd.s32 v1, v3;
	_ =	sdelay $0x2  }
0x18a: {  	[tilespmem:s16], [sflag:$0x2] =	stream.indirect_vreg.gather [hbm4b:s4+s3], $0x80, v4, vm0, $0xb8;
	[tilespmem:$0x1A580] =	vst v63  }
0x18b: {  	_ = 	snop  }
0x18c: {  	[tilespmem:s19], [sflag:$0x2] =	stream.indirect_vreg.gather [hbm4b:s4+s3], $0x80, v3, vm0, $0xb8;
	[tilespmem:$0x1A580] =	vst v63  }
0x18d: {  	v3 =	vld [tilespmem:$0x1E0];
	_ =	sdelay $0x4  }
0x18e: {  	v58 =	vshll.u32 v3, $0x1  }
0x18f: {  	v3 =	vand.u32 $0x7, v3;
	v4 =	vand.u32 $0xFFFFFFF0, v58  }
0x190: {  	v3 =	vor.u32 v3, v4  }
0x191: {  	v4 =	vperm.xlane v3, v0;
	_ =	sdelay $0x1  }
0x192: {  	v3 =	vperm.xlane v3, v2;
	v4 =	vadd.s32 v1, v4;
	_ =	sdelay $0x1  }
0x193: {  	v3 =	vadd.s32 v1, v3;
	_ =	sdelay $0x2  }
0x194: {  	[tilespmem:s11], [sflag:$0x2] =	stream.indirect_vreg.gather [hbm4b:s4+s3], $0x80, v4, vm0, $0xb8;
	[tilespmem:$0x1A580] =	vst v63  }
0x195: {  	_ = 	snop  }
0x196: {  	[tilespmem:s21], [sflag:$0x2] =	stream.indirect_vreg.gather [hbm4b:s4+s3], $0x80, v3, vm0, $0xb8;
	[tilespmem:$0x1A580] =	vst v63  }
0x197: {  	v3 =	vld [tilespmem:$0x1F0];
	_ =	sdelay $0x4  }
0x198: {  	v59 =	vshll.u32 v3, $0x1  }
0x199: {  	v3 =	vand.u32 $0x7, v3;
	v4 =	vand.u32 $0xFFFFFFF0, v59  }
0x19a: {  	v3 =	vor.u32 v3, v4  }
0x19b: {  	v4 =	vperm.xlane v3, v0;
	_ =	sdelay $0x1  }
0x19c: {  	v3 =	vperm.xlane v3, v2;
	v4 =	vadd.s32 v1, v4;
	_ =	sdelay $0x1  }
0x19d: {  	v3 =	vadd.s32 v1, v3;
	_ =	sdelay $0x2  }
0x19e: {  	[tilespmem:s28], [sflag:$0x2] =	stream.indirect_vreg.gather [hbm4b:s4+s3], $0x80, v4, vm0, $0xb8;
	[tilespmem:$0x1A580] =	vst v63  }
0x19f: {  	s11 =	simm.s32 $0x9D80  }
0x1a0: {  	[tilespmem:s11], [sflag:$0x2] =	stream.indirect_vreg.gather [hbm4b:s4+s3], $0x80, v3, vm0, $0xb8;
	[tilespmem:$0x1A580] =	vst v63  }
0x1a1: {  	_ =	swait.ge [sflag:s24], $0x4000  }
0x1a2: {  	[sflag:s24] =	ssyncset.done $0x0  }
0x1a3: {  	s12 =	rddreg [dreg:$0xe];
	[sflag:s24] =	ssyncadd.s32 $0xFFFFC000  }
0x1a4: {  	[hbm4b:s12+s3] =	stream.linear.scatter [tilespmem:s30], [sflag:$0xC], $0x4000, $0x38;
	[tilespmem:$0x1A580] =	vst v63  }
0x1a5: {  	_ =	swait.ge [sflag:s25], $0x4000  }
0x1a6: {  	[sflag:s25] =	ssyncset.done $0x0  }
0x1a7: {  	[sflag:s25] =	ssyncadd.s32 $0xFFFFC000  }
0x1a8: {  	v3 =	vld [tilespmem:$0x200];
	_ =	sdelay $0x4  }
0x1a9: {  	v60 =	vshll.u32 v3, $0x1  }
0x1aa: {  	v3 =	vand.u32 $0x7, v3;
	v4 =	vand.u32 $0xFFFFFFF0, v60  }
0x1ab: {  	v3 =	vor.u32 v3, v4  }
0x1ac: {  	v4 =	vperm.xlane v3, v0;
	_ =	sdelay $0x1  }
0x1ad: {  	v3 =	vperm.xlane v3, v2;
	v4 =	vadd.s32 v1, v4;
	_ =	sdelay $0x1  }
0x1ae: {  	v3 =	vadd.s32 v1, v3;
	_ =	sdelay $0x1  }
0x1af: {  	s13 =	simm.s32 $0xA580  }
0x1b0: {  	[tilespmem:s13], [sflag:$0x3] =	stream.indirect_vreg.gather [hbm4b:s4+s3], $0x80, v4, vm0, $0xb8;
	[tilespmem:$0x1A580] =	vst v63  }
0x1b1: {  	s14 =	simm.s32 $0xAD80  }
0x1b2: {  	[tilespmem:s14], [sflag:$0x3] =	stream.indirect_vreg.gather [hbm4b:s4+s3], $0x80, v3, vm0, $0xb8;
	[tilespmem:$0x1A580] =	vst v63  }
0x1b3: {  	v3 =	vld [tilespmem:$0x210];
	_ =	sdelay $0x4  }
0x1b4: {  	v61 =	vshll.u32 v3, $0x1  }
0x1b5: {  	v3 =	vand.u32 $0x7, v3;
	v4 =	vand.u32 $0xFFFFFFF0, v61  }
0x1b6: {  	v3 =	vor.u32 v3, v4  }
0x1b7: {  	v4 =	vperm.xlane v3, v0;
	_ =	sdelay $0x1  }
0x1b8: {  	v3 =	vperm.xlane v3, v2;
	v4 =	vadd.s32 v1, v4;
	_ =	sdelay $0x1  }
0x1b9: {  	v3 =	vadd.s32 v1, v3;
	_ =	sdelay $0x1  }
0x1ba: {  	s15 =	simm.s32 $0xB580  }
0x1bb: {  	[tilespmem:s15], [sflag:$0x3] =	stream.indirect_vreg.gather [hbm4b:s4+s3], $0x80, v4, vm0, $0xb8;
	[tilespmem:$0x1A580] =	vst v63  }
0x1bc: {  	s16 =	simm.s32 $0xBD80  }
0x1bd: {  	[tilespmem:s16], [sflag:$0x3] =	stream.indirect_vreg.gather [hbm4b:s4+s3], $0x80, v3, vm0, $0xb8;
	[tilespmem:$0x1A580] =	vst v63  }
0x1be: {  	v3 =	vld [tilespmem:$0x220];
	_ =	sdelay $0x4  }
0x1bf: {  	v62 =	vshll.u32 v3, $0x1  }
0x1c0: {  	v3 =	vand.u32 $0x7, v3;
	v4 =	vand.u32 $0xFFFFFFF0, v62  }
0x1c1: {  	v3 =	vor.u32 v3, v4  }
0x1c2: {  	v4 =	vperm.xlane v3, v0;
	_ =	sdelay $0x1  }
0x1c3: {  	v3 =	vperm.xlane v3, v2;
	v4 =	vadd.s32 v1, v4;
	_ =	sdelay $0x1  }
0x1c4: {  	v3 =	vadd.s32 v1, v3;
	_ =	sdelay $0x1  }
0x1c5: {  	s18 =	simm.s32 $0xC580  }
0x1c6: {  	[tilespmem:s18], [sflag:$0x3] =	stream.indirect_vreg.gather [hbm4b:s4+s3], $0x80, v4, vm0, $0xb8;
	[tilespmem:$0x1A580] =	vst v63  }
0x1c7: {  	s19 =	simm.s32 $0xCD80  }
0x1c8: {  	[tilespmem:s19], [sflag:$0x3] =	stream.indirect_vreg.gather [hbm4b:s4+s3], $0x80, v3, vm0, $0xb8;
	[tilespmem:$0x1A580] =	vst v63  }
0x1c9: {  	v3 =	vld [tilespmem:$0x230];
	_ =	sdelay $0x4  }
0x1ca: {  	v63 =	vshll.u32 v3, $0x1  }
0x1cb: {  	v3 =	vand.u32 $0x7, v3;
	v4 =	vand.u32 $0xFFFFFFF0, v63  }
0x1cc: {  	v3 =	vor.u32 v3, v4  }
0x1cd: {  	v4 =	vperm.xlane v3, v0;
	_ =	sdelay $0x1  }
0x1ce: {  	v3 =	vperm.xlane v3, v2;
	v4 =	vadd.s32 v1, v4;
	_ =	sdelay $0x1  }
0x1cf: {  	s1 =	simm.s32 $0x3B0;
	s7 =	simm.s32 $0x0;
	s6 =	simm.s32 $0x4580;
	v3 =	vadd.s32 v1, v3  }
0x1d0: {  	s21 =	simm.s32 $0xD580;
	s28 =	simm.s32 $0x7580;
	s5 =	rddreg [dreg:$0x16]  }
0x1d1: {  	s11 =	simm.s32 $0x9580;
	s30 =	simm.s32 $0xDD80;
	s12 =	rddreg [dreg:$0x1]  }
0x1d2: {  	[tilespmem:s21], [sflag:$0x3] =	stream.indirect_vreg.gather [hbm4b:s4+s3], $0x80, v4, vm0, $0xb8;
	[tilespmem:$0x1A580] =	vst v63  }
0x1d3: {  	s15 =	simm.s32 $0x3D80;
	s16 =	simm.s32 $0x4D80;
	s19 =	simm.s32 $0x8D80  }
0x1d4: {  	[tilespmem:s30], [sflag:$0x3] =	stream.indirect_vreg.gather [hbm4b:s4+s3], $0x80, v3, vm0, $0xb8;
	[tilespmem:$0x1A580] =	vst v63  }
.LBB2_2:
0x1d5: {  	_ =	swait.ge [sflag:s17], $0x4000  }
0x1d6: {  	s8 =	sshrl.u32 s5, $0x3;
	[sflag:s17] =	ssyncset.done $0x0  }
0x1d7: {  	s30 =	simm.s32 $0x2580;
	s8 =	sadd.s32 s12, s8;
	[sflag:s17] =	ssyncadd.s32 $0xFFFFC000  }
0x1d8: {  	[hbm4b:s8+s3] =	stream.linear.scatter [tilespmem:s30], [sflag:$0x7], $0x4000, $0x38;
	[tilespmem:$0x1A580] =	vst v63  }
0x1d9: {  	_ =	swait.ge [sflag:s29], $0x4000  }
0x1da: {  	[sflag:s29] =	ssyncset.done $0x0  }
0x1db: {  	[sflag:s29] =	ssyncadd.s32 $0xFFFFC000  }
0x1dc: {  	v3 =	vld [tilespmem:s1+$0xFFFFFE90];
	_ =	sdelay $0x4  }
0x1dd: {  	v4 =	vshll.u32 v3, $0x1  }
0x1de: {  	v3 =	vand.u32 $0x7, v3;
	v4 =	vand.u32 $0xFFFFFFF0, v4  }
0x1df: {  	v3 =	vor.u32 v3, v4  }
0x1e0: {  	v4 =	vperm.xlane v3, v0;
	_ =	sdelay $0x1  }
0x1e1: {  	v3 =	vperm.xlane v3, v2;
	v4 =	vadd.s32 v1, v4;
	_ =	sdelay $0x1  }
0x1e2: {  	v3 =	vadd.s32 v1, v3;
	_ =	sdelay $0x1  }
0x1e3: {  	s10 =	simm.s32 $0xE580  }
0x1e4: {  	[tilespmem:s10], [sflag:$0x4] =	stream.indirect_vreg.gather [hbm4b:s4+s3], $0x80, v4, vm0, $0xb8;
	[tilespmem:$0x1A580] =	vst v63  }
0x1e5: {  	s13 =	simm.s32 $0xED80  }
0x1e6: {  	[tilespmem:s13], [sflag:$0x4] =	stream.indirect_vreg.gather [hbm4b:s4+s3], $0x80, v3, vm0, $0xb8;
	[tilespmem:$0x1A580] =	vst v63  }
0x1e7: {  	v3 =	vld [tilespmem:s1+$0xFFFFFEA0];
	_ =	sdelay $0x4  }
0x1e8: {  	v41 =	vshll.u32 v3, $0x1  }
0x1e9: {  	v3 =	vand.u32 $0x7, v3;
	v4 =	vand.u32 $0xFFFFFFF0, v41  }
0x1ea: {  	v3 =	vor.u32 v3, v4  }
0x1eb: {  	v4 =	vperm.xlane v3, v0;
	_ =	sdelay $0x1  }
0x1ec: {  	v3 =	vperm.xlane v3, v2;
	v4 =	vadd.s32 v1, v4;
	_ =	sdelay $0x1  }
0x1ed: {  	v3 =	vadd.s32 v1, v3;
	_ =	sdelay $0x1  }
0x1ee: {  	s14 =	simm.s32 $0xF580  }
0x1ef: {  	[tilespmem:s14], [sflag:$0x4] =	stream.indirect_vreg.gather [hbm4b:s4+s3], $0x80, v4, vm0, $0xb8;
	[tilespmem:$0x1A580] =	vst v63  }
0x1f0: {  	s18 =	simm.s32 $0xFD80  }
0x1f1: {  	[tilespmem:s18], [sflag:$0x4] =	stream.indirect_vreg.gather [hbm4b:s4+s3], $0x80, v3, vm0, $0xb8;
	[tilespmem:$0x1A580] =	vst v63  }
0x1f2: {  	v3 =	vld [tilespmem:s1+$0xFFFFFEB0];
	_ =	sdelay $0x4  }
0x1f3: {  	v42 =	vshll.u32 v3, $0x1  }
0x1f4: {  	v3 =	vand.u32 $0x7, v3;
	v4 =	vand.u32 $0xFFFFFFF0, v42  }
0x1f5: {  	v3 =	vor.u32 v3, v4  }
0x1f6: {  	v4 =	vperm.xlane v3, v0;
	_ =	sdelay $0x1  }
0x1f7: {  	v3 =	vperm.xlane v3, v2;
	v4 =	vadd.s32 v1, v4;
	_ =	sdelay $0x1  }
0x1f8: {  	v3 =	vadd.s32 v1, v3;
	_ =	sdelay $0x1  }
0x1f9: {  	s21 =	simm.s32 $0x10580  }
0x1fa: {  	[tilespmem:s21], [sflag:$0x4] =	stream.indirect_vreg.gather [hbm4b:s4+s3], $0x80, v4, vm0, $0xb8;
	[tilespmem:$0x1A580] =	vst v63  }
0x1fb: {  	s13 =	simm.s32 $0x10D80  }
0x1fc: {  	[tilespmem:s13], [sflag:$0x4] =	stream.indirect_vreg.gather [hbm4b:s4+s3], $0x80, v3, vm0, $0xb8;
	[tilespmem:$0x1A580] =	vst v63  }
0x1fd: {  	v3 =	vld [tilespmem:s1+$0xFFFFFEC0];
	_ =	sdelay $0x4  }
0x1fe: {  	v43 =	vshll.u32 v3, $0x1  }
0x1ff: {  	v3 =	vand.u32 $0x7, v3;
	v4 =	vand.u32 $0xFFFFFFF0, v43  }
0x200: {  	v3 =	vor.u32 v3, v4  }
0x201: {  	v4 =	vperm.xlane v3, v0;
	_ =	sdelay $0x1  }
0x202: {  	v3 =	vperm.xlane v3, v2;
	v4 =	vadd.s32 v1, v4;
	_ =	sdelay $0x1  }
0x203: {  	v3 =	vadd.s32 v1, v3;
	_ =	sdelay $0x1  }
0x204: {  	s14 =	simm.s32 $0x11580  }
0x205: {  	[tilespmem:s14], [sflag:$0x4] =	stream.indirect_vreg.gather [hbm4b:s4+s3], $0x80, v4, vm0, $0xb8;
	[tilespmem:$0x1A580] =	vst v63  }
0x206: {  	s18 =	simm.s32 $0x11D80  }
0x207: {  	[tilespmem:s18], [sflag:$0x4] =	stream.indirect_vreg.gather [hbm4b:s4+s3], $0x80, v3, vm0, $0xb8;
	[tilespmem:$0x1A580] =	vst v63  }
0x208: {  	_ =	swait.ge [sflag:s26], $0x4000  }
0x209: {  	s21 =	rddreg [dreg:$0x6];
	[sflag:s26] =	ssyncset.done $0x0  }
0x20a: {  	s18 =	simm.s32 $0x6580;
	[sflag:s26] =	ssyncadd.s32 $0xFFFFC000;
	s8 =	sadd.s32 s7, s21  }
0x20b: {  	[hbm4b:s8+s3] =	stream.linear.scatter [tilespmem:s18], [sflag:$0x8], $0x4000, $0x38;
	[tilespmem:$0x1A580] =	vst v63  }
0x20c: {  	_ =	swait.ge [sflag:s31], $0x4000  }
0x20d: {  	[sflag:s31] =	ssyncset.done $0x0  }
0x20e: {  	[sflag:s31] =	ssyncadd.s32 $0xFFFFC000  }
0x20f: {  	v3 =	vld [tilespmem:s1+$0xFFFFFED0];
	_ =	sdelay $0x4  }
0x210: {  	v44 =	vshll.u32 v3, $0x1  }
0x211: {  	v3 =	vand.u32 $0x7, v3;
	v4 =	vand.u32 $0xFFFFFFF0, v44  }
0x212: {  	v3 =	vor.u32 v3, v4  }
0x213: {  	v4 =	vperm.xlane v3, v0;
	_ =	sdelay $0x1  }
0x214: {  	v3 =	vperm.xlane v3, v2;
	v4 =	vadd.s32 v1, v4;
	_ =	sdelay $0x1  }
0x215: {  	v3 =	vadd.s32 v1, v3;
	_ =	sdelay $0x1  }
0x216: {  	s21 =	simm.s32 $0x12580  }
0x217: {  	[tilespmem:s21], [sflag:$0x5] =	stream.indirect_vreg.gather [hbm4b:s4+s3], $0x80, v4, vm0, $0xb8;
	[tilespmem:$0x1A580] =	vst v63  }
0x218: {  	s13 =	simm.s32 $0x12D80  }
0x219: {  	[tilespmem:s13], [sflag:$0x5] =	stream.indirect_vreg.gather [hbm4b:s4+s3], $0x80, v3, vm0, $0xb8;
	[tilespmem:$0x1A580] =	vst v63  }
0x21a: {  	v3 =	vld [tilespmem:s1+$0xFFFFFEE0];
	_ =	sdelay $0x4  }
0x21b: {  	v45 =	vshll.u32 v3, $0x1  }
0x21c: {  	v3 =	vand.u32 $0x7, v3;
	v4 =	vand.u32 $0xFFFFFFF0, v45  }
0x21d: {  	v3 =	vor.u32 v3, v4  }
0x21e: {  	v4 =	vperm.xlane v3, v0;
	_ =	sdelay $0x1  }
0x21f: {  	v3 =	vperm.xlane v3, v2;
	v4 =	vadd.s32 v1, v4;
	_ =	sdelay $0x1  }
0x220: {  	v3 =	vadd.s32 v1, v3;
	_ =	sdelay $0x1  }
0x221: {  	s14 =	simm.s32 $0x13580  }
0x222: {  	[tilespmem:s14], [sflag:$0x5] =	stream.indirect_vreg.gather [hbm4b:s4+s3], $0x80, v4, vm0, $0xb8;
	[tilespmem:$0x1A580] =	vst v63  }
0x223: {  	s13 =	simm.s32 $0x13D80  }
0x224: {  	[tilespmem:s13], [sflag:$0x5] =	stream.indirect_vreg.gather [hbm4b:s4+s3], $0x80, v3, vm0, $0xb8;
	[tilespmem:$0x1A580] =	vst v63  }
0x225: {  	v3 =	vld [tilespmem:s1+$0xFFFFFEF0];
	_ =	sdelay $0x4  }
0x226: {  	v46 =	vshll.u32 v3, $0x1  }
0x227: {  	v3 =	vand.u32 $0x7, v3;
	v4 =	vand.u32 $0xFFFFFFF0, v46  }
0x228: {  	v3 =	vor.u32 v3, v4  }
0x229: {  	v4 =	vperm.xlane v3, v0;
	_ =	sdelay $0x1  }
0x22a: {  	v3 =	vperm.xlane v3, v2;
	v4 =	vadd.s32 v1, v4;
	_ =	sdelay $0x1  }
0x22b: {  	v3 =	vadd.s32 v1, v3;
	_ =	sdelay $0x1  }
0x22c: {  	s14 =	simm.s32 $0x14580  }
0x22d: {  	[tilespmem:s14], [sflag:$0x5] =	stream.indirect_vreg.gather [hbm4b:s4+s3], $0x80, v4, vm0, $0xb8;
	[tilespmem:$0x1A580] =	vst v63  }
0x22e: {  	s13 =	simm.s32 $0x14D80  }
0x22f: {  	[tilespmem:s13], [sflag:$0x5] =	stream.indirect_vreg.gather [hbm4b:s4+s3], $0x80, v3, vm0, $0xb8;
	[tilespmem:$0x1A580] =	vst v63  }
0x230: {  	v3 =	vld [tilespmem:s1+$0xFFFFFF00];
	_ =	sdelay $0x4  }
0x231: {  	v47 =	vshll.u32 v3, $0x1  }
0x232: {  	v3 =	vand.u32 $0x7, v3;
	v4 =	vand.u32 $0xFFFFFFF0, v47  }
0x233: {  	v3 =	vor.u32 v3, v4  }
0x234: {  	v4 =	vperm.xlane v3, v0;
	_ =	sdelay $0x1  }
0x235: {  	v3 =	vperm.xlane v3, v2;
	v4 =	vadd.s32 v1, v4;
	_ =	sdelay $0x1  }
0x236: {  	v3 =	vadd.s32 v1, v3;
	_ =	sdelay $0x1  }
0x237: {  	s14 =	simm.s32 $0x15580  }
0x238: {  	[tilespmem:s14], [sflag:$0x5] =	stream.indirect_vreg.gather [hbm4b:s4+s3], $0x80, v4, vm0, $0xb8;
	[tilespmem:$0x1A580] =	vst v63  }
0x239: {  	s13 =	simm.s32 $0x15D80  }
0x23a: {  	[tilespmem:s13], [sflag:$0x5] =	stream.indirect_vreg.gather [hbm4b:s4+s3], $0x80, v3, vm0, $0xb8;
	[tilespmem:$0x1A580] =	vst v63  }
0x23b: {  	_ =	swait.ge [sflag:s9], $0x4000  }
0x23c: {  	s14 =	rddreg [dreg:$0x7];
	[sflag:s9] =	ssyncset.done $0x0  }
0x23d: {  	s13 =	simm.s32 $0xA580;
	[sflag:s9] =	ssyncadd.s32 $0xFFFFC000;
	s8 =	sadd.s32 s7, s14  }
0x23e: {  	[hbm4b:s8+s3] =	stream.linear.scatter [tilespmem:s13], [sflag:$0x9], $0x4000, $0x38;
	[tilespmem:$0x1A580] =	vst v63  }
0x23f: {  	_ =	swait.ge [sflag:s0], $0x4000  }
0x240: {  	[sflag:s0] =	ssyncset.done $0x0  }
0x241: {  	[sflag:s0] =	ssyncadd.s32 $0xFFFFC000  }
0x242: {  	v3 =	vld [tilespmem:s1+$0xFFFFFF10];
	_ =	sdelay $0x4  }
0x243: {  	v48 =	vshll.u32 v3, $0x1  }
0x244: {  	v3 =	vand.u32 $0x7, v3;
	v4 =	vand.u32 $0xFFFFFFF0, v48  }
0x245: {  	v3 =	vor.u32 v3, v4  }
0x246: {  	v4 =	vperm.xlane v3, v0;
	_ =	sdelay $0x1  }
0x247: {  	v3 =	vperm.xlane v3, v2;
	v4 =	vadd.s32 v1, v4;
	_ =	sdelay $0x1  }
0x248: {  	v3 =	vadd.s32 v1, v3;
	_ =	sdelay $0x1  }
0x249: {  	s14 =	simm.s32 $0x16580  }
0x24a: {  	[tilespmem:s14], [sflag:$0x6] =	stream.indirect_vreg.gather [hbm4b:s4+s3], $0x80, v4, vm0, $0xb8;
	[tilespmem:$0x1A580] =	vst v63  }
0x24b: {  	s8 =	simm.s32 $0x16D80  }
0x24c: {  	[tilespmem:s8], [sflag:$0x6] =	stream.indirect_vreg.gather [hbm4b:s4+s3], $0x80, v3, vm0, $0xb8;
	[tilespmem:$0x1A580] =	vst v63  }
0x24d: {  	v3 =	vld [tilespmem:s1+$0xFFFFFF20];
	_ =	sdelay $0x4  }
0x24e: {  	v49 =	vshll.u32 v3, $0x1  }
0x24f: {  	v3 =	vand.u32 $0x7, v3;
	v4 =	vand.u32 $0xFFFFFFF0, v49  }
0x250: {  	v3 =	vor.u32 v3, v4  }
0x251: {  	v4 =	vperm.xlane v3, v0;
	_ =	sdelay $0x1  }
0x252: {  	v3 =	vperm.xlane v3, v2;
	v4 =	vadd.s32 v1, v4;
	_ =	sdelay $0x1  }
0x253: {  	v3 =	vadd.s32 v1, v3;
	_ =	sdelay $0x1  }
0x254: {  	s8 =	simm.s32 $0x17580  }
0x255: {  	[tilespmem:s8], [sflag:$0x6] =	stream.indirect_vreg.gather [hbm4b:s4+s3], $0x80, v4, vm0, $0xb8;
	[tilespmem:$0x1A580] =	vst v63  }
0x256: {  	s8 =	simm.s32 $0x17D80  }
0x257: {  	[tilespmem:s8], [sflag:$0x6] =	stream.indirect_vreg.gather [hbm4b:s4+s3], $0x80, v3, vm0, $0xb8;
	[tilespmem:$0x1A580] =	vst v63  }
0x258: {  	v3 =	vld [tilespmem:s1+$0xFFFFFF30];
	_ =	sdelay $0x4  }
0x259: {  	v50 =	vshll.u32 v3, $0x1  }
0x25a: {  	v3 =	vand.u32 $0x7, v3;
	v4 =	vand.u32 $0xFFFFFFF0, v50  }
0x25b: {  	v3 =	vor.u32 v3, v4  }
0x25c: {  	v4 =	vperm.xlane v3, v0;
	_ =	sdelay $0x1  }
0x25d: {  	v3 =	vperm.xlane v3, v2;
	v4 =	vadd.s32 v1, v4;
	_ =	sdelay $0x1  }
0x25e: {  	v3 =	vadd.s32 v1, v3;
	_ =	sdelay $0x1  }
0x25f: {  	s8 =	simm.s32 $0x18580  }
0x260: {  	[tilespmem:s8], [sflag:$0x6] =	stream.indirect_vreg.gather [hbm4b:s4+s3], $0x80, v4, vm0, $0xb8;
	[tilespmem:$0x1A580] =	vst v63  }
0x261: {  	s8 =	simm.s32 $0x18D80  }
0x262: {  	[tilespmem:s8], [sflag:$0x6] =	stream.indirect_vreg.gather [hbm4b:s4+s3], $0x80, v3, vm0, $0xb8;
	[tilespmem:$0x1A580] =	vst v63  }
0x263: {  	v3 =	vld [tilespmem:s1+$0xFFFFFF40];
	_ =	sdelay $0x4  }
0x264: {  	v51 =	vshll.u32 v3, $0x1  }
0x265: {  	v3 =	vand.u32 $0x7, v3;
	v4 =	vand.u32 $0xFFFFFFF0, v51  }
0x266: {  	v3 =	vor.u32 v3, v4  }
0x267: {  	v4 =	vperm.xlane v3, v0;
	_ =	sdelay $0x1  }
0x268: {  	v3 =	vperm.xlane v3, v2;
	v4 =	vadd.s32 v1, v4;
	_ =	sdelay $0x1  }
0x269: {  	v3 =	vadd.s32 v1, v3;
	_ =	sdelay $0x1  }
0x26a: {  	s8 =	simm.s32 $0x19580  }
0x26b: {  	[tilespmem:s8], [sflag:$0x6] =	stream.indirect_vreg.gather [hbm4b:s4+s3], $0x80, v4, vm0, $0xb8;
	[tilespmem:$0x1A580] =	vst v63  }
0x26c: {  	s8 =	simm.s32 $0x19D80  }
0x26d: {  	[tilespmem:s8], [sflag:$0x6] =	stream.indirect_vreg.gather [hbm4b:s4+s3], $0x80, v3, vm0, $0xb8;
	[tilespmem:$0x1A580] =	vst v63  }
0x26e: {  	_ =	swait.ge [sflag:s20], $0x4000  }
0x26f: {  	s8 =	rddreg [dreg:$0x3];
	[sflag:s20] =	ssyncset.done $0x0  }
0x270: {  	[sflag:s20] =	ssyncadd.s32 $0xFFFFC000;
	s8 =	sadd.s32 s7, s8  }
0x271: {  	[hbm4b:s8+s3] =	stream.linear.scatter [tilespmem:s10], [sflag:$0xA], $0x4000, $0x38;
	[tilespmem:$0x1A580] =	vst v63  }
0x272: {  	_ =	swait.ge [sflag:s2], $0x4000  }
0x273: {  	[sflag:s2] =	ssyncset.done $0x0  }
0x274: {  	[sflag:s2] =	ssyncadd.s32 $0xFFFFC000  }
0x275: {  	v3 =	vld [tilespmem:s1+$0xFFFFFF50];
	_ =	sdelay $0x4  }
0x276: {  	v52 =	vshll.u32 v3, $0x1  }
0x277: {  	v3 =	vand.u32 $0x7, v3;
	v4 =	vand.u32 $0xFFFFFFF0, v52  }
0x278: {  	v3 =	vor.u32 v3, v4  }
0x279: {  	v4 =	vperm.xlane v3, v0;
	_ =	sdelay $0x1  }
0x27a: {  	v3 =	vperm.xlane v3, v2;
	v4 =	vadd.s32 v1, v4;
	_ =	sdelay $0x1  }
0x27b: {  	v3 =	vadd.s32 v1, v3;
	_ =	sdelay $0x2  }
0x27c: {  	[tilespmem:s30], [sflag:$0x1] =	stream.indirect_vreg.gather [hbm4b:s4+s3], $0x80, v4, vm0, $0xb8;
	[tilespmem:$0x1A580] =	vst v63  }
0x27d: {  	s8 =	simm.s32 $0x2D80  }
0x27e: {  	[tilespmem:s8], [sflag:$0x1] =	stream.indirect_vreg.gather [hbm4b:s4+s3], $0x80, v3, vm0, $0xb8;
	[tilespmem:$0x1A580] =	vst v63  }
0x27f: {  	v3 =	vld [tilespmem:s1+$0xFFFFFF60];
	_ =	sdelay $0x4  }
0x280: {  	v53 =	vshll.u32 v3, $0x1  }
0x281: {  	v3 =	vand.u32 $0x7, v3;
	v4 =	vand.u32 $0xFFFFFFF0, v53  }
0x282: {  	v3 =	vor.u32 v3, v4  }
0x283: {  	v4 =	vperm.xlane v3, v0;
	_ =	sdelay $0x1  }
0x284: {  	v3 =	vperm.xlane v3, v2;
	v4 =	vadd.s32 v1, v4;
	_ =	sdelay $0x1  }
0x285: {  	v3 =	vadd.s32 v1, v3;
	_ =	sdelay $0x1  }
0x286: {  	s8 =	simm.s32 $0x3580  }
0x287: {  	[tilespmem:s8], [sflag:$0x1] =	stream.indirect_vreg.gather [hbm4b:s4+s3], $0x80, v4, vm0, $0xb8;
	[tilespmem:$0x1A580] =	vst v63  }
0x288: {  	_ = 	snop  }
0x289: {  	[tilespmem:s15], [sflag:$0x1] =	stream.indirect_vreg.gather [hbm4b:s4+s3], $0x80, v3, vm0, $0xb8;
	[tilespmem:$0x1A580] =	vst v63  }
0x28a: {  	v3 =	vld [tilespmem:s1+$0xFFFFFF70];
	_ =	sdelay $0x4  }
0x28b: {  	v54 =	vshll.u32 v3, $0x1  }
0x28c: {  	v3 =	vand.u32 $0x7, v3;
	v4 =	vand.u32 $0xFFFFFFF0, v54  }
0x28d: {  	v3 =	vor.u32 v3, v4  }
0x28e: {  	v4 =	vperm.xlane v3, v0;
	_ =	sdelay $0x1  }
0x28f: {  	v3 =	vperm.xlane v3, v2;
	v4 =	vadd.s32 v1, v4;
	_ =	sdelay $0x1  }
0x290: {  	v3 =	vadd.s32 v1, v3;
	_ =	sdelay $0x2  }
0x291: {  	[tilespmem:s6], [sflag:$0x1] =	stream.indirect_vreg.gather [hbm4b:s4+s3], $0x80, v4, vm0, $0xb8;
	[tilespmem:$0x1A580] =	vst v63  }
0x292: {  	_ = 	snop  }
0x293: {  	[tilespmem:s16], [sflag:$0x1] =	stream.indirect_vreg.gather [hbm4b:s4+s3], $0x80, v3, vm0, $0xb8;
	[tilespmem:$0x1A580] =	vst v63  }
0x294: {  	v3 =	vld [tilespmem:s1+$0xFFFFFF80];
	_ =	sdelay $0x4  }
0x295: {  	v55 =	vshll.u32 v3, $0x1  }
0x296: {  	v3 =	vand.u32 $0x7, v3;
	v4 =	vand.u32 $0xFFFFFFF0, v55  }
0x297: {  	v3 =	vor.u32 v3, v4  }
0x298: {  	v4 =	vperm.xlane v3, v0;
	_ =	sdelay $0x1  }
0x299: {  	v3 =	vperm.xlane v3, v2;
	v4 =	vadd.s32 v1, v4;
	_ =	sdelay $0x1  }
0x29a: {  	v3 =	vadd.s32 v1, v3;
	_ =	sdelay $0x1  }
0x29b: {  	s8 =	simm.s32 $0x5580  }
0x29c: {  	[tilespmem:s8], [sflag:$0x1] =	stream.indirect_vreg.gather [hbm4b:s4+s3], $0x80, v4, vm0, $0xb8;
	[tilespmem:$0x1A580] =	vst v63  }
0x29d: {  	s8 =	simm.s32 $0x5D80  }
0x29e: {  	[tilespmem:s8], [sflag:$0x1] =	stream.indirect_vreg.gather [hbm4b:s4+s3], $0x80, v3, vm0, $0xb8;
	[tilespmem:$0x1A580] =	vst v63  }
0x29f: {  	_ =	swait.ge [sflag:s22], $0x4000  }
0x2a0: {  	s8 =	rddreg [dreg:$0x4];
	[sflag:s22] =	ssyncset.done $0x0  }
0x2a1: {  	[sflag:s22] =	ssyncadd.s32 $0xFFFFC000;
	s8 =	sadd.s32 s7, s8  }
0x2a2: {  	[hbm4b:s8+s3] =	stream.linear.scatter [tilespmem:s21], [sflag:$0xB], $0x4000, $0x38;
	[tilespmem:$0x1A580] =	vst v63  }
0x2a3: {  	_ =	swait.ge [sflag:s23], $0x4000  }
0x2a4: {  	[sflag:s23] =	ssyncset.done $0x0  }
0x2a5: {  	[sflag:s23] =	ssyncadd.s32 $0xFFFFC000  }
0x2a6: {  	v3 =	vld [tilespmem:s1+$0xFFFFFF90];
	_ =	sdelay $0x4  }
0x2a7: {  	v56 =	vshll.u32 v3, $0x1  }
0x2a8: {  	v3 =	vand.u32 $0x7, v3;
	v4 =	vand.u32 $0xFFFFFFF0, v56  }
0x2a9: {  	v3 =	vor.u32 v3, v4  }
0x2aa: {  	v4 =	vperm.xlane v3, v0;
	_ =	sdelay $0x1  }
0x2ab: {  	v3 =	vperm.xlane v3, v2;
	v4 =	vadd.s32 v1, v4;
	_ =	sdelay $0x1  }
0x2ac: {  	v3 =	vadd.s32 v1, v3;
	_ =	sdelay $0x2  }
0x2ad: {  	[tilespmem:s18], [sflag:$0x2] =	stream.indirect_vreg.gather [hbm4b:s4+s3], $0x80, v4, vm0, $0xb8;
	[tilespmem:$0x1A580] =	vst v63  }
0x2ae: {  	s18 =	simm.s32 $0x6D80  }
0x2af: {  	[tilespmem:s18], [sflag:$0x2] =	stream.indirect_vreg.gather [hbm4b:s4+s3], $0x80, v3, vm0, $0xb8;
	[tilespmem:$0x1A580] =	vst v63  }
0x2b0: {  	v3 =	vld [tilespmem:s1+$0xFFFFFFA0];
	_ =	sdelay $0x4  }
0x2b1: {  	v57 =	vshll.u32 v3, $0x1  }
0x2b2: {  	v3 =	vand.u32 $0x7, v3;
	v4 =	vand.u32 $0xFFFFFFF0, v57  }
0x2b3: {  	v3 =	vor.u32 v3, v4  }
0x2b4: {  	v4 =	vperm.xlane v3, v0;
	_ =	sdelay $0x1  }
0x2b5: {  	v3 =	vperm.xlane v3, v2;
	v4 =	vadd.s32 v1, v4;
	_ =	sdelay $0x1  }
0x2b6: {  	v3 =	vadd.s32 v1, v3;
	_ =	sdelay $0x2  }
0x2b7: {  	[tilespmem:s28], [sflag:$0x2] =	stream.indirect_vreg.gather [hbm4b:s4+s3], $0x80, v4, vm0, $0xb8;
	[tilespmem:$0x1A580] =	vst v63  }
0x2b8: {  	s21 =	simm.s32 $0x7D80  }
0x2b9: {  	[tilespmem:s21], [sflag:$0x2] =	stream.indirect_vreg.gather [hbm4b:s4+s3], $0x80, v3, vm0, $0xb8;
	[tilespmem:$0x1A580] =	vst v63  }
0x2ba: {  	v3 =	vld [tilespmem:s1+$0xFFFFFFB0];
	_ =	sdelay $0x4  }
0x2bb: {  	v58 =	vshll.u32 v3, $0x1  }
0x2bc: {  	v3 =	vand.u32 $0x7, v3;
	v4 =	vand.u32 $0xFFFFFFF0, v58  }
0x2bd: {  	v3 =	vor.u32 v3, v4  }
0x2be: {  	v4 =	vperm.xlane v3, v0;
	_ =	sdelay $0x1  }
0x2bf: {  	v3 =	vperm.xlane v3, v2;
	v4 =	vadd.s32 v1, v4;
	_ =	sdelay $0x1  }
0x2c0: {  	v3 =	vadd.s32 v1, v3;
	_ =	sdelay $0x1  }
0x2c1: {  	s21 =	simm.s32 $0x8580  }
0x2c2: {  	[tilespmem:s21], [sflag:$0x2] =	stream.indirect_vreg.gather [hbm4b:s4+s3], $0x80, v4, vm0, $0xb8;
	[tilespmem:$0x1A580] =	vst v63  }
0x2c3: {  	_ = 	snop  }
0x2c4: {  	[tilespmem:s19], [sflag:$0x2] =	stream.indirect_vreg.gather [hbm4b:s4+s3], $0x80, v3, vm0, $0xb8;
	[tilespmem:$0x1A580] =	vst v63  }
0x2c5: {  	v3 =	vld [tilespmem:s1+$0xFFFFFFC0];
	_ =	sdelay $0x4  }
0x2c6: {  	v59 =	vshll.u32 v3, $0x1  }
0x2c7: {  	v3 =	vand.u32 $0x7, v3;
	v4 =	vand.u32 $0xFFFFFFF0, v59  }
0x2c8: {  	v3 =	vor.u32 v3, v4  }
0x2c9: {  	v4 =	vperm.xlane v3, v0;
	_ =	sdelay $0x1  }
0x2ca: {  	v3 =	vperm.xlane v3, v2;
	v4 =	vadd.s32 v1, v4;
	_ =	sdelay $0x1  }
0x2cb: {  	v3 =	vadd.s32 v1, v3;
	_ =	sdelay $0x2  }
0x2cc: {  	[tilespmem:s11], [sflag:$0x2] =	stream.indirect_vreg.gather [hbm4b:s4+s3], $0x80, v4, vm0, $0xb8;
	[tilespmem:$0x1A580] =	vst v63  }
0x2cd: {  	s21 =	simm.s32 $0x9D80  }
0x2ce: {  	[tilespmem:s21], [sflag:$0x2] =	stream.indirect_vreg.gather [hbm4b:s4+s3], $0x80, v3, vm0, $0xb8;
	[tilespmem:$0x1A580] =	vst v63  }
0x2cf: {  	_ =	swait.ge [sflag:s24], $0x4000  }
0x2d0: {  	s21 =	rddreg [dreg:$0x5];
	[sflag:s24] =	ssyncset.done $0x0  }
0x2d1: {  	[sflag:s24] =	ssyncadd.s32 $0xFFFFC000;
	s8 =	sadd.s32 s7, s21  }
0x2d2: {  	[hbm4b:s8+s3] =	stream.linear.scatter [tilespmem:s14], [sflag:$0xC], $0x4000, $0x38;
	[tilespmem:$0x1A580] =	vst v63  }
0x2d3: {  	_ =	swait.ge [sflag:s25], $0x4000  }
0x2d4: {  	[sflag:s25] =	ssyncset.done $0x0  }
0x2d5: {  	[sflag:s25] =	ssyncadd.s32 $0xFFFFC000  }
0x2d6: {  	v3 =	vld [tilespmem:s1+$0xFFFFFFD0];
	_ =	sdelay $0x4  }
0x2d7: {  	v60 =	vshll.u32 v3, $0x1  }
0x2d8: {  	v3 =	vand.u32 $0x7, v3;
	v4 =	vand.u32 $0xFFFFFFF0, v60  }
0x2d9: {  	v3 =	vor.u32 v3, v4  }
0x2da: {  	v4 =	vperm.xlane v3, v0;
	_ =	sdelay $0x1  }
0x2db: {  	v3 =	vperm.xlane v3, v2;
	v4 =	vadd.s32 v1, v4;
	_ =	sdelay $0x1  }
0x2dc: {  	v3 =	vadd.s32 v1, v3;
	_ =	sdelay $0x2  }
0x2dd: {  	[tilespmem:s13], [sflag:$0x3] =	stream.indirect_vreg.gather [hbm4b:s4+s3], $0x80, v4, vm0, $0xb8;
	[tilespmem:$0x1A580] =	vst v63  }
0x2de: {  	s21 =	simm.s32 $0xAD80  }
0x2df: {  	[tilespmem:s21], [sflag:$0x3] =	stream.indirect_vreg.gather [hbm4b:s4+s3], $0x80, v3, vm0, $0xb8;
	[tilespmem:$0x1A580] =	vst v63  }
0x2e0: {  	v3 =	vld [tilespmem:s1+$0xFFFFFFE0];
	_ =	sdelay $0x4  }
0x2e1: {  	v61 =	vshll.u32 v3, $0x1  }
0x2e2: {  	v3 =	vand.u32 $0x7, v3;
	v4 =	vand.u32 $0xFFFFFFF0, v61  }
0x2e3: {  	v3 =	vor.u32 v3, v4  }
0x2e4: {  	v4 =	vperm.xlane v3, v0;
	_ =	sdelay $0x1  }
0x2e5: {  	v3 =	vperm.xlane v3, v2;
	v4 =	vadd.s32 v1, v4;
	_ =	sdelay $0x1  }
0x2e6: {  	v3 =	vadd.s32 v1, v3;
	_ =	sdelay $0x1  }
0x2e7: {  	s14 =	simm.s32 $0xB580  }
0x2e8: {  	[tilespmem:s14], [sflag:$0x3] =	stream.indirect_vreg.gather [hbm4b:s4+s3], $0x80, v4, vm0, $0xb8;
	[tilespmem:$0x1A580] =	vst v63  }
0x2e9: {  	s21 =	simm.s32 $0xBD80  }
0x2ea: {  	[tilespmem:s21], [sflag:$0x3] =	stream.indirect_vreg.gather [hbm4b:s4+s3], $0x80, v3, vm0, $0xb8;
	[tilespmem:$0x1A580] =	vst v63  }
0x2eb: {  	v3 =	vld [tilespmem:s1+$0xFFFFFFF0];
	_ =	sdelay $0x4  }
0x2ec: {  	v62 =	vshll.u32 v3, $0x1  }
0x2ed: {  	v3 =	vand.u32 $0x7, v3;
	v4 =	vand.u32 $0xFFFFFFF0, v62  }
0x2ee: {  	v3 =	vor.u32 v3, v4  }
0x2ef: {  	v4 =	vperm.xlane v3, v0;
	_ =	sdelay $0x1  }
0x2f0: {  	v3 =	vperm.xlane v3, v2;
	v4 =	vadd.s32 v1, v4;
	_ =	sdelay $0x1  }
0x2f1: {  	v3 =	vadd.s32 v1, v3;
	_ =	sdelay $0x1  }
0x2f2: {  	s14 =	simm.s32 $0xC580  }
0x2f3: {  	[tilespmem:s14], [sflag:$0x3] =	stream.indirect_vreg.gather [hbm4b:s4+s3], $0x80, v4, vm0, $0xb8;
	[tilespmem:$0x1A580] =	vst v63  }
0x2f4: {  	s21 =	simm.s32 $0xCD80  }
0x2f5: {  	[tilespmem:s21], [sflag:$0x3] =	stream.indirect_vreg.gather [hbm4b:s4+s3], $0x80, v3, vm0, $0xb8;
	[tilespmem:$0x1A580] =	vst v63  }
0x2f6: {  	v3 =	vld [tilespmem:s1+$0x0];
	_ =	sdelay $0x4  }
0x2f7: {  	v63 =	vshll.u32 v3, $0x1  }
0x2f8: {  	v3 =	vand.u32 $0x7, v3;
	v4 =	vand.u32 $0xFFFFFFF0, v63  }
0x2f9: {  	v3 =	vor.u32 v3, v4  }
0x2fa: {  	v4 =	vperm.xlane v3, v0;
	_ =	sdelay $0x1  }
0x2fb: {  	v3 =	vperm.xlane v3, v2;
	v4 =	vadd.s32 v1, v4;
	_ =	sdelay $0x1  }
0x2fc: {  	p0 =	sne.s32 s7, $0x420000;
	v3 =	vadd.s32 v1, v3  }
.Ltmp0:
0x2fd: {  	s5 =	sadd.s32 $0x180000, s5;
	s10 =	simm.s32 $0x2580;
	(pc) =	sbr.rel @p0 .LBB2_2-.Ltmp0, $4  }
0x2fe: {  	s30 =	simm.s32 $0x6580;
	s7 =	sadd.s32 $0x30000, s7;
	s14 =	simm.s32 $0xD580  }
0x2ff: {  	[tilespmem:s14], [sflag:$0x3] =	stream.indirect_vreg.gather [hbm4b:s4+s3], $0x80, v4, vm0, $0xb8;
	[tilespmem:$0x1A580] =	vst v63  }
0x300: {  	s8 =	simm.s32 $0xA580;
	s21 =	simm.s32 $0xDD80;
	s1 =	sadd.s32 $0x180, s1  }
0x301: {  	[tilespmem:s21], [sflag:$0x3] =	stream.indirect_vreg.gather [hbm4b:s4+s3], $0x80, v3, vm0, $0xb8;
	[tilespmem:$0x1A580] =	vst v63  }
0x302: {  	_ =	swait.ge [sflag:s17], $0x4000  }
0x303: {  	[sflag:s17] =	ssyncset.done $0x0  }
0x304: {  	s1 =	rddreg [dreg:$0xf];
	[sflag:s17] =	ssyncadd.s32 $0xFFFFC000  }
0x305: {  	[hbm4b:s1+s3] =	stream.linear.scatter [tilespmem:s10], [sflag:$0x7], $0x4000, $0x38;
	[tilespmem:$0x1A580] =	vst v63  }
0x306: {  	_ =	swait.ge [sflag:s29], $0x4000  }
0x307: {  	[sflag:s29] =	ssyncset.done $0x0  }
0x308: {  	[sflag:s29] =	ssyncadd.s32 $0xFFFFC000  }
0x309: {  	v3 =	vld [tilespmem:$0x24C0];
	_ =	sdelay $0x4  }
0x30a: {  	v4 =	vshll.u32 v3, $0x1  }
0x30b: {  	v3 =	vand.u32 $0x7, v3;
	v4 =	vand.u32 $0xFFFFFFF0, v4  }
0x30c: {  	v3 =	vor.u32 v3, v4  }
0x30d: {  	v4 =	vperm.xlane v3, v0;
	_ =	sdelay $0x1  }
0x30e: {  	v3 =	vperm.xlane v3, v2;
	v4 =	vadd.s32 v1, v4;
	_ =	sdelay $0x1  }
0x30f: {  	v3 =	vadd.s32 v1, v3;
	_ =	sdelay $0x1  }
0x310: {  	s5 =	simm.s32 $0xE580  }
0x311: {  	[tilespmem:s5], [sflag:$0x4] =	stream.indirect_vreg.gather [hbm4b:s4+s3], $0x80, v4, vm0, $0xb8;
	[tilespmem:$0x1A580] =	vst v63  }
0x312: {  	s12 =	simm.s32 $0xED80  }
0x313: {  	[tilespmem:s12], [sflag:$0x4] =	stream.indirect_vreg.gather [hbm4b:s4+s3], $0x80, v3, vm0, $0xb8;
	[tilespmem:$0x1A580] =	vst v63  }
0x314: {  	v3 =	vld [tilespmem:$0x24D0];
	_ =	sdelay $0x4  }
0x315: {  	v53 =	vshll.u32 v3, $0x1  }
0x316: {  	v3 =	vand.u32 $0x7, v3;
	v4 =	vand.u32 $0xFFFFFFF0, v53  }
0x317: {  	v3 =	vor.u32 v3, v4  }
0x318: {  	v4 =	vperm.xlane v3, v0;
	_ =	sdelay $0x1  }
0x319: {  	v3 =	vperm.xlane v3, v2;
	v4 =	vadd.s32 v1, v4;
	_ =	sdelay $0x1  }
0x31a: {  	v3 =	vadd.s32 v1, v3;
	_ =	sdelay $0x1  }
0x31b: {  	s13 =	simm.s32 $0xF580  }
0x31c: {  	[tilespmem:s13], [sflag:$0x4] =	stream.indirect_vreg.gather [hbm4b:s4+s3], $0x80, v4, vm0, $0xb8;
	[tilespmem:$0x1A580] =	vst v63  }
0x31d: {  	s14 =	simm.s32 $0xFD80  }
0x31e: {  	[tilespmem:s14], [sflag:$0x4] =	stream.indirect_vreg.gather [hbm4b:s4+s3], $0x80, v3, vm0, $0xb8;
	[tilespmem:$0x1A580] =	vst v63  }
0x31f: {  	v3 =	vld [tilespmem:$0x24E0];
	_ =	sdelay $0x4  }
0x320: {  	v54 =	vshll.u32 v3, $0x1  }
0x321: {  	v3 =	vand.u32 $0x7, v3;
	v4 =	vand.u32 $0xFFFFFFF0, v54  }
0x322: {  	v3 =	vor.u32 v3, v4  }
0x323: {  	v4 =	vperm.xlane v3, v0;
	_ =	sdelay $0x1  }
0x324: {  	v3 =	vperm.xlane v3, v2;
	v4 =	vadd.s32 v1, v4;
	_ =	sdelay $0x1  }
0x325: {  	v3 =	vadd.s32 v1, v3;
	_ =	sdelay $0x1  }
0x326: {  	s15 =	simm.s32 $0x10580  }
0x327: {  	[tilespmem:s15], [sflag:$0x4] =	stream.indirect_vreg.gather [hbm4b:s4+s3], $0x80, v4, vm0, $0xb8;
	[tilespmem:$0x1A580] =	vst v63  }
0x328: {  	s16 =	simm.s32 $0x10D80  }
0x329: {  	[tilespmem:s16], [sflag:$0x4] =	stream.indirect_vreg.gather [hbm4b:s4+s3], $0x80, v3, vm0, $0xb8;
	[tilespmem:$0x1A580] =	vst v63  }
0x32a: {  	v3 =	vld [tilespmem:$0x24F0];
	_ =	sdelay $0x4  }
0x32b: {  	v55 =	vshll.u32 v3, $0x1  }
0x32c: {  	v3 =	vand.u32 $0x7, v3;
	v4 =	vand.u32 $0xFFFFFFF0, v55  }
0x32d: {  	v3 =	vor.u32 v3, v4  }
0x32e: {  	v4 =	vperm.xlane v3, v0;
	_ =	sdelay $0x1  }
0x32f: {  	v3 =	vperm.xlane v3, v2;
	v4 =	vadd.s32 v1, v4;
	_ =	sdelay $0x1  }
0x330: {  	v3 =	vadd.s32 v1, v3;
	_ =	sdelay $0x1  }
0x331: {  	s19 =	simm.s32 $0x11580  }
0x332: {  	[tilespmem:s19], [sflag:$0x4] =	stream.indirect_vreg.gather [hbm4b:s4+s3], $0x80, v4, vm0, $0xb8;
	[tilespmem:$0x1A580] =	vst v63  }
0x333: {  	s21 =	simm.s32 $0x11D80  }
0x334: {  	[tilespmem:s21], [sflag:$0x4] =	stream.indirect_vreg.gather [hbm4b:s4+s3], $0x80, v3, vm0, $0xb8;
	[tilespmem:$0x1A580] =	vst v63  }
0x335: {  	_ =	swait.ge [sflag:s26], $0x4000  }
0x336: {  	[sflag:s26] =	ssyncset.done $0x0  }
0x337: {  	s6 =	rddreg [dreg:$0x10];
	[sflag:s26] =	ssyncadd.s32 $0xFFFFC000  }
0x338: {  	[hbm4b:s6+s3] =	stream.linear.scatter [tilespmem:s30], [sflag:$0x8], $0x4000, $0x38;
	[tilespmem:$0x1A580] =	vst v63  }
0x339: {  	_ =	swait.ge [sflag:s31], $0x4000  }
0x33a: {  	[sflag:s31] =	ssyncset.done $0x0  }
0x33b: {  	[sflag:s31] =	ssyncadd.s32 $0xFFFFC000  }
0x33c: {  	v3 =	vld [tilespmem:$0x2500];
	_ =	sdelay $0x4  }
0x33d: {  	v56 =	vshll.u32 v3, $0x1  }
0x33e: {  	v3 =	vand.u32 $0x7, v3;
	v4 =	vand.u32 $0xFFFFFFF0, v56  }
0x33f: {  	v3 =	vor.u32 v3, v4  }
0x340: {  	v4 =	vperm.xlane v3, v0;
	_ =	sdelay $0x1  }
0x341: {  	v3 =	vperm.xlane v3, v2;
	v4 =	vadd.s32 v1, v4;
	_ =	sdelay $0x1  }
0x342: {  	v3 =	vadd.s32 v1, v3;
	_ =	sdelay $0x1  }
0x343: {  	s6 =	simm.s32 $0x12580  }
0x344: {  	[tilespmem:s6], [sflag:$0x5] =	stream.indirect_vreg.gather [hbm4b:s4+s3], $0x80, v4, vm0, $0xb8;
	[tilespmem:$0x1A580] =	vst v63  }
0x345: {  	s7 =	simm.s32 $0x12D80  }
0x346: {  	[tilespmem:s7], [sflag:$0x5] =	stream.indirect_vreg.gather [hbm4b:s4+s3], $0x80, v3, vm0, $0xb8;
	[tilespmem:$0x1A580] =	vst v63  }
0x347: {  	v3 =	vld [tilespmem:$0x2510];
	_ =	sdelay $0x4  }
0x348: {  	v57 =	vshll.u32 v3, $0x1  }
0x349: {  	v3 =	vand.u32 $0x7, v3;
	v4 =	vand.u32 $0xFFFFFFF0, v57  }
0x34a: {  	v3 =	vor.u32 v3, v4  }
0x34b: {  	v4 =	vperm.xlane v3, v0;
	_ =	sdelay $0x1  }
0x34c: {  	v3 =	vperm.xlane v3, v2;
	v4 =	vadd.s32 v1, v4;
	_ =	sdelay $0x1  }
0x34d: {  	v3 =	vadd.s32 v1, v3;
	_ =	sdelay $0x1  }
0x34e: {  	s10 =	simm.s32 $0x13580  }
0x34f: {  	[tilespmem:s10], [sflag:$0x5] =	stream.indirect_vreg.gather [hbm4b:s4+s3], $0x80, v4, vm0, $0xb8;
	[tilespmem:$0x1A580] =	vst v63  }
0x350: {  	s11 =	simm.s32 $0x13D80  }
0x351: {  	[tilespmem:s11], [sflag:$0x5] =	stream.indirect_vreg.gather [hbm4b:s4+s3], $0x80, v3, vm0, $0xb8;
	[tilespmem:$0x1A580] =	vst v63  }
0x352: {  	v3 =	vld [tilespmem:$0x2520];
	_ =	sdelay $0x4  }
0x353: {  	v58 =	vshll.u32 v3, $0x1  }
0x354: {  	v3 =	vand.u32 $0x7, v3;
	v4 =	vand.u32 $0xFFFFFFF0, v58  }
0x355: {  	v3 =	vor.u32 v3, v4  }
0x356: {  	v4 =	vperm.xlane v3, v0;
	_ =	sdelay $0x1  }
0x357: {  	v3 =	vperm.xlane v3, v2;
	v4 =	vadd.s32 v1, v4;
	_ =	sdelay $0x1  }
0x358: {  	v3 =	vadd.s32 v1, v3;
	_ =	sdelay $0x1  }
0x359: {  	s12 =	simm.s32 $0x14580  }
0x35a: {  	[tilespmem:s12], [sflag:$0x5] =	stream.indirect_vreg.gather [hbm4b:s4+s3], $0x80, v4, vm0, $0xb8;
	[tilespmem:$0x1A580] =	vst v63  }
0x35b: {  	s13 =	simm.s32 $0x14D80  }
0x35c: {  	[tilespmem:s13], [sflag:$0x5] =	stream.indirect_vreg.gather [hbm4b:s4+s3], $0x80, v3, vm0, $0xb8;
	[tilespmem:$0x1A580] =	vst v63  }
0x35d: {  	v3 =	vld [tilespmem:$0x2530];
	_ =	sdelay $0x4  }
0x35e: {  	v59 =	vshll.u32 v3, $0x1  }
0x35f: {  	v3 =	vand.u32 $0x7, v3;
	v4 =	vand.u32 $0xFFFFFFF0, v59  }
0x360: {  	v3 =	vor.u32 v3, v4  }
0x361: {  	v4 =	vperm.xlane v3, v0;
	_ =	sdelay $0x1  }
0x362: {  	v3 =	vperm.xlane v3, v2;
	v4 =	vadd.s32 v1, v4;
	_ =	sdelay $0x1  }
0x363: {  	v3 =	vadd.s32 v1, v3;
	_ =	sdelay $0x1  }
0x364: {  	s14 =	simm.s32 $0x15580  }
0x365: {  	[tilespmem:s14], [sflag:$0x5] =	stream.indirect_vreg.gather [hbm4b:s4+s3], $0x80, v4, vm0, $0xb8;
	[tilespmem:$0x1A580] =	vst v63  }
0x366: {  	s15 =	simm.s32 $0x15D80  }
0x367: {  	[tilespmem:s15], [sflag:$0x5] =	stream.indirect_vreg.gather [hbm4b:s4+s3], $0x80, v3, vm0, $0xb8;
	[tilespmem:$0x1A580] =	vst v63  }
0x368: {  	_ =	swait.ge [sflag:s9], $0x4000  }
0x369: {  	[sflag:s9] =	ssyncset.done $0x0  }
0x36a: {  	s16 =	rddreg [dreg:$0x11];
	[sflag:s9] =	ssyncadd.s32 $0xFFFFC000  }
0x36b: {  	[hbm4b:s16+s3] =	stream.linear.scatter [tilespmem:s8], [sflag:$0x9], $0x4000, $0x38;
	[tilespmem:$0x1A580] =	vst v63  }
0x36c: {  	_ =	swait.ge [sflag:s0], $0x4000  }
0x36d: {  	[sflag:s0] =	ssyncset.done $0x0  }
0x36e: {  	[sflag:s0] =	ssyncadd.s32 $0xFFFFC000  }
0x36f: {  	v3 =	vld [tilespmem:$0x2540];
	_ =	sdelay $0x4  }
0x370: {  	v60 =	vshll.u32 v3, $0x1  }
0x371: {  	v3 =	vand.u32 $0x7, v3;
	v4 =	vand.u32 $0xFFFFFFF0, v60  }
0x372: {  	v3 =	vor.u32 v3, v4  }
0x373: {  	v4 =	vperm.xlane v3, v0;
	_ =	sdelay $0x1  }
0x374: {  	v3 =	vperm.xlane v3, v2;
	v4 =	vadd.s32 v1, v4;
	_ =	sdelay $0x1  }
0x375: {  	v3 =	vadd.s32 v1, v3;
	_ =	sdelay $0x1  }
0x376: {  	s7 =	simm.s32 $0x16580  }
0x377: {  	[tilespmem:s7], [sflag:$0x6] =	stream.indirect_vreg.gather [hbm4b:s4+s3], $0x80, v4, vm0, $0xb8;
	[tilespmem:$0x1A580] =	vst v63  }
0x378: {  	s19 =	simm.s32 $0x16D80  }
0x379: {  	[tilespmem:s19], [sflag:$0x6] =	stream.indirect_vreg.gather [hbm4b:s4+s3], $0x80, v3, vm0, $0xb8;
	[tilespmem:$0x1A580] =	vst v63  }
0x37a: {  	v3 =	vld [tilespmem:$0x2550];
	_ =	sdelay $0x4  }
0x37b: {  	v61 =	vshll.u32 v3, $0x1  }
0x37c: {  	v3 =	vand.u32 $0x7, v3;
	v4 =	vand.u32 $0xFFFFFFF0, v61  }
0x37d: {  	v3 =	vor.u32 v3, v4  }
0x37e: {  	v4 =	vperm.xlane v3, v0;
	_ =	sdelay $0x1  }
0x37f: {  	v3 =	vperm.xlane v3, v2;
	v4 =	vadd.s32 v1, v4;
	_ =	sdelay $0x1  }
0x380: {  	v3 =	vadd.s32 v1, v3;
	_ =	sdelay $0x1  }
0x381: {  	s21 =	simm.s32 $0x17580  }
0x382: {  	[tilespmem:s21], [sflag:$0x6] =	stream.indirect_vreg.gather [hbm4b:s4+s3], $0x80, v4, vm0, $0xb8;
	[tilespmem:$0x1A580] =	vst v63  }
0x383: {  	s8 =	simm.s32 $0x17D80  }
0x384: {  	[tilespmem:s8], [sflag:$0x6] =	stream.indirect_vreg.gather [hbm4b:s4+s3], $0x80, v3, vm0, $0xb8;
	[tilespmem:$0x1A580] =	vst v63  }
0x385: {  	v3 =	vld [tilespmem:$0x2560];
	_ =	sdelay $0x4  }
0x386: {  	v62 =	vshll.u32 v3, $0x1  }
0x387: {  	v3 =	vand.u32 $0x7, v3;
	v4 =	vand.u32 $0xFFFFFFF0, v62  }
0x388: {  	v3 =	vor.u32 v3, v4  }
0x389: {  	v4 =	vperm.xlane v3, v0;
	_ =	sdelay $0x1  }
0x38a: {  	v3 =	vperm.xlane v3, v2;
	v4 =	vadd.s32 v1, v4;
	_ =	sdelay $0x1  }
0x38b: {  	v3 =	vadd.s32 v1, v3;
	_ =	sdelay $0x1  }
0x38c: {  	s10 =	simm.s32 $0x18580  }
0x38d: {  	[tilespmem:s10], [sflag:$0x6] =	stream.indirect_vreg.gather [hbm4b:s4+s3], $0x80, v4, vm0, $0xb8;
	[tilespmem:$0x1A580] =	vst v63  }
0x38e: {  	s11 =	simm.s32 $0x18D80  }
0x38f: {  	[tilespmem:s11], [sflag:$0x6] =	stream.indirect_vreg.gather [hbm4b:s4+s3], $0x80, v3, vm0, $0xb8;
	[tilespmem:$0x1A580] =	vst v63  }
0x390: {  	v3 =	vld [tilespmem:$0x2570];
	_ =	sdelay $0x4  }
0x391: {  	v63 =	vshll.u32 v3, $0x1  }
0x392: {  	v3 =	vand.u32 $0x7, v3;
	v4 =	vand.u32 $0xFFFFFFF0, v63  }
0x393: {  	v3 =	vor.u32 v3, v4  }
0x394: {  	v4 =	vperm.xlane v3, v0;
	_ =	sdelay $0x1  }
0x395: {  	v3 =	vperm.xlane v3, v2;
	v4 =	vadd.s32 v1, v4;
	_ =	sdelay $0x1  }
0x396: {  	v3 =	vadd.s32 v1, v3;
	_ =	sdelay $0x1  }
0x397: {  	s12 =	simm.s32 $0x19580  }
0x398: {  	[tilespmem:s12], [sflag:$0x6] =	stream.indirect_vreg.gather [hbm4b:s4+s3], $0x80, v4, vm0, $0xb8;
	[tilespmem:$0x1A580] =	vst v63  }
0x399: {  	s13 =	simm.s32 $0x19D80  }
0x39a: {  	[tilespmem:s13], [sflag:$0x6] =	stream.indirect_vreg.gather [hbm4b:s4+s3], $0x80, v3, vm0, $0xb8;
	[tilespmem:$0x1A580] =	vst v63  }
0x39b: {  	_ =	swait.ge [sflag:s20], $0x4000  }
0x39c: {  	[sflag:s20] =	ssyncset.done $0x0  }
0x39d: {  	s14 =	rddreg [dreg:$0x12];
	[sflag:s20] =	ssyncadd.s32 $0xFFFFC000  }
0x39e: {  	[hbm4b:s14+s3] =	stream.linear.scatter [tilespmem:s5], [sflag:$0xA], $0x4000, $0x38;
	[tilespmem:$0x1A580] =	vst v63  }
0x39f: {  	_ =	swait.ge [sflag:s22], $0x4000  }
0x3a0: {  	[sflag:s22] =	ssyncset.done $0x0  }
0x3a1: {  	s15 =	rddreg [dreg:$0x13];
	[sflag:s22] =	ssyncadd.s32 $0xFFFFC000  }
0x3a2: {  	[hbm4b:s15+s3] =	stream.linear.scatter [tilespmem:s6], [sflag:$0xB], $0x4000, $0x38;
	[tilespmem:$0x1A580] =	vst v63  }
0x3a3: {  	_ =	swait.ge [sflag:s24], $0x4000  }
0x3a4: {  	[sflag:s24] =	ssyncset.done $0x0  }
0x3a5: {  	s16 =	rddreg [dreg:$0x14];
	[sflag:s24] =	ssyncadd.s32 $0xFFFFC000  }
0x3a6: {  	[hbm4b:s16+s3] =	stream.linear.scatter [tilespmem:s7], [sflag:$0xC], $0x4000, $0x38;
	[tilespmem:$0x1A580] =	vst v63  }
0x3a7: {  	_ =	swait.ge [sflag:s2], $0x4000  }
0x3a8: {  	[sflag:s2] =	ssyncset.done $0x0  }
0x3a9: {  	[sflag:s2] =	ssyncadd.s32 $0xFFFFC000  }
0x3aa: {  	_ =	swait.ge [sflag:s23], $0x4000  }
0x3ab: {  	[sflag:s23] =	ssyncset.done $0x0  }
0x3ac: {  	[sflag:s23] =	ssyncadd.s32 $0xFFFFC000  }
0x3ad: {  	_ =	swait.ge [sflag:s25], $0x4000  }
0x3ae: {  	[sflag:s25] =	ssyncset.done $0x0  }
0x3af: {  	[sflag:s25] =	ssyncadd.s32 $0xFFFFC000  }
0x3b0: {  	_ =	swait.ge [sflag:s29], $0x4000  }
0x3b1: {  	[sflag:s29] =	ssyncset.done $0x0  }
0x3b2: {  	[sflag:s29] =	ssyncadd.s32 $0xFFFFC000  }
0x3b3: {  	_ =	swait.ge [sflag:s31], $0x4000  }
0x3b4: {  	[sflag:s31] =	ssyncset.done $0x0  }
0x3b5: {  	[sflag:s31] =	ssyncadd.s32 $0xFFFFC000  }
0x3b6: {  	_ =	swait.ge [sflag:s0], $0x4000  }
0x3b7: {  	s19 =	rddreg [dreg:$0x17]  }
0x3b8: {  	s21 =	rddreg [dreg:$0x15];
	s10 =	sadd.s32 $0x1, s19  }
0x3b9: {  	s28 =	simm.s32 $0x9580;
	p0 =	sne.s32 s10, s21  }
.Ltmp1:
0x3ba: {  	s30 =	simm.s32 $0x9D80;
	s8 =	simm.s32 $0x3D80;
	(pc) =	sbr.rel @p0 .LBB2_1-.Ltmp1, $4  }
0x3bb: {  	s11 =	simm.s32 $0x8580;
	s12 =	simm.s32 $0x4580;
	s13 =	simm.s32 $0x5580  }
0x3bc: {  	s5 =	simm.s32 $0x2D80;
	s14 =	simm.s32 $0x5D80;
	s6 =	simm.s32 $0x4D80  }
0x3bd: {  	s7 =	simm.s32 $0x3580;
	s16 =	simm.s32 $0x7580;
	[sflag:s0] =	ssyncset.done $0x0  }
0x3be: {  	[sflag:s0] =	ssyncadd.s32 $0xFFFFC000;
	s19 =	simm.s32 $0x7D80;
	s21 =	simm.s32 $0x8D80  }
0x3bf: {  	_ =	sfence.sel $0x180000  }
0x3c0: {  	[bflag:$0x0] =	sbarrier.arrive $0xFFFF  }
0x3c1: {  	_ =	strace $0x90000047  }
0x3c2: {  	s0 =	stileid.u32;
	[bflag:$0x2] =	sbarrier.arrive $0xFFFF  }
0x3c3: {  	p0 =	sne.s32 s0, $0x0;
	s0 =	rddreg [dreg:$0x2]  }
0x3c4: {  	s0 =	sadd.s32 @!p0 $0x100000, s0  }
0x3c5: {  	[sflag:s0] =	ssyncadd.tile.s32 @!p0 $0x1;
	_ =	shalt  }
.Lfunc_end2:
_tile_overlayer_lowered:
.L_overlay_start_2:
0x3c6: {  	(tag) =	ssettag $0x2  }
0x3c7: {  	s0 =	rddreg [dreg:$0x0];
	s2 =	stileid.u32  }
0x3c8: {  	s1 =	rddreg [dreg:$0x1];
	p0 =	sne.s32 s2, $0x0  }
0x3c9: {  	s3 =	rddreg [dreg:$0x2];
	[bflag:$0x3] =	sbarrier.arrive $0xFFFF;
	s2 =	simm.s32 @!p0 $0x1C0D  }
0x3ca: {  	[timem:s3], [sflag:s2] =	dma.local @!p0 [hbm:s0], s1  }
0x3cb: {  	s0 =	simm.s32 @!p0 $0xD  }
0x3cc: {  	_ =	swait.ge @!p0 [sflag:s0], s1  }
0x3cd: {  	s1 =	ssub.s32 @!p0 $0x0, s1;
	[sflag:s0] =	ssyncset.done @!p0 $0x0  }
0x3ce: {  	[sflag:s0] =	ssyncadd.s32 @!p0 s1  }
0x3cf: {  	[bflag:$0x3] =	sbarrier.arrive $0xFFFF  }
0x3d0: {  	_ =	shalt  }

</sc_bundles>
